<compile_context>
chip_gen: v7x
topology: tpu7x:2x2x1
jax: 0.10.2.dev20260603
libtpu: 0.0.44.dev20260713+nightly
codegen_flags: <defaults>
</compile_context>

<pallas_src>
import jax
import jax.numpy as jnp
from jax import lax
from jax.experimental import pallas as pl
from jax.experimental.pallas import tpu as pltpu
from jax.experimental.pallas import tpu_sc as plsc

N = 10000
D = 128
NUM_GRAPHS = 64
NUM_ELEMENTS = 100
NUM_KEYS = NUM_GRAPHS * NUM_ELEMENTS
HALF_KEYS = NUM_KEYS // 2
NUM_TILES = 16
CHUNK = 128
MAX_TILE_CHUNKS = 5
ZB_ROWS = MAX_TILE_CHUNKS * CHUNK
ACC_ROWS = 3328
ZERO_ROWS = ACC_ROWS // NUM_TILES
ZBLOCK = 16
OUT_ROWS_PER_TILE = HALF_KEYS // NUM_TILES


def _sc_body(out_hbm, z_hbm, b_hbm, split_hbm, o_hbm,
             rb0, rb1, zbuf, bbuf, keybuf, splitbuf, zstage, acc,
             sem0, sem1, semzb):
    c = lax.axis_index("c")
    s = lax.axis_index("s")

    pltpu.sync_copy(split_hbm, splitbuf)
    sv = splitbuf[...]
    split = sv[0]
    for _i in range(1, 16):
        split = split + sv[_i]
    split8 = (split // 8) * 8
    is0 = c == 0
    cnt = jnp.where(is0, split, N - split8)
    base = jnp.where(is0, 0, split8)
    row_lo = jnp.where(is0, 0, split)
    row_hi = jnp.where(is0, split, N)
    m = (cnt + CHUNK - 1) // CHUNK
    cs = (m * s) // NUM_TILES
    ce = (m * (s + 1)) // NUM_TILES
    nch = ce - cs
    trash = HALF_KEYS + s
    key_base = c * HALF_KEYS
    zb_base = jnp.minimum(base + cs * CHUNK, N - ZB_ROWS)

    def _load_addr(k):
        return jnp.minimum(base + (cs + k) * CHUNK, N - CHUNK)

    def _start(k, rb, sem):
        pltpu.async_copy(out_hbm.at[pl.ds(_load_addr(k), CHUNK)], rb, sem)

    def _wait(rb, sem):
        pltpu.make_async_copy(out_hbm.at[pl.ds(0, CHUNK)], rb, sem).wait()

    def _process(k, rb):
        start_l = base + (cs + k) * CHUNK
        a = _load_addr(k)
        off = a - zb_base
        win_lo = jnp.maximum(start_l, row_lo)
        win_hi = jnp.minimum(start_l + CHUNK, row_hi)
        for j in range(CHUNK // 16):
            zv = zbuf[pl.ds(off + j * 16, 16)]
            bv = bbuf[pl.ds(off + j * 16, 16)]
            grow = a + j * 16 + lax.iota(jnp.int32, 16)
            key = bv * NUM_ELEMENTS + zv - 1 - key_base
            valid = ((grow >= win_lo) & (grow < win_hi)
                     & (key >= 0) & (key < HALF_KEYS))
            keybuf[pl.ds(j * 16, 16)] = jnp.where(valid, key, trash)
        pltpu.sync_copy(rb, acc.at[keybuf], add=True)

    _start(0, rb0, sem0)
    dz = pltpu.async_copy(z_hbm.at[pl.ds(zb_base, ZB_ROWS)], zbuf, semzb)
    db = pltpu.async_copy(b_hbm.at[pl.ds(zb_base, ZB_ROWS)], bbuf, semzb)
    for r in range(ZBLOCK):
        for j in range(D // 16):
            zstage[r, pl.ds(j * 16, 16)] = jnp.zeros((16,), jnp.float32)
    zbase = s * ZERO_ROWS
    for r in range(ZERO_ROWS // ZBLOCK):
        pltpu.sync_copy(zstage, acc.at[pl.ds(zbase + r * ZBLOCK, ZBLOCK)])
    plsc.subcore_barrier()
    dz.wait()
    db.wait()

    def _pair(i, carry):
        k0 = 2 * i
        _wait(rb0, sem0)
        _start(k0 + 1, rb1, sem1)

        @pl.when(k0 < nch)
        def _():
            _process(k0, rb0)

        _wait(rb1, sem1)
        _start(k0 + 2, rb0, sem0)

        @pl.when(k0 + 1 < nch)
        def _():
            _process(k0 + 1, rb1)

        return carry

    lax.fori_loop(0, (nch + 1) // 2, _pair, 0)
    _wait(rb0, sem0)
    plsc.subcore_barrier()

    obase = s * OUT_ROWS_PER_TILE
    pltpu.sync_copy(acc.at[pl.ds(obase, OUT_ROWS_PER_TILE)],
                    o_hbm.at[pl.ds(c * HALF_KEYS + obase, OUT_ROWS_PER_TILE)])


@jax.jit
def _pool_call(out, z32, b32):
    splits = jnp.sum((b32 < NUM_GRAPHS // 2).astype(jnp.int32).reshape(-1, 16),
                     axis=0, dtype=jnp.int32)
    mesh = plsc.VectorSubcoreMesh(core_axis_name="c", subcore_axis_name="s")
    return pl.kernel(
        _sc_body,
        out_type=jax.ShapeDtypeStruct((NUM_KEYS, D), jnp.float32),
        mesh=mesh,
        scratch_types=[
            pltpu.VMEM((CHUNK, D), jnp.float32),
            pltpu.VMEM((CHUNK, D), jnp.float32),
            pltpu.VMEM((ZB_ROWS,), jnp.int32),
            pltpu.VMEM((ZB_ROWS,), jnp.int32),
            pltpu.VMEM((CHUNK,), jnp.int32),
            pltpu.VMEM((16,), jnp.int32),
            pltpu.VMEM((ZBLOCK, D), jnp.float32),
            pltpu.VMEM_SHARED((ACC_ROWS, D), jnp.float32),
            pltpu.SemaphoreType.DMA,
            pltpu.SemaphoreType.DMA,
            pltpu.SemaphoreType.DMA,
        ],
    )(out, z32, b32, splits)


def kernel(out, z, batch):
    pooled = _pool_call(out, z.astype(jnp.int32), batch.astype(jnp.int32))
    return pooled.reshape(NUM_GRAPHS, NUM_ELEMENTS * D)

# --- scband reference (transcript-rebuilt; emitter-appended) ---
"""Pipeline reference for scband-atomic-number-pooling-12945031430717 (READ-ONLY COPY).

The authoritative reference and input builder live on the scoring server;
editing this copy changes nothing except your own understanding.
"""

import jax, jax.numpy as jnp
import numpy as np

N = 10000
D = 128
NUM_GRAPHS = 64
NUM_ELEMENTS = 100

def setup_inputs(seed: int = 0) -> dict:
    key = jax.random.key(seed)
    k1, k2, k3 = jax.random.split(key, 3)
    out = jax.random.normal(k1, (N, D), dtype=jnp.float32)
    # atomic numbers are 1..100 (module uses z-1 as the slot index)
    z = jax.random.randint(k2, (N,), 0, NUM_ELEMENTS, dtype=jnp.int64) + 1
    batch = jnp.sort(jax.random.randint(k3, (N,), 0, NUM_GRAPHS, dtype=jnp.int64))
    return {"out": out, "z": z, "batch": batch}

def reference(out, z, batch):
    n, d = out.shape
    # elem_pool = zeros([N, d*100]); scatter_(dim=1, index=indices, src=out)
    # indices[i, j] = j + (z[i]-1)*d
    cols = jnp.arange(d, dtype=jnp.int64)[None, :] + ((z - 1) * d)[:, None]  # [N, d]
    rows = jnp.arange(n, dtype=jnp.int64)[:, None]  # [N, 1], broadcasts to [N, d]
    elem_pool = jnp.zeros((n, d * NUM_ELEMENTS), dtype=out.dtype).at[rows, cols].set(out)
    # global_add_pool(elem_pool, batch) -> per-graph sum
    pooled = jax.ops.segment_sum(elem_pool, batch, num_segments=NUM_GRAPHS)
    return pooled

if __name__ == "__main__":
    import jax
    _d = setup_inputs()
    print(jax.jit(kernel)(*tuple(_d.values())))

</pallas_src>

<mosaic_0001>
#map = affine_map<(d0, d1) -> (0, 0)>
#map1 = affine_map<(d0, d1) -> (0)>
module attributes {stable_mosaic.version = 14 : i64} {
  func.func @_sc_body(%arg0: i32, %arg1: i32, %arg2: memref<10000x128xf32, #tpu.memory_space<hbm>>, %arg3: memref<10000xi32, #tpu.memory_space<hbm>>, %arg4: memref<10000xi32, #tpu.memory_space<hbm>>, %arg5: memref<16xi32, #tpu.memory_space<hbm>>, %arg6: memref<6400x128xf32, #tpu.memory_space<hbm>>, %arg7: memref<128x128xf32, #tpu.memory_space<vmem>>, %arg8: memref<128x128xf32, #tpu.memory_space<vmem>>, %arg9: memref<640xi32, #tpu.memory_space<vmem>>, %arg10: memref<640xi32, #tpu.memory_space<vmem>>, %arg11: memref<128xi32, #tpu.memory_space<vmem>>, %arg12: memref<16xi32, #tpu.memory_space<vmem>>, %arg13: memref<16x128xf32, #tpu.memory_space<vmem>>, %arg14: memref<3328x128xf32, #tpu.memory_space<vmem_shared>>, %arg15: memref<!tpu.dma_semaphore, #tpu.memory_space<semaphore_mem>>, %arg16: memref<!tpu.dma_semaphore, #tpu.memory_space<semaphore_mem>>, %arg17: memref<!tpu.dma_semaphore, #tpu.memory_space<semaphore_mem>>) attributes {dimension_semantics = [#tpu.dimension_semantics<core_parallel>, #tpu.dimension_semantics<subcore_parallel>], iteration_bounds = array<i64: 2, 16>, scalar_prefetch = 0 : i64, scratch_operands = 11 : i64, tpu.core_type = #tpu.core_type<sc_vector_subcore>, window_params = [{transform_indices = #map}, {transform_indices = #map1}, {transform_indices = #map1}, {transform_indices = #map1}, {transform_indices = #map}]} {
    "tpu.region"() ({
      %run_scoped3A = tpu.sem_alloc : memref<!tpu.dma_semaphore, #tpu.memory_space<semaphore_mem>>
      tpu.enqueue_dma source(%arg5 : memref<16xi32, #tpu.memory_space<hbm>>) target(%arg12 : memref<16xi32, #tpu.memory_space<vmem>>) target_semaphore(%run_scoped3A : memref<!tpu.dma_semaphore, #tpu.memory_space<semaphore_mem>>)
      tpu.wait_dma2 semaphore(%run_scoped3A : memref<!tpu.dma_semaphore, #tpu.memory_space<semaphore_mem>>) src(%arg5 : memref<16xi32, #tpu.memory_space<hbm>>) dst(%arg12 : memref<16xi32, #tpu.memory_space<vmem>>)
      tpu.yield
    }) : () -> ()
    %get3A = arith.constant 0 : index
    %get3A_0 = tpu.vector_load %arg12[%get3A] {strides = array<i32>} : memref<16xi32, #tpu.memory_space<vmem>>, vector<16xi32>,
    %get3A_1 = vector.shape_cast %get3A_0 : vector<16xi32> to vector<16xi32>
    %slice3A = vector.extract_strided_slice %get3A_1 {offsets = [0], sizes = [1], strides = [1]} : vector<16xi32> to vector<1xi32>
    %squeeze3A = vector.extract %slice3A[0] : i32 from vector<1xi32>
    %slice3A_2 = vector.extract_strided_slice %get3A_1 {offsets = [1], sizes = [1], strides = [1]} : vector<16xi32> to vector<1xi32>
    %squeeze3A_3 = vector.extract %slice3A_2[0] : i32 from vector<1xi32>
    %add3A = arith.addi %squeeze3A, %squeeze3A_3 : i32
    %slice3A_4 = vector.extract_strided_slice %get3A_1 {offsets = [2], sizes = [1], strides = [1]} : vector<16xi32> to vector<1xi32>
    %squeeze3A_5 = vector.extract %slice3A_4[0] : i32 from vector<1xi32>
    %add3A_6 = arith.addi %add3A, %squeeze3A_5 : i32
    %slice3A_7 = vector.extract_strided_slice %get3A_1 {offsets = [3], sizes = [1], strides = [1]} : vector<16xi32> to vector<1xi32>
    %squeeze3A_8 = vector.extract %slice3A_7[0] : i32 from vector<1xi32>
    %add3A_9 = arith.addi %add3A_6, %squeeze3A_8 : i32
    %slice3A_10 = vector.extract_strided_slice %get3A_1 {offsets = [4], sizes = [1], strides = [1]} : vector<16xi32> to vector<1xi32>
    %squeeze3A_11 = vector.extract %slice3A_10[0] : i32 from vector<1xi32>
    %add3A_12 = arith.addi %add3A_9, %squeeze3A_11 : i32
    %slice3A_13 = vector.extract_strided_slice %get3A_1 {offsets = [5], sizes = [1], strides = [1]} : vector<16xi32> to vector<1xi32>
    %squeeze3A_14 = vector.extract %slice3A_13[0] : i32 from vector<1xi32>
    %add3A_15 = arith.addi %add3A_12, %squeeze3A_14 : i32
    %slice3A_16 = vector.extract_strided_slice %get3A_1 {offsets = [6], sizes = [1], strides = [1]} : vector<16xi32> to vector<1xi32>
    %squeeze3A_17 = vector.extract %slice3A_16[0] : i32 from vector<1xi32>
    %add3A_18 = arith.addi %add3A_15, %squeeze3A_17 : i32
    %slice3A_19 = vector.extract_strided_slice %get3A_1 {offsets = [7], sizes = [1], strides = [1]} : vector<16xi32> to vector<1xi32>
    %squeeze3A_20 = vector.extract %slice3A_19[0] : i32 from vector<1xi32>
    %add3A_21 = arith.addi %add3A_18, %squeeze3A_20 : i32
    %slice3A_22 = vector.extract_strided_slice %get3A_1 {offsets = [8], sizes = [1], strides = [1]} : vector<16xi32> to vector<1xi32>
    %squeeze3A_23 = vector.extract %slice3A_22[0] : i32 from vector<1xi32>
    %add3A_24 = arith.addi %add3A_21, %squeeze3A_23 : i32
    %slice3A_25 = vector.extract_strided_slice %get3A_1 {offsets = [9], sizes = [1], strides = [1]} : vector<16xi32> to vector<1xi32>
    %squeeze3A_26 = vector.extract %slice3A_25[0] : i32 from vector<1xi32>
    %add3A_27 = arith.addi %add3A_24, %squeeze3A_26 : i32
    %slice3A_28 = vector.extract_strided_slice %get3A_1 {offsets = [10], sizes = [1], strides = [1]} : vector<16xi32> to vector<1xi32>
    %squeeze3A_29 = vector.extract %slice3A_28[0] : i32 from vector<1xi32>
    %add3A_30 = arith.addi %add3A_27, %squeeze3A_29 : i32
    %slice3A_31 = vector.extract_strided_slice %get3A_1 {offsets = [11], sizes = [1], strides = [1]} : vector<16xi32> to vector<1xi32>
    %squeeze3A_32 = vector.extract %slice3A_31[0] : i32 from vector<1xi32>
    %add3A_33 = arith.addi %add3A_30, %squeeze3A_32 : i32
    %slice3A_34 = vector.extract_strided_slice %get3A_1 {offsets = [12], sizes = [1], strides = [1]} : vector<16xi32> to vector<1xi32>
    %squeeze3A_35 = vector.extract %slice3A_34[0] : i32 from vector<1xi32>
    %add3A_36 = arith.addi %add3A_33, %squeeze3A_35 : i32
    %slice3A_37 = vector.extract_strided_slice %get3A_1 {offsets = [13], sizes = [1], strides = [1]} : vector<16xi32> to vector<1xi32>
    %squeeze3A_38 = vector.extract %slice3A_37[0] : i32 from vector<1xi32>
    %add3A_39 = arith.addi %add3A_36, %squeeze3A_38 : i32
    %slice3A_40 = vector.extract_strided_slice %get3A_1 {offsets = [14], sizes = [1], strides = [1]} : vector<16xi32> to vector<1xi32>
    %squeeze3A_41 = vector.extract %slice3A_40[0] : i32 from vector<1xi32>
    %add3A_42 = arith.addi %add3A_39, %squeeze3A_41 : i32
    %slice3A_43 = vector.extract_strided_slice %get3A_1 {offsets = [15], sizes = [1], strides = [1]} : vector<16xi32> to vector<1xi32>
    %squeeze3A_44 = vector.extract %slice3A_43[0] : i32 from vector<1xi32>
    %add3A_45 = arith.addi %add3A_42, %squeeze3A_44 : i32
    %jit3A = arith.constant 8 : i32
    %div3A = arith.divsi %add3A_45, %jit3A : i32
    %sign3A = arith.constant 0 : i32
    %sign3A_46 = arith.cmpi sgt, %add3A_45, %sign3A : i32
    %sign3A_47 = arith.extui %sign3A_46 : i1 to i32
    %sign3A_48 = arith.constant 0 : i32
    %sign3A_49 = arith.cmpi slt, %add3A_45, %sign3A_48 : i32
    %sign3A_50 = arith.extui %sign3A_49 : i1 to i32
    %sign3A_51 = arith.subi %sign3A_47, %sign3A_50 : i32
    %sign3A_52 = arith.constant 0 : i32
    %sign3A_53 = arith.cmpi sgt, %jit3A, %sign3A_52 : i32
    %sign3A_54 = arith.extui %sign3A_53 : i1 to i32
    %sign3A_55 = arith.constant 0 : i32
    %sign3A_56 = arith.cmpi slt, %jit3A, %sign3A_55 : i32
    %sign3A_57 = arith.extui %sign3A_56 : i1 to i32
    %sign3A_58 = arith.subi %sign3A_54, %sign3A_57 : i32
    %ne3A = arith.cmpi ne, %sign3A_51, %sign3A_58 : i32
    %rem3A = arith.remsi %add3A_45, %jit3A : i32
    %ne3A_59 = arith.constant 0 : i32
    %ne3A_60 = arith.cmpi ne, %rem3A, %ne3A_59 : i32
    %and3A = arith.andi %ne3A, %ne3A_60 : i1
    %sub3A = arith.constant 1 : i32
    %sub3A_61 = arith.subi %div3A, %sub3A : i32
    %select_n3A = arith.select %and3A, %sub3A_61, %div3A : i32
    %mul3A = arith.constant 8 : i32
    %mul3A_62 = arith.muli %select_n3A, %mul3A : i32
    %eq3A = arith.constant 0 : i32
    %eq3A_63 = arith.cmpi eq, %arg0, %eq3A : i32
    %sub3A_64 = arith.constant 10000 : i32
    %sub3A_65 = arith.subi %sub3A_64, %mul3A_62 : i32
    %select_n3A_66 = arith.select %eq3A_63, %add3A_45, %sub3A_65 : i32
    %jit3A_67 = arith.constant 0 : i32
    %select_n3A_68 = arith.select %eq3A_63, %jit3A_67, %mul3A_62 : i32
    %jit3A_69 = arith.constant 0 : i32
    %select_n3A_70 = arith.select %eq3A_63, %jit3A_69, %add3A_45 : i32
    %jit3A_71 = arith.constant 10000 : i32
    %select_n3A_72 = arith.select %eq3A_63, %add3A_45, %jit3A_71 : i32
    %add3A_73 = arith.constant 128 : i32
    %add3A_74 = arith.addi %select_n3A_66, %add3A_73 : i32
    %sub3A_75 = arith.constant 1 : i32
    %sub3A_76 = arith.subi %add3A_74, %sub3A_75 : i32
    %jit3A_77 = arith.constant 128 : i32
    %div3A_78 = arith.divsi %sub3A_76, %jit3A_77 : i32
    %sign3A_79 = arith.constant 0 : i32
    %sign3A_80 = arith.cmpi sgt, %sub3A_76, %sign3A_79 : i32
    %sign3A_81 = arith.extui %sign3A_80 : i1 to i32
    %sign3A_82 = arith.constant 0 : i32
    %sign3A_83 = arith.cmpi slt, %sub3A_76, %sign3A_82 : i32
    %sign3A_84 = arith.extui %sign3A_83 : i1 to i32
    %sign3A_85 = arith.subi %sign3A_81, %sign3A_84 : i32
    %sign3A_86 = arith.constant 0 : i32
    %sign3A_87 = arith.cmpi sgt, %jit3A_77, %sign3A_86 : i32
    %sign3A_88 = arith.extui %sign3A_87 : i1 to i32
    %sign3A_89 = arith.constant 0 : i32
    %sign3A_90 = arith.cmpi slt, %jit3A_77, %sign3A_89 : i32
    %sign3A_91 = arith.extui %sign3A_90 : i1 to i32
    %sign3A_92 = arith.subi %sign3A_88, %sign3A_91 : i32
    %ne3A_93 = arith.cmpi ne, %sign3A_85, %sign3A_92 : i32
    %rem3A_94 = arith.remsi %sub3A_76, %jit3A_77 : i32
    %ne3A_95 = arith.constant 0 : i32
    %ne3A_96 = arith.cmpi ne, %rem3A_94, %ne3A_95 : i32
    %and3A_97 = arith.andi %ne3A_93, %ne3A_96 : i1
    %sub3A_98 = arith.constant 1 : i32
    %sub3A_99 = arith.subi %div3A_78, %sub3A_98 : i32
    %select_n3A_100 = arith.select %and3A_97, %sub3A_99, %div3A_78 : i32
    %mul3A_101 = arith.muli %select_n3A_100, %arg1 : i32
    %jit3A_102 = arith.constant 16 : i32
    %div3A_103 = arith.divsi %mul3A_101, %jit3A_102 : i32
    %sign3A_104 = arith.constant 0 : i32
    %sign3A_105 = arith.cmpi sgt, %mul3A_101, %sign3A_104 : i32
    %sign3A_106 = arith.extui %sign3A_105 : i1 to i32
    %sign3A_107 = arith.constant 0 : i32
    %sign3A_108 = arith.cmpi slt, %mul3A_101, %sign3A_107 : i32
    %sign3A_109 = arith.extui %sign3A_108 : i1 to i32
    %sign3A_110 = arith.subi %sign3A_106, %sign3A_109 : i32
    %sign3A_111 = arith.constant 0 : i32
    %sign3A_112 = arith.cmpi sgt, %jit3A_102, %sign3A_111 : i32
    %sign3A_113 = arith.extui %sign3A_112 : i1 to i32
    %sign3A_114 = arith.constant 0 : i32
    %sign3A_115 = arith.cmpi slt, %jit3A_102, %sign3A_114 : i32
    %sign3A_116 = arith.extui %sign3A_115 : i1 to i32
    %sign3A_117 = arith.subi %sign3A_113, %sign3A_116 : i32
    %ne3A_118 = arith.cmpi ne, %sign3A_110, %sign3A_117 : i32
    %rem3A_119 = arith.remsi %mul3A_101, %jit3A_102 : i32
    %ne3A_120 = arith.constant 0 : i32
    %ne3A_121 = arith.cmpi ne, %rem3A_119, %ne3A_120 : i32
    %and3A_122 = arith.andi %ne3A_118, %ne3A_121 : i1
    %sub3A_123 = arith.constant 1 : i32
    %sub3A_124 = arith.subi %div3A_103, %sub3A_123 : i32
    %select_n3A_125 = arith.select %and3A_122, %sub3A_124, %div3A_103 : i32
    %add3A_126 = arith.constant 1 : i32
    %add3A_127 = arith.addi %arg1, %add3A_126 : i32
    %mul3A_128 = arith.muli %select_n3A_100, %add3A_127 : i32
    %jit3A_129 = arith.constant 16 : i32
    %div3A_130 = arith.divsi %mul3A_128, %jit3A_129 : i32
    %sign3A_131 = arith.constant 0 : i32
    %sign3A_132 = arith.cmpi sgt, %mul3A_128, %sign3A_131 : i32
    %sign3A_133 = arith.extui %sign3A_132 : i1 to i32
    %sign3A_134 = arith.constant 0 : i32
    %sign3A_135 = arith.cmpi slt, %mul3A_128, %sign3A_134 : i32
    %sign3A_136 = arith.extui %sign3A_135 : i1 to i32
    %sign3A_137 = arith.subi %sign3A_133, %sign3A_136 : i32
    %sign3A_138 = arith.constant 0 : i32
    %sign3A_139 = arith.cmpi sgt, %jit3A_129, %sign3A_138 : i32
    %sign3A_140 = arith.extui %sign3A_139 : i1 to i32
    %sign3A_141 = arith.constant 0 : i32
    %sign3A_142 = arith.cmpi slt, %jit3A_129, %sign3A_141 : i32
    %sign3A_143 = arith.extui %sign3A_142 : i1 to i32
    %sign3A_144 = arith.subi %sign3A_140, %sign3A_143 : i32
    %ne3A_145 = arith.cmpi ne, %sign3A_137, %sign3A_144 : i32
    %rem3A_146 = arith.remsi %mul3A_128, %jit3A_129 : i32
    %ne3A_147 = arith.constant 0 : i32
    %ne3A_148 = arith.cmpi ne, %rem3A_146, %ne3A_147 : i32
    %and3A_149 = arith.andi %ne3A_145, %ne3A_148 : i1
    %sub3A_150 = arith.constant 1 : i32
    %sub3A_151 = arith.subi %div3A_130, %sub3A_150 : i32
    %select_n3A_152 = arith.select %and3A_149, %sub3A_151, %div3A_130 : i32
    %sub3A_153 = arith.subi %select_n3A_152, %select_n3A_125 : i32
    %add3A_154 = arith.constant 3200 : i32
    %add3A_155 = arith.addi %add3A_154, %arg1 : i32
    %mul3A_156 = arith.constant 3200 : i32
    %mul3A_157 = arith.muli %arg0, %mul3A_156 : i32
    %mul3A_158 = arith.constant 128 : i32
    %mul3A_159 = arith.muli %select_n3A_125, %mul3A_158 : i32
    %add3A_160 = arith.addi %select_n3A_68, %mul3A_159 : i32
    %min3A = arith.constant 9360 : i32
    %min3A_161 = arith.minsi %add3A_160, %min3A : i32
    %add3A_162 = arith.constant 0 : i32
    %add3A_163 = arith.addi %select_n3A_125, %add3A_162 : i32
    %mul3A_164 = arith.constant 128 : i32
    %mul3A_165 = arith.muli %add3A_163, %mul3A_164 : i32
    %add3A_166 = arith.addi %select_n3A_68, %mul3A_165 : i32
    %min3A_167 = arith.constant 9872 : i32
    %min3A_168 = arith.minsi %add3A_166, %min3A_167 : i32
    %dma_start3A = arith.constant 0 : i32
    %dma_start3A_169 = tpu.memref_slice %arg2[%min3A_168, %dma_start3A] : memref<10000x128xf32, #tpu.memory_space<hbm>> -> memref<128x128xf32, #tpu.memory_space<hbm>>
    %dma_start3A_170 = arith.constant 0 : i32
    %dma_start3A_171 = tpu.memref_slice %arg2[%min3A_168, %dma_start3A_170] : memref<10000x128xf32, #tpu.memory_space<hbm>> -> memref<128x128xf32, #tpu.memory_space<hbm>>
    tpu.enqueue_dma source(%dma_start3A_171 : memref<128x128xf32, #tpu.memory_space<hbm>>) target(%arg7 : memref<128x128xf32, #tpu.memory_space<vmem>>) target_semaphore(%arg15 : memref<!tpu.dma_semaphore, #tpu.memory_space<semaphore_mem>>)
    %dma_start3A_172 = tpu.memref_slice %arg3[%min3A_161] : memref<10000xi32, #tpu.memory_space<hbm>> -> memref<640xi32, #tpu.memory_space<hbm>>
    %dma_start3A_173 = tpu.memref_slice %arg3[%min3A_161] : memref<10000xi32, #tpu.memory_space<hbm>> -> memref<640xi32, #tpu.memory_space<hbm>>
    tpu.enqueue_dma source(%dma_start3A_173 : memref<640xi32, #tpu.memory_space<hbm>>) target(%arg9 : memref<640xi32, #tpu.memory_space<vmem>>) target_semaphore(%arg17 : memref<!tpu.dma_semaphore, #tpu.memory_space<semaphore_mem>>)
    %dma_start3A_174 = tpu.memref_slice %arg4[%min3A_161] : memref<10000xi32, #tpu.memory_space<hbm>> -> memref<640xi32, #tpu.memory_space<hbm>>
    %dma_start3A_175 = tpu.memref_slice %arg4[%min3A_161] : memref<10000xi32, #tpu.memory_space<hbm>> -> memref<640xi32, #tpu.memory_space<hbm>>
    tpu.enqueue_dma source(%dma_start3A_175 : memref<640xi32, #tpu.memory_space<hbm>>) target(%arg10 : memref<640xi32, #tpu.memory_space<vmem>>) target_semaphore(%arg17 : memref<!tpu.dma_semaphore, #tpu.memory_space<semaphore_mem>>)
    %broadcast_in_dim3A = arith.constant 0.000000e+00 : f32
    %broadcast_in_dim3A_176 = vector.broadcast %broadcast_in_dim3A : f32 to vector<16xf32>
    %swap3A = arith.constant 0 : i32
    %swap3A_177 = arith.index_cast %swap3A : i32 to index
    %swap3A_178 = arith.constant 0 : index
    %swap3A_179 = tpu.vector_load %arg13[%swap3A_177, %swap3A_178] {strides = array<i32>} : memref<16x128xf32, #tpu.memory_space<vmem>>, vector<1x16xf32>,
    %swap3A_180 = vector.shape_cast %swap3A_179 : vector<1x16xf32> to vector<16xf32>
    %swap3A_181 = vector.shape_cast %broadcast_in_dim3A_176 : vector<16xf32> to vector<1x16xf32>
    tpu.vector_store %arg13[%swap3A_177, %swap3A_178], %swap3A_181 {strides = array<i32>} : memref<16x128xf32, #tpu.memory_space<vmem>>, vector<1x16xf32>,
    %broadcast_in_dim3A_182 = arith.constant 0.000000e+00 : f32
    %broadcast_in_dim3A_183 = vector.broadcast %broadcast_in_dim3A_182 : f32 to vector<16xf32>
    %swap3A_184 = arith.constant 0 : i32
    %swap3A_185 = arith.index_cast %swap3A_184 : i32 to index
    %swap3A_186 = arith.constant 16 : index
    %swap3A_187 = tpu.vector_load %arg13[%swap3A_185, %swap3A_186] {strides = array<i32>} : memref<16x128xf32, #tpu.memory_space<vmem>>, vector<1x16xf32>,
    %swap3A_188 = vector.shape_cast %swap3A_187 : vector<1x16xf32> to vector<16xf32>
    %swap3A_189 = vector.shape_cast %broadcast_in_dim3A_183 : vector<16xf32> to vector<1x16xf32>
    tpu.vector_store %arg13[%swap3A_185, %swap3A_186], %swap3A_189 {strides = array<i32>} : memref<16x128xf32, #tpu.memory_space<vmem>>, vector<1x16xf32>,
    %broadcast_in_dim3A_190 = arith.constant 0.000000e+00 : f32
    %broadcast_in_dim3A_191 = vector.broadcast %broadcast_in_dim3A_190 : f32 to vector<16xf32>
    %swap3A_192 = arith.constant 0 : i32
    %swap3A_193 = arith.index_cast %swap3A_192 : i32 to index
    %swap3A_194 = arith.constant 32 : index
    %swap3A_195 = tpu.vector_load %arg13[%swap3A_193, %swap3A_194] {strides = array<i32>} : memref<16x128xf32, #tpu.memory_space<vmem>>, vector<1x16xf32>,
    %swap3A_196 = vector.shape_cast %swap3A_195 : vector<1x16xf32> to vector<16xf32>
    %swap3A_197 = vector.shape_cast %broadcast_in_dim3A_191 : vector<16xf32> to vector<1x16xf32>
    tpu.vector_store %arg13[%swap3A_193, %swap3A_194], %swap3A_197 {strides = array<i32>} : memref<16x128xf32, #tpu.memory_space<vmem>>, vector<1x16xf32>,
    %broadcast_in_dim3A_198 = arith.constant 0.000000e+00 : f32
    %broadcast_in_dim3A_199 = vector.broadcast %broadcast_in_dim3A_198 : f32 to vector<16xf32>
    %swap3A_200 = arith.constant 0 : i32
    %swap3A_201 = arith.index_cast %swap3A_200 : i32 to index
    %swap3A_202 = arith.constant 48 : index
    %swap3A_203 = tpu.vector_load %arg13[%swap3A_201, %swap3A_202] {strides = array<i32>} : memref<16x128xf32, #tpu.memory_space<vmem>>, vector<1x16xf32>,
    %swap3A_204 = vector.shape_cast %swap3A_203 : vector<1x16xf32> to vector<16xf32>
    %swap3A_205 = vector.shape_cast %broadcast_in_dim3A_199 : vector<16xf32> to vector<1x16xf32>
    tpu.vector_store %arg13[%swap3A_201, %swap3A_202], %swap3A_205 {strides = array<i32>} : memref<16x128xf32, #tpu.memory_space<vmem>>, vector<1x16xf32>,
    %broadcast_in_dim3A_206 = arith.constant 0.000000e+00 : f32
    %broadcast_in_dim3A_207 = vector.broadcast %broadcast_in_dim3A_206 : f32 to vector<16xf32>
    %swap3A_208 = arith.constant 0 : i32
    %swap3A_209 = arith.index_cast %swap3A_208 : i32 to index
    %swap3A_210 = arith.constant 64 : index
    %swap3A_211 = tpu.vector_load %arg13[%swap3A_209, %swap3A_210] {strides = array<i32>} : memref<16x128xf32, #tpu.memory_space<vmem>>, vector<1x16xf32>,
    %swap3A_212 = vector.shape_cast %swap3A_211 : vector<1x16xf32> to vector<16xf32>
    %swap3A_213 = vector.shape_cast %broadcast_in_dim3A_207 : vector<16xf32> to vector<1x16xf32>
    tpu.vector_store %arg13[%swap3A_209, %swap3A_210], %swap3A_213 {strides = array<i32>} : memref<16x128xf32, #tpu.memory_space<vmem>>, vector<1x16xf32>,
    %broadcast_in_dim3A_214 = arith.constant 0.000000e+00 : f32
    %broadcast_in_dim3A_215 = vector.broadcast %broadcast_in_dim3A_214 : f32 to vector<16xf32>
    %swap3A_216 = arith.constant 0 : i32
    %swap3A_217 = arith.index_cast %swap3A_216 : i32 to index
    %swap3A_218 = arith.constant 80 : index
    %swap3A_219 = tpu.vector_load %arg13[%swap3A_217, %swap3A_218] {strides = array<i32>} : memref<16x128xf32, #tpu.memory_space<vmem>>, vector<1x16xf32>,
    %swap3A_220 = vector.shape_cast %swap3A_219 : vector<1x16xf32> to vector<16xf32>
    %swap3A_221 = vector.shape_cast %broadcast_in_dim3A_215 : vector<16xf32> to vector<1x16xf32>
    tpu.vector_store %arg13[%swap3A_217, %swap3A_218], %swap3A_221 {strides = array<i32>} : memref<16x128xf32, #tpu.memory_space<vmem>>, vector<1x16xf32>,
    %broadcast_in_dim3A_222 = arith.constant 0.000000e+00 : f32
    %broadcast_in_dim3A_223 = vector.broadcast %broadcast_in_dim3A_222 : f32 to vector<16xf32>
    %swap3A_224 = arith.constant 0 : i32
    %swap3A_225 = arith.index_cast %swap3A_224 : i32 to index
    %swap3A_226 = arith.constant 96 : index
    %swap3A_227 = tpu.vector_load %arg13[%swap3A_225, %swap3A_226] {strides = array<i32>} : memref<16x128xf32, #tpu.memory_space<vmem>>, vector<1x16xf32>,
    %swap3A_228 = vector.shape_cast %swap3A_227 : vector<1x16xf32> to vector<16xf32>
    %swap3A_229 = vector.shape_cast %broadcast_in_dim3A_223 : vector<16xf32> to vector<1x16xf32>
    tpu.vector_store %arg13[%swap3A_225, %swap3A_226], %swap3A_229 {strides = array<i32>} : memref<16x128xf32, #tpu.memory_space<vmem>>, vector<1x16xf32>,
    %broadcast_in_dim3A_230 = arith.constant 0.000000e+00 : f32
    %broadcast_in_dim3A_231 = vector.broadcast %broadcast_in_dim3A_230 : f32 to vector<16xf32>
    %swap3A_232 = arith.constant 0 : i32
    %swap3A_233 = arith.index_cast %swap3A_232 : i32 to index
    %swap3A_234 = arith.constant 112 : index
    %swap3A_235 = tpu.vector_load %arg13[%swap3A_233, %swap3A_234] {strides = array<i32>} : memref<16x128xf32, #tpu.memory_space<vmem>>, vector<1x16xf32>,
    %swap3A_236 = vector.shape_cast %swap3A_235 : vector<1x16xf32> to vector<16xf32>
    %swap3A_237 = vector.shape_cast %broadcast_in_dim3A_231 : vector<16xf32> to vector<1x16xf32>
    tpu.vector_store %arg13[%swap3A_233, %swap3A_234], %swap3A_237 {strides = array<i32>} : memref<16x128xf32, #tpu.memory_space<vmem>>, vector<1x16xf32>,
    %broadcast_in_dim3A_238 = arith.constant 0.000000e+00 : f32
    %broadcast_in_dim3A_239 = vector.broadcast %broadcast_in_dim3A_238 : f32 to vector<16xf32>
    %swap3A_240 = arith.constant 1 : i32
    %swap3A_241 = arith.index_cast %swap3A_240 : i32 to index
    %swap3A_242 = arith.constant 0 : index
    %swap3A_243 = tpu.vector_load %arg13[%swap3A_241, %swap3A_242] {strides = array<i32>} : memref<16x128xf32, #tpu.memory_space<vmem>>, vector<1x16xf32>,
    %swap3A_244 = vector.shape_cast %swap3A_243 : vector<1x16xf32> to vector<16xf32>
    %swap3A_245 = vector.shape_cast %broadcast_in_dim3A_239 : vector<16xf32> to vector<1x16xf32>
    tpu.vector_store %arg13[%swap3A_241, %swap3A_242], %swap3A_245 {strides = array<i32>} : memref<16x128xf32, #tpu.memory_space<vmem>>, vector<1x16xf32>,
    %broadcast_in_dim3A_246 = arith.constant 0.000000e+00 : f32
    %broadcast_in_dim3A_247 = vector.broadcast %broadcast_in_dim3A_246 : f32 to vector<16xf32>
    %swap3A_248 = arith.constant 1 : i32
    %swap3A_249 = arith.index_cast %swap3A_248 : i32 to index
    %swap3A_250 = arith.constant 16 : index
    %swap3A_251 = tpu.vector_load %arg13[%swap3A_249, %swap3A_250] {strides = array<i32>} : memref<16x128xf32, #tpu.memory_space<vmem>>, vector<1x16xf32>,
    %swap3A_252 = vector.shape_cast %swap3A_251 : vector<1x16xf32> to vector<16xf32>
    %swap3A_253 = vector.shape_cast %broadcast_in_dim3A_247 : vector<16xf32> to vector<1x16xf32>
    tpu.vector_store %arg13[%swap3A_249, %swap3A_250], %swap3A_253 {strides = array<i32>} : memref<16x128xf32, #tpu.memory_space<vmem>>, vector<1x16xf32>,
    %broadcast_in_dim3A_254 = arith.constant 0.000000e+00 : f32
    %broadcast_in_dim3A_255 = vector.broadcast %broadcast_in_dim3A_254 : f32 to vector<16xf32>
    %swap3A_256 = arith.constant 1 : i32
    %swap3A_257 = arith.index_cast %swap3A_256 : i32 to index
    %swap3A_258 = arith.constant 32 : index
    %swap3A_259 = tpu.vector_load %arg13[%swap3A_257, %swap3A_258] {strides = array<i32>} : memref<16x128xf32, #tpu.memory_space<vmem>>, vector<1x16xf32>,
    %swap3A_260 = vector.shape_cast %swap3A_259 : vector<1x16xf32> to vector<16xf32>
    %swap3A_261 = vector.shape_cast %broadcast_in_dim3A_255 : vector<16xf32> to vector<1x16xf32>
    tpu.vector_store %arg13[%swap3A_257, %swap3A_258], %swap3A_261 {strides = array<i32>} : memref<16x128xf32, #tpu.memory_space<vmem>>, vector<1x16xf32>,
    %broadcast_in_dim3A_262 = arith.constant 0.000000e+00 : f32
    %broadcast_in_dim3A_263 = vector.broadcast %broadcast_in_dim3A_262 : f32 to vector<16xf32>
    %swap3A_264 = arith.constant 1 : i32
    %swap3A_265 = arith.index_cast %swap3A_264 : i32 to index
    %swap3A_266 = arith.constant 48 : index
    %swap3A_267 = tpu.vector_load %arg13[%swap3A_265, %swap3A_266] {strides = array<i32>} : memref<16x128xf32, #tpu.memory_space<vmem>>, vector<1x16xf32>,
    %swap3A_268 = vector.shape_cast %swap3A_267 : vector<1x16xf32> to vector<16xf32>
    %swap3A_269 = vector.shape_cast %broadcast_in_dim3A_263 : vector<16xf32> to vector<1x16xf32>
    tpu.vector_store %arg13[%swap3A_265, %swap3A_266], %swap3A_269 {strides = array<i32>} : memref<16x128xf32, #tpu.memory_space<vmem>>, vector<1x16xf32>,
    %broadcast_in_dim3A_270 = arith.constant 0.000000e+00 : f32
    %broadcast_in_dim3A_271 = vector.broadcast %broadcast_in_dim3A_270 : f32 to vector<16xf32>
    %swap3A_272 = arith.constant 1 : i32
    %swap3A_273 = arith.index_cast %swap3A_272 : i32 to index
    %swap3A_274 = arith.constant 64 : index
    %swap3A_275 = tpu.vector_load %arg13[%swap3A_273, %swap3A_274] {strides = array<i32>} : memref<16x128xf32, #tpu.memory_space<vmem>>, vector<1x16xf32>,
    %swap3A_276 = vector.shape_cast %swap3A_275 : vector<1x16xf32> to vector<16xf32>
    %swap3A_277 = vector.shape_cast %broadcast_in_dim3A_271 : vector<16xf32> to vector<1x16xf32>
    tpu.vector_store %arg13[%swap3A_273, %swap3A_274], %swap3A_277 {strides = array<i32>} : memref<16x128xf32, #tpu.memory_space<vmem>>, vector<1x16xf32>,
    %broadcast_in_dim3A_278 = arith.constant 0.000000e+00 : f32
    %broadcast_in_dim3A_279 = vector.broadcast %broadcast_in_dim3A_278 : f32 to vector<16xf32>
    %swap3A_280 = arith.constant 1 : i32
    %swap3A_281 = arith.index_cast %swap3A_280 : i32 to index
    %swap3A_282 = arith.constant 80 : index
    %swap3A_283 = tpu.vector_load %arg13[%swap3A_281, %swap3A_282] {strides = array<i32>} : memref<16x128xf32, #tpu.memory_space<vmem>>, vector<1x16xf32>,
    %swap3A_284 = vector.shape_cast %swap3A_283 : vector<1x16xf32> to vector<16xf32>
    %swap3A_285 = vector.shape_cast %broadcast_in_dim3A_279 : vector<16xf32> to vector<1x16xf32>
    tpu.vector_store %arg13[%swap3A_281, %swap3A_282], %swap3A_285 {strides = array<i32>} : memref<16x128xf32, #tpu.memory_space<vmem>>, vector<1x16xf32>,
    %broadcast_in_dim3A_286 = arith.constant 0.000000e+00 : f32
    %broadcast_in_dim3A_287 = vector.broadcast %broadcast_in_dim3A_286 : f32 to vector<16xf32>
    %swap3A_288 = arith.constant 1 : i32
    %swap3A_289 = arith.index_cast %swap3A_288 : i32 to index
    %swap3A_290 = arith.constant 96 : index
    %swap3A_291 = tpu.vector_load %arg13[%swap3A_289, %swap3A_290] {strides = array<i32>} : memref<16x128xf32, #tpu.memory_space<vmem>>, vector<1x16xf32>,
    %swap3A_292 = vector.shape_cast %swap3A_291 : vector<1x16xf32> to vector<16xf32>
    %swap3A_293 = vector.shape_cast %broadcast_in_dim3A_287 : vector<16xf32> to vector<1x16xf32>
    tpu.vector_store %arg13[%swap3A_289, %swap3A_290], %swap3A_293 {strides = array<i32>} : memref<16x128xf32, #tpu.memory_space<vmem>>, vector<1x16xf32>,
    %broadcast_in_dim3A_294 = arith.constant 0.000000e+00 : f32
    %broadcast_in_dim3A_295 = vector.broadcast %broadcast_in_dim3A_294 : f32 to vector<16xf32>
    %swap3A_296 = arith.constant 1 : i32
    %swap3A_297 = arith.index_cast %swap3A_296 : i32 to index
    %swap3A_298 = arith.constant 112 : index
    %swap3A_299 = tpu.vector_load %arg13[%swap3A_297, %swap3A_298] {strides = array<i32>} : memref<16x128xf32, #tpu.memory_space<vmem>>, vector<1x16xf32>,
    %swap3A_300 = vector.shape_cast %swap3A_299 : vector<1x16xf32> to vector<16xf32>
    %swap3A_301 = vector.shape_cast %broadcast_in_dim3A_295 : vector<16xf32> to vector<1x16xf32>
    tpu.vector_store %arg13[%swap3A_297, %swap3A_298], %swap3A_301 {strides = array<i32>} : memref<16x128xf32, #tpu.memory_space<vmem>>, vector<1x16xf32>,
    %broadcast_in_dim3A_302 = arith.constant 0.000000e+00 : f32
    %broadcast_in_dim3A_303 = vector.broadcast %broadcast_in_dim3A_302 : f32 to vector<16xf32>
    %swap3A_304 = arith.constant 2 : i32
    %swap3A_305 = arith.index_cast %swap3A_304 : i32 to index
    %swap3A_306 = arith.constant 0 : index
    %swap3A_307 = tpu.vector_load %arg13[%swap3A_305, %swap3A_306] {strides = array<i32>} : memref<16x128xf32, #tpu.memory_space<vmem>>, vector<1x16xf32>,
    %swap3A_308 = vector.shape_cast %swap3A_307 : vector<1x16xf32> to vector<16xf32>
    %swap3A_309 = vector.shape_cast %broadcast_in_dim3A_303 : vector<16xf32> to vector<1x16xf32>
    tpu.vector_store %arg13[%swap3A_305, %swap3A_306], %swap3A_309 {strides = array<i32>} : memref<16x128xf32, #tpu.memory_space<vmem>>, vector<1x16xf32>,
    %broadcast_in_dim3A_310 = arith.constant 0.000000e+00 : f32
    %broadcast_in_dim3A_311 = vector.broadcast %broadcast_in_dim3A_310 : f32 to vector<16xf32>
    %swap3A_312 = arith.constant 2 : i32
    %swap3A_313 = arith.index_cast %swap3A_312 : i32 to index
    %swap3A_314 = arith.constant 16 : index
    %swap3A_315 = tpu.vector_load %arg13[%swap3A_313, %swap3A_314] {strides = array<i32>} : memref<16x128xf32, #tpu.memory_space<vmem>>, vector<1x16xf32>,
    %swap3A_316 = vector.shape_cast %swap3A_315 : vector<1x16xf32> to vector<16xf32>
    %swap3A_317 = vector.shape_cast %broadcast_in_dim3A_311 : vector<16xf32> to vector<1x16xf32>
    tpu.vector_store %arg13[%swap3A_313, %swap3A_314], %swap3A_317 {strides = array<i32>} : memref<16x128xf32, #tpu.memory_space<vmem>>, vector<1x16xf32>,
    %broadcast_in_dim3A_318 = arith.constant 0.000000e+00 : f32
    %broadcast_in_dim3A_319 = vector.broadcast %broadcast_in_dim3A_318 : f32 to vector<16xf32>
    %swap3A_320 = arith.constant 2 : i32
    %swap3A_321 = arith.index_cast %swap3A_320 : i32 to index
    %swap3A_322 = arith.constant 32 : index
    %swap3A_323 = tpu.vector_load %arg13[%swap3A_321, %swap3A_322] {strides = array<i32>} : memref<16x128xf32, #tpu.memory_space<vmem>>, vector<1x16xf32>,
    %swap3A_324 = vector.shape_cast %swap3A_323 : vector<1x16xf32> to vector<16xf32>
    %swap3A_325 = vector.shape_cast %broadcast_in_dim3A_319 : vector<16xf32> to vector<1x16xf32>
    tpu.vector_store %arg13[%swap3A_321, %swap3A_322], %swap3A_325 {strides = array<i32>} : memref<16x128xf32, #tpu.memory_space<vmem>>, vector<1x16xf32>,
    %broadcast_in_dim3A_326 = arith.constant 0.000000e+00 : f32
    %broadcast_in_dim3A_327 = vector.broadcast %broadcast_in_dim3A_326 : f32 to vector<16xf32>
    %swap3A_328 = arith.constant 2 : i32
    %swap3A_329 = arith.index_cast %swap3A_328 : i32 to index
    %swap3A_330 = arith.constant 48 : index
    %swap3A_331 = tpu.vector_load %arg13[%swap3A_329, %swap3A_330] {strides = array<i32>} : memref<16x128xf32, #tpu.memory_space<vmem>>, vector<1x16xf32>,
    %swap3A_332 = vector.shape_cast %swap3A_331 : vector<1x16xf32> to vector<16xf32>
    %swap3A_333 = vector.shape_cast %broadcast_in_dim3A_327 : vector<16xf32> to vector<1x16xf32>
    tpu.vector_store %arg13[%swap3A_329, %swap3A_330], %swap3A_333 {strides = array<i32>} : memref<16x128xf32, #tpu.memory_space<vmem>>, vector<1x16xf32>,
    %broadcast_in_dim3A_334 = arith.constant 0.000000e+00 : f32
    %broadcast_in_dim3A_335 = vector.broadcast %broadcast_in_dim3A_334 : f32 to vector<16xf32>
    %swap3A_336 = arith.constant 2 : i32
    %swap3A_337 = arith.index_cast %swap3A_336 : i32 to index
    %swap3A_338 = arith.constant 64 : index
    %swap3A_339 = tpu.vector_load %arg13[%swap3A_337, %swap3A_338] {strides = array<i32>} : memref<16x128xf32, #tpu.memory_space<vmem>>, vector<1x16xf32>,
    %swap3A_340 = vector.shape_cast %swap3A_339 : vector<1x16xf32> to vector<16xf32>
    %swap3A_341 = vector.shape_cast %broadcast_in_dim3A_335 : vector<16xf32> to vector<1x16xf32>
    tpu.vector_store %arg13[%swap3A_337, %swap3A_338], %swap3A_341 {strides = array<i32>} : memref<16x128xf32, #tpu.memory_space<vmem>>, vector<1x16xf32>,
    %broadcast_in_dim3A_342 = arith.constant 0.000000e+00 : f32
    %broadcast_in_dim3A_343 = vector.broadcast %broadcast_in_dim3A_342 : f32 to vector<16xf32>
    %swap3A_344 = arith.constant 2 : i32
    %swap3A_345 = arith.index_cast %swap3A_344 : i32 to index
    %swap3A_346 = arith.constant 80 : index
    %swap3A_347 = tpu.vector_load %arg13[%swap3A_345, %swap3A_346] {strides = array<i32>} : memref<16x128xf32, #tpu.memory_space<vmem>>, vector<1x16xf32>,
    %swap3A_348 = vector.shape_cast %swap3A_347 : vector<1x16xf32> to vector<16xf32>
    %swap3A_349 = vector.shape_cast %broadcast_in_dim3A_343 : vector<16xf32> to vector<1x16xf32>
    tpu.vector_store %arg13[%swap3A_345, %swap3A_346], %swap3A_349 {strides = array<i32>} : memref<16x128xf32, #tpu.memory_space<vmem>>, vector<1x16xf32>,
    %broadcast_in_dim3A_350 = arith.constant 0.000000e+00 : f32
    %broadcast_in_dim3A_351 = vector.broadcast %broadcast_in_dim3A_350 : f32 to vector<16xf32>
    %swap3A_352 = arith.constant 2 : i32
    %swap3A_353 = arith.index_cast %swap3A_352 : i32 to index
    %swap3A_354 = arith.constant 96 : index
    %swap3A_355 = tpu.vector_load %arg13[%swap3A_353, %swap3A_354] {strides = array<i32>} : memref<16x128xf32, #tpu.memory_space<vmem>>, vector<1x16xf32>,
    %swap3A_356 = vector.shape_cast %swap3A_355 : vector<1x16xf32> to vector<16xf32>
    %swap3A_357 = vector.shape_cast %broadcast_in_dim3A_351 : vector<16xf32> to vector<1x16xf32>
    tpu.vector_store %arg13[%swap3A_353, %swap3A_354], %swap3A_357 {strides = array<i32>} : memref<16x128xf32, #tpu.memory_space<vmem>>, vector<1x16xf32>,
    %broadcast_in_dim3A_358 = arith.constant 0.000000e+00 : f32
    %broadcast_in_dim3A_359 = vector.broadcast %broadcast_in_dim3A_358 : f32 to vector<16xf32>
    %swap3A_360 = arith.constant 2 : i32
    %swap3A_361 = arith.index_cast %swap3A_360 : i32 to index
    %swap3A_362 = arith.constant 112 : index
    %swap3A_363 = tpu.vector_load %arg13[%swap3A_361, %swap3A_362] {strides = array<i32>} : memref<16x128xf32, #tpu.memory_space<vmem>>, vector<1x16xf32>,
    %swap3A_364 = vector.shape_cast %swap3A_363 : vector<1x16xf32> to vector<16xf32>
    %swap3A_365 = vector.shape_cast %broadcast_in_dim3A_359 : vector<16xf32> to vector<1x16xf32>
    tpu.vector_store %arg13[%swap3A_361, %swap3A_362], %swap3A_365 {strides = array<i32>} : memref<16x128xf32, #tpu.memory_space<vmem>>, vector<1x16xf32>,
    %broadcast_in_dim3A_366 = arith.constant 0.000000e+00 : f32
    %broadcast_in_dim3A_367 = vector.broadcast %broadcast_in_dim3A_366 : f32 to vector<16xf32>
    %swap3A_368 = arith.constant 3 : i32
    %swap3A_369 = arith.index_cast %swap3A_368 : i32 to index
    %swap3A_370 = arith.constant 0 : index
    %swap3A_371 = tpu.vector_load %arg13[%swap3A_369, %swap3A_370] {strides = array<i32>} : memref<16x128xf32, #tpu.memory_space<vmem>>, vector<1x16xf32>,
    %swap3A_372 = vector.shape_cast %swap3A_371 : vector<1x16xf32> to vector<16xf32>
    %swap3A_373 = vector.shape_cast %broadcast_in_dim3A_367 : vector<16xf32> to vector<1x16xf32>
    tpu.vector_store %arg13[%swap3A_369, %swap3A_370], %swap3A_373 {strides = array<i32>} : memref<16x128xf32, #tpu.memory_space<vmem>>, vector<1x16xf32>,
    %broadcast_in_dim3A_374 = arith.constant 0.000000e+00 : f32
    %broadcast_in_dim3A_375 = vector.broadcast %broadcast_in_dim3A_374 : f32 to vector<16xf32>
    %swap3A_376 = arith.constant 3 : i32
    %swap3A_377 = arith.index_cast %swap3A_376 : i32 to index
    %swap3A_378 = arith.constant 16 : index
    %swap3A_379 = tpu.vector_load %arg13[%swap3A_377, %swap3A_378] {strides = array<i32>} : memref<16x128xf32, #tpu.memory_space<vmem>>, vector<1x16xf32>,
    %swap3A_380 = vector.shape_cast %swap3A_379 : vector<1x16xf32> to vector<16xf32>
    %swap3A_381 = vector.shape_cast %broadcast_in_dim3A_375 : vector<16xf32> to vector<1x16xf32>
    tpu.vector_store %arg13[%swap3A_377, %swap3A_378], %swap3A_381 {strides = array<i32>} : memref<16x128xf32, #tpu.memory_space<vmem>>, vector<1x16xf32>,
    %broadcast_in_dim3A_382 = arith.constant 0.000000e+00 : f32
    %broadcast_in_dim3A_383 = vector.broadcast %broadcast_in_dim3A_382 : f32 to vector<16xf32>
    %swap3A_384 = arith.constant 3 : i32
    %swap3A_385 = arith.index_cast %swap3A_384 : i32 to index
    %swap3A_386 = arith.constant 32 : index
    %swap3A_387 = tpu.vector_load %arg13[%swap3A_385, %swap3A_386] {strides = array<i32>} : memref<16x128xf32, #tpu.memory_space<vmem>>, vector<1x16xf32>,
    %swap3A_388 = vector.shape_cast %swap3A_387 : vector<1x16xf32> to vector<16xf32>
    %swap3A_389 = vector.shape_cast %broadcast_in_dim3A_383 : vector<16xf32> to vector<1x16xf32>
    tpu.vector_store %arg13[%swap3A_385, %swap3A_386], %swap3A_389 {strides = array<i32>} : memref<16x128xf32, #tpu.memory_space<vmem>>, vector<1x16xf32>,
    %broadcast_in_dim3A_390 = arith.constant 0.000000e+00 : f32
    %broadcast_in_dim3A_391 = vector.broadcast %broadcast_in_dim3A_390 : f32 to vector<16xf32>
    %swap3A_392 = arith.constant 3 : i32
    %swap3A_393 = arith.index_cast %swap3A_392 : i32 to index
    %swap3A_394 = arith.constant 48 : index
    %swap3A_395 = tpu.vector_load %arg13[%swap3A_393, %swap3A_394] {strides = array<i32>} : memref<16x128xf32, #tpu.memory_space<vmem>>, vector<1x16xf32>,
    %swap3A_396 = vector.shape_cast %swap3A_395 : vector<1x16xf32> to vector<16xf32>
    %swap3A_397 = vector.shape_cast %broadcast_in_dim3A_391 : vector<16xf32> to vector<1x16xf32>
    tpu.vector_store %arg13[%swap3A_393, %swap3A_394], %swap3A_397 {strides = array<i32>} : memref<16x128xf32, #tpu.memory_space<vmem>>, vector<1x16xf32>,
    %broadcast_in_dim3A_398 = arith.constant 0.000000e+00 : f32
    %broadcast_in_dim3A_399 = vector.broadcast %broadcast_in_dim3A_398 : f32 to vector<16xf32>
    %swap3A_400 = arith.constant 3 : i32
    %swap3A_401 = arith.index_cast %swap3A_400 : i32 to index
    %swap3A_402 = arith.constant 64 : index
    %swap3A_403 = tpu.vector_load %arg13[%swap3A_401, %swap3A_402] {strides = array<i32>} : memref<16x128xf32, #tpu.memory_space<vmem>>, vector<1x16xf32>,
    %swap3A_404 = vector.shape_cast %swap3A_403 : vector<1x16xf32> to vector<16xf32>
    %swap3A_405 = vector.shape_cast %broadcast_in_dim3A_399 : vector<16xf32> to vector<1x16xf32>
    tpu.vector_store %arg13[%swap3A_401, %swap3A_402], %swap3A_405 {strides = array<i32>} : memref<16x128xf32, #tpu.memory_space<vmem>>, vector<1x16xf32>,
    %broadcast_in_dim3A_406 = arith.constant 0.000000e+00 : f32
    %broadcast_in_dim3A_407 = vector.broadcast %broadcast_in_dim3A_406 : f32 to vector<16xf32>
    %swap3A_408 = arith.constant 3 : i32
    %swap3A_409 = arith.index_cast %swap3A_408 : i32 to index
    %swap3A_410 = arith.constant 80 : index
    %swap3A_411 = tpu.vector_load %arg13[%swap3A_409, %swap3A_410] {strides = array<i32>} : memref<16x128xf32, #tpu.memory_space<vmem>>, vector<1x16xf32>,
    %swap3A_412 = vector.shape_cast %swap3A_411 : vector<1x16xf32> to vector<16xf32>
    %swap3A_413 = vector.shape_cast %broadcast_in_dim3A_407 : vector<16xf32> to vector<1x16xf32>
    tpu.vector_store %arg13[%swap3A_409, %swap3A_410], %swap3A_413 {strides = array<i32>} : memref<16x128xf32, #tpu.memory_space<vmem>>, vector<1x16xf32>,
    %broadcast_in_dim3A_414 = arith.constant 0.000000e+00 : f32
    %broadcast_in_dim3A_415 = vector.broadcast %broadcast_in_dim3A_414 : f32 to vector<16xf32>
    %swap3A_416 = arith.constant 3 : i32
    %swap3A_417 = arith.index_cast %swap3A_416 : i32 to index
    %swap3A_418 = arith.constant 96 : index
    %swap3A_419 = tpu.vector_load %arg13[%swap3A_417, %swap3A_418] {strides = array<i32>} : memref<16x128xf32, #tpu.memory_space<vmem>>, vector<1x16xf32>,
    %swap3A_420 = vector.shape_cast %swap3A_419 : vector<1x16xf32> to vector<16xf32>
    %swap3A_421 = vector.shape_cast %broadcast_in_dim3A_415 : vector<16xf32> to vector<1x16xf32>
    tpu.vector_store %arg13[%swap3A_417, %swap3A_418], %swap3A_421 {strides = array<i32>} : memref<16x128xf32, #tpu.memory_space<vmem>>, vector<1x16xf32>,
    %broadcast_in_dim3A_422 = arith.constant 0.000000e+00 : f32
    %broadcast_in_dim3A_423 = vector.broadcast %broadcast_in_dim3A_422 : f32 to vector<16xf32>
    %swap3A_424 = arith.constant 3 : i32
    %swap3A_425 = arith.index_cast %swap3A_424 : i32 to index
    %swap3A_426 = arith.constant 112 : index
    %swap3A_427 = tpu.vector_load %arg13[%swap3A_425, %swap3A_426] {strides = array<i32>} : memref<16x128xf32, #tpu.memory_space<vmem>>, vector<1x16xf32>,
    %swap3A_428 = vector.shape_cast %swap3A_427 : vector<1x16xf32> to vector<16xf32>
    %swap3A_429 = vector.shape_cast %broadcast_in_dim3A_423 : vector<16xf32> to vector<1x16xf32>
    tpu.vector_store %arg13[%swap3A_425, %swap3A_426], %swap3A_429 {strides = array<i32>} : memref<16x128xf32, #tpu.memory_space<vmem>>, vector<1x16xf32>,
    %broadcast_in_dim3A_430 = arith.constant 0.000000e+00 : f32
    %broadcast_in_dim3A_431 = vector.broadcast %broadcast_in_dim3A_430 : f32 to vector<16xf32>
    %swap3A_432 = arith.constant 4 : i32
    %swap3A_433 = arith.index_cast %swap3A_432 : i32 to index
    %swap3A_434 = arith.constant 0 : index
    %swap3A_435 = tpu.vector_load %arg13[%swap3A_433, %swap3A_434] {strides = array<i32>} : memref<16x128xf32, #tpu.memory_space<vmem>>, vector<1x16xf32>,
    %swap3A_436 = vector.shape_cast %swap3A_435 : vector<1x16xf32> to vector<16xf32>
    %swap3A_437 = vector.shape_cast %broadcast_in_dim3A_431 : vector<16xf32> to vector<1x16xf32>
    tpu.vector_store %arg13[%swap3A_433, %swap3A_434], %swap3A_437 {strides = array<i32>} : memref<16x128xf32, #tpu.memory_space<vmem>>, vector<1x16xf32>,
    %broadcast_in_dim3A_438 = arith.constant 0.000000e+00 : f32
    %broadcast_in_dim3A_439 = vector.broadcast %broadcast_in_dim3A_438 : f32 to vector<16xf32>
    %swap3A_440 = arith.constant 4 : i32
    %swap3A_441 = arith.index_cast %swap3A_440 : i32 to index
    %swap3A_442 = arith.constant 16 : index
    %swap3A_443 = tpu.vector_load %arg13[%swap3A_441, %swap3A_442] {strides = array<i32>} : memref<16x128xf32, #tpu.memory_space<vmem>>, vector<1x16xf32>,
    %swap3A_444 = vector.shape_cast %swap3A_443 : vector<1x16xf32> to vector<16xf32>
    %swap3A_445 = vector.shape_cast %broadcast_in_dim3A_439 : vector<16xf32> to vector<1x16xf32>
    tpu.vector_store %arg13[%swap3A_441, %swap3A_442], %swap3A_445 {strides = array<i32>} : memref<16x128xf32, #tpu.memory_space<vmem>>, vector<1x16xf32>,
    %broadcast_in_dim3A_446 = arith.constant 0.000000e+00 : f32
    %broadcast_in_dim3A_447 = vector.broadcast %broadcast_in_dim3A_446 : f32 to vector<16xf32>
    %swap3A_448 = arith.constant 4 : i32
    %swap3A_449 = arith.index_cast %swap3A_448 : i32 to index
    %swap3A_450 = arith.constant 32 : index
    %swap3A_451 = tpu.vector_load %arg13[%swap3A_449, %swap3A_450] {strides = array<i32>} : memref<16x128xf32, #tpu.memory_space<vmem>>, vector<1x16xf32>,
    %swap3A_452 = vector.shape_cast %swap3A_451 : vector<1x16xf32> to vector<16xf32>
    %swap3A_453 = vector.shape_cast %broadcast_in_dim3A_447 : vector<16xf32> to vector<1x16xf32>
    tpu.vector_store %arg13[%swap3A_449, %swap3A_450], %swap3A_453 {strides = array<i32>} : memref<16x128xf32, #tpu.memory_space<vmem>>, vector<1x16xf32>,
    %broadcast_in_dim3A_454 = arith.constant 0.000000e+00 : f32
    %broadcast_in_dim3A_455 = vector.broadcast %broadcast_in_dim3A_454 : f32 to vector<16xf32>
    %swap3A_456 = arith.constant 4 : i32
    %swap3A_457 = arith.index_cast %swap3A_456 : i32 to index
    %swap3A_458 = arith.constant 48 : index
    %swap3A_459 = tpu.vector_load %arg13[%swap3A_457, %swap3A_458] {strides = array<i32>} : memref<16x128xf32, #tpu.memory_space<vmem>>, vector<1x16xf32>,
    %swap3A_460 = vector.shape_cast %swap3A_459 : vector<1x16xf32> to vector<16xf32>
    %swap3A_461 = vector.shape_cast %broadcast_in_dim3A_455 : vector<16xf32> to vector<1x16xf32>
    tpu.vector_store %arg13[%swap3A_457, %swap3A_458], %swap3A_461 {strides = array<i32>} : memref<16x128xf32, #tpu.memory_space<vmem>>, vector<1x16xf32>,
    %broadcast_in_dim3A_462 = arith.constant 0.000000e+00 : f32
    %broadcast_in_dim3A_463 = vector.broadcast %broadcast_in_dim3A_462 : f32 to vector<16xf32>
    %swap3A_464 = arith.constant 4 : i32
    %swap3A_465 = arith.index_cast %swap3A_464 : i32 to index
    %swap3A_466 = arith.constant 64 : index
    %swap3A_467 = tpu.vector_load %arg13[%swap3A_465, %swap3A_466] {strides = array<i32>} : memref<16x128xf32, #tpu.memory_space<vmem>>, vector<1x16xf32>,
    %swap3A_468 = vector.shape_cast %swap3A_467 : vector<1x16xf32> to vector<16xf32>
    %swap3A_469 = vector.shape_cast %broadcast_in_dim3A_463 : vector<16xf32> to vector<1x16xf32>
    tpu.vector_store %arg13[%swap3A_465, %swap3A_466], %swap3A_469 {strides = array<i32>} : memref<16x128xf32, #tpu.memory_space<vmem>>, vector<1x16xf32>,
    %broadcast_in_dim3A_470 = arith.constant 0.000000e+00 : f32
    %broadcast_in_dim3A_471 = vector.broadcast %broadcast_in_dim3A_470 : f32 to vector<16xf32>
    %swap3A_472 = arith.constant 4 : i32
    %swap3A_473 = arith.index_cast %swap3A_472 : i32 to index
    %swap3A_474 = arith.constant 80 : index
    %swap3A_475 = tpu.vector_load %arg13[%swap3A_473, %swap3A_474] {strides = array<i32>} : memref<16x128xf32, #tpu.memory_space<vmem>>, vector<1x16xf32>,
    %swap3A_476 = vector.shape_cast %swap3A_475 : vector<1x16xf32> to vector<16xf32>
    %swap3A_477 = vector.shape_cast %broadcast_in_dim3A_471 : vector<16xf32> to vector<1x16xf32>
    tpu.vector_store %arg13[%swap3A_473, %swap3A_474], %swap3A_477 {strides = array<i32>} : memref<16x128xf32, #tpu.memory_space<vmem>>, vector<1x16xf32>,
    %broadcast_in_dim3A_478 = arith.constant 0.000000e+00 : f32
    %broadcast_in_dim3A_479 = vector.broadcast %broadcast_in_dim3A_478 : f32 to vector<16xf32>
    %swap3A_480 = arith.constant 4 : i32
    %swap3A_481 = arith.index_cast %swap3A_480 : i32 to index
    %swap3A_482 = arith.constant 96 : index
    %swap3A_483 = tpu.vector_load %arg13[%swap3A_481, %swap3A_482] {strides = array<i32>} : memref<16x128xf32, #tpu.memory_space<vmem>>, vector<1x16xf32>,
    %swap3A_484 = vector.shape_cast %swap3A_483 : vector<1x16xf32> to vector<16xf32>
    %swap3A_485 = vector.shape_cast %broadcast_in_dim3A_479 : vector<16xf32> to vector<1x16xf32>
    tpu.vector_store %arg13[%swap3A_481, %swap3A_482], %swap3A_485 {strides = array<i32>} : memref<16x128xf32, #tpu.memory_space<vmem>>, vector<1x16xf32>,
    %broadcast_in_dim3A_486 = arith.constant 0.000000e+00 : f32
    %broadcast_in_dim3A_487 = vector.broadcast %broadcast_in_dim3A_486 : f32 to vector<16xf32>
    %swap3A_488 = arith.constant 4 : i32
    %swap3A_489 = arith.index_cast %swap3A_488 : i32 to index
    %swap3A_490 = arith.constant 112 : index
    %swap3A_491 = tpu.vector_load %arg13[%swap3A_489, %swap3A_490] {strides = array<i32>} : memref<16x128xf32, #tpu.memory_space<vmem>>, vector<1x16xf32>,
    %swap3A_492 = vector.shape_cast %swap3A_491 : vector<1x16xf32> to vector<16xf32>
    %swap3A_493 = vector.shape_cast %broadcast_in_dim3A_487 : vector<16xf32> to vector<1x16xf32>
    tpu.vector_store %arg13[%swap3A_489, %swap3A_490], %swap3A_493 {strides = array<i32>} : memref<16x128xf32, #tpu.memory_space<vmem>>, vector<1x16xf32>,
    %broadcast_in_dim3A_494 = arith.constant 0.000000e+00 : f32
    %broadcast_in_dim3A_495 = vector.broadcast %broadcast_in_dim3A_494 : f32 to vector<16xf32>
    %swap3A_496 = arith.constant 5 : i32
    %swap3A_497 = arith.index_cast %swap3A_496 : i32 to index
    %swap3A_498 = arith.constant 0 : index
    %swap3A_499 = tpu.vector_load %arg13[%swap3A_497, %swap3A_498] {strides = array<i32>} : memref<16x128xf32, #tpu.memory_space<vmem>>, vector<1x16xf32>,
    %swap3A_500 = vector.shape_cast %swap3A_499 : vector<1x16xf32> to vector<16xf32>
    %swap3A_501 = vector.shape_cast %broadcast_in_dim3A_495 : vector<16xf32> to vector<1x16xf32>
    tpu.vector_store %arg13[%swap3A_497, %swap3A_498], %swap3A_501 {strides = array<i32>} : memref<16x128xf32, #tpu.memory_space<vmem>>, vector<1x16xf32>,
    %broadcast_in_dim3A_502 = arith.constant 0.000000e+00 : f32
    %broadcast_in_dim3A_503 = vector.broadcast %broadcast_in_dim3A_502 : f32 to vector<16xf32>
    %swap3A_504 = arith.constant 5 : i32
    %swap3A_505 = arith.index_cast %swap3A_504 : i32 to index
    %swap3A_506 = arith.constant 16 : index
    %swap3A_507 = tpu.vector_load %arg13[%swap3A_505, %swap3A_506] {strides = array<i32>} : memref<16x128xf32, #tpu.memory_space<vmem>>, vector<1x16xf32>,
    %swap3A_508 = vector.shape_cast %swap3A_507 : vector<1x16xf32> to vector<16xf32>
    %swap3A_509 = vector.shape_cast %broadcast_in_dim3A_503 : vector<16xf32> to vector<1x16xf32>
    tpu.vector_store %arg13[%swap3A_505, %swap3A_506], %swap3A_509 {strides = array<i32>} : memref<16x128xf32, #tpu.memory_space<vmem>>, vector<1x16xf32>,
    %broadcast_in_dim3A_510 = arith.constant 0.000000e+00 : f32
    %broadcast_in_dim3A_511 = vector.broadcast %broadcast_in_dim3A_510 : f32 to vector<16xf32>
    %swap3A_512 = arith.constant 5 : i32
    %swap3A_513 = arith.index_cast %swap3A_512 : i32 to index
    %swap3A_514 = arith.constant 32 : index
    %swap3A_515 = tpu.vector_load %arg13[%swap3A_513, %swap3A_514] {strides = array<i32>} : memref<16x128xf32, #tpu.memory_space<vmem>>, vector<1x16xf32>,
    %swap3A_516 = vector.shape_cast %swap3A_515 : vector<1x16xf32> to vector<16xf32>
    %swap3A_517 = vector.shape_cast %broadcast_in_dim3A_511 : vector<16xf32> to vector<1x16xf32>
    tpu.vector_store %arg13[%swap3A_513, %swap3A_514], %swap3A_517 {strides = array<i32>} : memref<16x128xf32, #tpu.memory_space<vmem>>, vector<1x16xf32>,
    %broadcast_in_dim3A_518 = arith.constant 0.000000e+00 : f32
    %broadcast_in_dim3A_519 = vector.broadcast %broadcast_in_dim3A_518 : f32 to vector<16xf32>
    %swap3A_520 = arith.constant 5 : i32
    %swap3A_521 = arith.index_cast %swap3A_520 : i32 to index
    %swap3A_522 = arith.constant 48 : index
    %swap3A_523 = tpu.vector_load %arg13[%swap3A_521, %swap3A_522] {strides = array<i32>} : memref<16x128xf32, #tpu.memory_space<vmem>>, vector<1x16xf32>,
    %swap3A_524 = vector.shape_cast %swap3A_523 : vector<1x16xf32> to vector<16xf32>
    %swap3A_525 = vector.shape_cast %broadcast_in_dim3A_519 : vector<16xf32> to vector<1x16xf32>
    tpu.vector_store %arg13[%swap3A_521, %swap3A_522], %swap3A_525 {strides = array<i32>} : memref<16x128xf32, #tpu.memory_space<vmem>>, vector<1x16xf32>,
    %broadcast_in_dim3A_526 = arith.constant 0.000000e+00 : f32
    %broadcast_in_dim3A_527 = vector.broadcast %broadcast_in_dim3A_526 : f32 to vector<16xf32>
    %swap3A_528 = arith.constant 5 : i32
    %swap3A_529 = arith.index_cast %swap3A_528 : i32 to index
    %swap3A_530 = arith.constant 64 : index
    %swap3A_531 = tpu.vector_load %arg13[%swap3A_529, %swap3A_530] {strides = array<i32>} : memref<16x128xf32, #tpu.memory_space<vmem>>, vector<1x16xf32>,
    %swap3A_532 = vector.shape_cast %swap3A_531 : vector<1x16xf32> to vector<16xf32>
    %swap3A_533 = vector.shape_cast %broadcast_in_dim3A_527 : vector<16xf32> to vector<1x16xf32>
    tpu.vector_store %arg13[%swap3A_529, %swap3A_530], %swap3A_533 {strides = array<i32>} : memref<16x128xf32, #tpu.memory_space<vmem>>, vector<1x16xf32>,
    %broadcast_in_dim3A_534 = arith.constant 0.000000e+00 : f32
    %broadcast_in_dim3A_535 = vector.broadcast %broadcast_in_dim3A_534 : f32 to vector<16xf32>
    %swap3A_536 = arith.constant 5 : i32
    %swap3A_537 = arith.index_cast %swap3A_536 : i32 to index
    %swap3A_538 = arith.constant 80 : index
    %swap3A_539 = tpu.vector_load %arg13[%swap3A_537, %swap3A_538] {strides = array<i32>} : memref<16x128xf32, #tpu.memory_space<vmem>>, vector<1x16xf32>,
    %swap3A_540 = vector.shape_cast %swap3A_539 : vector<1x16xf32> to vector<16xf32>
    %swap3A_541 = vector.shape_cast %broadcast_in_dim3A_535 : vector<16xf32> to vector<1x16xf32>
    tpu.vector_store %arg13[%swap3A_537, %swap3A_538], %swap3A_541 {strides = array<i32>} : memref<16x128xf32, #tpu.memory_space<vmem>>, vector<1x16xf32>,
    %broadcast_in_dim3A_542 = arith.constant 0.000000e+00 : f32
    %broadcast_in_dim3A_543 = vector.broadcast %broadcast_in_dim3A_542 : f32 to vector<16xf32>
    %swap3A_544 = arith.constant 5 : i32
    %swap3A_545 = arith.index_cast %swap3A_544 : i32 to index
    %swap3A_546 = arith.constant 96 : index
    %swap3A_547 = tpu.vector_load %arg13[%swap3A_545, %swap3A_546] {strides = array<i32>} : memref<16x128xf32, #tpu.memory_space<vmem>>, vector<1x16xf32>,
    %swap3A_548 = vector.shape_cast %swap3A_547 : vector<1x16xf32> to vector<16xf32>
    %swap3A_549 = vector.shape_cast %broadcast_in_dim3A_543 : vector<16xf32> to vector<1x16xf32>
    tpu.vector_store %arg13[%swap3A_545, %swap3A_546], %swap3A_549 {strides = array<i32>} : memref<16x128xf32, #tpu.memory_space<vmem>>, vector<1x16xf32>,
    %broadcast_in_dim3A_550 = arith.constant 0.000000e+00 : f32
    %broadcast_in_dim3A_551 = vector.broadcast %broadcast_in_dim3A_550 : f32 to vector<16xf32>
    %swap3A_552 = arith.constant 5 : i32
    %swap3A_553 = arith.index_cast %swap3A_552 : i32 to index
    %swap3A_554 = arith.constant 112 : index
    %swap3A_555 = tpu.vector_load %arg13[%swap3A_553, %swap3A_554] {strides = array<i32>} : memref<16x128xf32, #tpu.memory_space<vmem>>, vector<1x16xf32>,
    %swap3A_556 = vector.shape_cast %swap3A_555 : vector<1x16xf32> to vector<16xf32>
    %swap3A_557 = vector.shape_cast %broadcast_in_dim3A_551 : vector<16xf32> to vector<1x16xf32>
    tpu.vector_store %arg13[%swap3A_553, %swap3A_554], %swap3A_557 {strides = array<i32>} : memref<16x128xf32, #tpu.memory_space<vmem>>, vector<1x16xf32>,
    %broadcast_in_dim3A_558 = arith.constant 0.000000e+00 : f32
    %broadcast_in_dim3A_559 = vector.broadcast %broadcast_in_dim3A_558 : f32 to vector<16xf32>
    %swap3A_560 = arith.constant 6 : i32
    %swap3A_561 = arith.index_cast %swap3A_560 : i32 to index
    %swap3A_562 = arith.constant 0 : index
    %swap3A_563 = tpu.vector_load %arg13[%swap3A_561, %swap3A_562] {strides = array<i32>} : memref<16x128xf32, #tpu.memory_space<vmem>>, vector<1x16xf32>,
    %swap3A_564 = vector.shape_cast %swap3A_563 : vector<1x16xf32> to vector<16xf32>
    %swap3A_565 = vector.shape_cast %broadcast_in_dim3A_559 : vector<16xf32> to vector<1x16xf32>
    tpu.vector_store %arg13[%swap3A_561, %swap3A_562], %swap3A_565 {strides = array<i32>} : memref<16x128xf32, #tpu.memory_space<vmem>>, vector<1x16xf32>,
    %broadcast_in_dim3A_566 = arith.constant 0.000000e+00 : f32
    %broadcast_in_dim3A_567 = vector.broadcast %broadcast_in_dim3A_566 : f32 to vector<16xf32>
    %swap3A_568 = arith.constant 6 : i32
    %swap3A_569 = arith.index_cast %swap3A_568 : i32 to index
    %swap3A_570 = arith.constant 16 : index
    %swap3A_571 = tpu.vector_load %arg13[%swap3A_569, %swap3A_570] {strides = array<i32>} : memref<16x128xf32, #tpu.memory_space<vmem>>, vector<1x16xf32>,
    %swap3A_572 = vector.shape_cast %swap3A_571 : vector<1x16xf32> to vector<16xf32>
    %swap3A_573 = vector.shape_cast %broadcast_in_dim3A_567 : vector<16xf32> to vector<1x16xf32>
    tpu.vector_store %arg13[%swap3A_569, %swap3A_570], %swap3A_573 {strides = array<i32>} : memref<16x128xf32, #tpu.memory_space<vmem>>, vector<1x16xf32>,
    %broadcast_in_dim3A_574 = arith.constant 0.000000e+00 : f32
    %broadcast_in_dim3A_575 = vector.broadcast %broadcast_in_dim3A_574 : f32 to vector<16xf32>
    %swap3A_576 = arith.constant 6 : i32
    %swap3A_577 = arith.index_cast %swap3A_576 : i32 to index
    %swap3A_578 = arith.constant 32 : index
    %swap3A_579 = tpu.vector_load %arg13[%swap3A_577, %swap3A_578] {strides = array<i32>} : memref<16x128xf32, #tpu.memory_space<vmem>>, vector<1x16xf32>,
    %swap3A_580 = vector.shape_cast %swap3A_579 : vector<1x16xf32> to vector<16xf32>
    %swap3A_581 = vector.shape_cast %broadcast_in_dim3A_575 : vector<16xf32> to vector<1x16xf32>
    tpu.vector_store %arg13[%swap3A_577, %swap3A_578], %swap3A_581 {strides = array<i32>} : memref<16x128xf32, #tpu.memory_space<vmem>>, vector<1x16xf32>,
    %broadcast_in_dim3A_582 = arith.constant 0.000000e+00 : f32
    %broadcast_in_dim3A_583 = vector.broadcast %broadcast_in_dim3A_582 : f32 to vector<16xf32>
    %swap3A_584 = arith.constant 6 : i32
    %swap3A_585 = arith.index_cast %swap3A_584 : i32 to index
    %swap3A_586 = arith.constant 48 : index
    %swap3A_587 = tpu.vector_load %arg13[%swap3A_585, %swap3A_586] {strides = array<i32>} : memref<16x128xf32, #tpu.memory_space<vmem>>, vector<1x16xf32>,
    %swap3A_588 = vector.shape_cast %swap3A_587 : vector<1x16xf32> to vector<16xf32>
    %swap3A_589 = vector.shape_cast %broadcast_in_dim3A_583 : vector<16xf32> to vector<1x16xf32>
    tpu.vector_store %arg13[%swap3A_585, %swap3A_586], %swap3A_589 {strides = array<i32>} : memref<16x128xf32, #tpu.memory_space<vmem>>, vector<1x16xf32>,
    %broadcast_in_dim3A_590 = arith.constant 0.000000e+00 : f32
    %broadcast_in_dim3A_591 = vector.broadcast %broadcast_in_dim3A_590 : f32 to vector<16xf32>
    %swap3A_592 = arith.constant 6 : i32
    %swap3A_593 = arith.index_cast %swap3A_592 : i32 to index
    %swap3A_594 = arith.constant 64 : index
    %swap3A_595 = tpu.vector_load %arg13[%swap3A_593, %swap3A_594] {strides = array<i32>} : memref<16x128xf32, #tpu.memory_space<vmem>>, vector<1x16xf32>,
    %swap3A_596 = vector.shape_cast %swap3A_595 : vector<1x16xf32> to vector<16xf32>
    %swap3A_597 = vector.shape_cast %broadcast_in_dim3A_591 : vector<16xf32> to vector<1x16xf32>
    tpu.vector_store %arg13[%swap3A_593, %swap3A_594], %swap3A_597 {strides = array<i32>} : memref<16x128xf32, #tpu.memory_space<vmem>>, vector<1x16xf32>,
    %broadcast_in_dim3A_598 = arith.constant 0.000000e+00 : f32
    %broadcast_in_dim3A_599 = vector.broadcast %broadcast_in_dim3A_598 : f32 to vector<16xf32>
    %swap3A_600 = arith.constant 6 : i32
    %swap3A_601 = arith.index_cast %swap3A_600 : i32 to index
    %swap3A_602 = arith.constant 80 : index
    %swap3A_603 = tpu.vector_load %arg13[%swap3A_601, %swap3A_602] {strides = array<i32>} : memref<16x128xf32, #tpu.memory_space<vmem>>, vector<1x16xf32>,
    %swap3A_604 = vector.shape_cast %swap3A_603 : vector<1x16xf32> to vector<16xf32>
    %swap3A_605 = vector.shape_cast %broadcast_in_dim3A_599 : vector<16xf32> to vector<1x16xf32>
    tpu.vector_store %arg13[%swap3A_601, %swap3A_602], %swap3A_605 {strides = array<i32>} : memref<16x128xf32, #tpu.memory_space<vmem>>, vector<1x16xf32>,
    %broadcast_in_dim3A_606 = arith.constant 0.000000e+00 : f32
    %broadcast_in_dim3A_607 = vector.broadcast %broadcast_in_dim3A_606 : f32 to vector<16xf32>
    %swap3A_608 = arith.constant 6 : i32
    %swap3A_609 = arith.index_cast %swap3A_608 : i32 to index
    %swap3A_610 = arith.constant 96 : index
    %swap3A_611 = tpu.vector_load %arg13[%swap3A_609, %swap3A_610] {strides = array<i32>} : memref<16x128xf32, #tpu.memory_space<vmem>>, vector<1x16xf32>,
    %swap3A_612 = vector.shape_cast %swap3A_611 : vector<1x16xf32> to vector<16xf32>
    %swap3A_613 = vector.shape_cast %broadcast_in_dim3A_607 : vector<16xf32> to vector<1x16xf32>
    tpu.vector_store %arg13[%swap3A_609, %swap3A_610], %swap3A_613 {strides = array<i32>} : memref<16x128xf32, #tpu.memory_space<vmem>>, vector<1x16xf32>,
    %broadcast_in_dim3A_614 = arith.constant 0.000000e+00 : f32
    %broadcast_in_dim3A_615 = vector.broadcast %broadcast_in_dim3A_614 : f32 to vector<16xf32>
    %swap3A_616 = arith.constant 6 : i32
    %swap3A_617 = arith.index_cast %swap3A_616 : i32 to index
    %swap3A_618 = arith.constant 112 : index
    %swap3A_619 = tpu.vector_load %arg13[%swap3A_617, %swap3A_618] {strides = array<i32>} : memref<16x128xf32, #tpu.memory_space<vmem>>, vector<1x16xf32>,
    %swap3A_620 = vector.shape_cast %swap3A_619 : vector<1x16xf32> to vector<16xf32>
    %swap3A_621 = vector.shape_cast %broadcast_in_dim3A_615 : vector<16xf32> to vector<1x16xf32>
    tpu.vector_store %arg13[%swap3A_617, %swap3A_618], %swap3A_621 {strides = array<i32>} : memref<16x128xf32, #tpu.memory_space<vmem>>, vector<1x16xf32>,
    %broadcast_in_dim3A_622 = arith.constant 0.000000e+00 : f32
    %broadcast_in_dim3A_623 = vector.broadcast %broadcast_in_dim3A_622 : f32 to vector<16xf32>
    %swap3A_624 = arith.constant 7 : i32
    %swap3A_625 = arith.index_cast %swap3A_624 : i32 to index
    %swap3A_626 = arith.constant 0 : index
    %swap3A_627 = tpu.vector_load %arg13[%swap3A_625, %swap3A_626] {strides = array<i32>} : memref<16x128xf32, #tpu.memory_space<vmem>>, vector<1x16xf32>,
    %swap3A_628 = vector.shape_cast %swap3A_627 : vector<1x16xf32> to vector<16xf32>
    %swap3A_629 = vector.shape_cast %broadcast_in_dim3A_623 : vector<16xf32> to vector<1x16xf32>
    tpu.vector_store %arg13[%swap3A_625, %swap3A_626], %swap3A_629 {strides = array<i32>} : memref<16x128xf32, #tpu.memory_space<vmem>>, vector<1x16xf32>,
    %broadcast_in_dim3A_630 = arith.constant 0.000000e+00 : f32
    %broadcast_in_dim3A_631 = vector.broadcast %broadcast_in_dim3A_630 : f32 to vector<16xf32>
    %swap3A_632 = arith.constant 7 : i32
    %swap3A_633 = arith.index_cast %swap3A_632 : i32 to index
    %swap3A_634 = arith.constant 16 : index
    %swap3A_635 = tpu.vector_load %arg13[%swap3A_633, %swap3A_634] {strides = array<i32>} : memref<16x128xf32, #tpu.memory_space<vmem>>, vector<1x16xf32>,
    %swap3A_636 = vector.shape_cast %swap3A_635 : vector<1x16xf32> to vector<16xf32>
    %swap3A_637 = vector.shape_cast %broadcast_in_dim3A_631 : vector<16xf32> to vector<1x16xf32>
    tpu.vector_store %arg13[%swap3A_633, %swap3A_634], %swap3A_637 {strides = array<i32>} : memref<16x128xf32, #tpu.memory_space<vmem>>, vector<1x16xf32>,
    %broadcast_in_dim3A_638 = arith.constant 0.000000e+00 : f32
    %broadcast_in_dim3A_639 = vector.broadcast %broadcast_in_dim3A_638 : f32 to vector<16xf32>
    %swap3A_640 = arith.constant 7 : i32
    %swap3A_641 = arith.index_cast %swap3A_640 : i32 to index
    %swap3A_642 = arith.constant 32 : index
    %swap3A_643 = tpu.vector_load %arg13[%swap3A_641, %swap3A_642] {strides = array<i32>} : memref<16x128xf32, #tpu.memory_space<vmem>>, vector<1x16xf32>,
    %swap3A_644 = vector.shape_cast %swap3A_643 : vector<1x16xf32> to vector<16xf32>
    %swap3A_645 = vector.shape_cast %broadcast_in_dim3A_639 : vector<16xf32> to vector<1x16xf32>
    tpu.vector_store %arg13[%swap3A_641, %swap3A_642], %swap3A_645 {strides = array<i32>} : memref<16x128xf32, #tpu.memory_space<vmem>>, vector<1x16xf32>,
    %broadcast_in_dim3A_646 = arith.constant 0.000000e+00 : f32
    %broadcast_in_dim3A_647 = vector.broadcast %broadcast_in_dim3A_646 : f32 to vector<16xf32>
    %swap3A_648 = arith.constant 7 : i32
    %swap3A_649 = arith.index_cast %swap3A_648 : i32 to index
    %swap3A_650 = arith.constant 48 : index
    %swap3A_651 = tpu.vector_load %arg13[%swap3A_649, %swap3A_650] {strides = array<i32>} : memref<16x128xf32, #tpu.memory_space<vmem>>, vector<1x16xf32>,
    %swap3A_652 = vector.shape_cast %swap3A_651 : vector<1x16xf32> to vector<16xf32>
    %swap3A_653 = vector.shape_cast %broadcast_in_dim3A_647 : vector<16xf32> to vector<1x16xf32>
    tpu.vector_store %arg13[%swap3A_649, %swap3A_650], %swap3A_653 {strides = array<i32>} : memref<16x128xf32, #tpu.memory_space<vmem>>, vector<1x16xf32>,
    %broadcast_in_dim3A_654 = arith.constant 0.000000e+00 : f32
    %broadcast_in_dim3A_655 = vector.broadcast %broadcast_in_dim3A_654 : f32 to vector<16xf32>
    %swap3A_656 = arith.constant 7 : i32
    %swap3A_657 = arith.index_cast %swap3A_656 : i32 to index
    %swap3A_658 = arith.constant 64 : index
    %swap3A_659 = tpu.vector_load %arg13[%swap3A_657, %swap3A_658] {strides = array<i32>} : memref<16x128xf32, #tpu.memory_space<vmem>>, vector<1x16xf32>,
    %swap3A_660 = vector.shape_cast %swap3A_659 : vector<1x16xf32> to vector<16xf32>
    %swap3A_661 = vector.shape_cast %broadcast_in_dim3A_655 : vector<16xf32> to vector<1x16xf32>
    tpu.vector_store %arg13[%swap3A_657, %swap3A_658], %swap3A_661 {strides = array<i32>} : memref<16x128xf32, #tpu.memory_space<vmem>>, vector<1x16xf32>,
    %broadcast_in_dim3A_662 = arith.constant 0.000000e+00 : f32
    %broadcast_in_dim3A_663 = vector.broadcast %broadcast_in_dim3A_662 : f32 to vector<16xf32>
    %swap3A_664 = arith.constant 7 : i32
    %swap3A_665 = arith.index_cast %swap3A_664 : i32 to index
    %swap3A_666 = arith.constant 80 : index
    %swap3A_667 = tpu.vector_load %arg13[%swap3A_665, %swap3A_666] {strides = array<i32>} : memref<16x128xf32, #tpu.memory_space<vmem>>, vector<1x16xf32>,
    %swap3A_668 = vector.shape_cast %swap3A_667 : vector<1x16xf32> to vector<16xf32>
    %swap3A_669 = vector.shape_cast %broadcast_in_dim3A_663 : vector<16xf32> to vector<1x16xf32>
    tpu.vector_store %arg13[%swap3A_665, %swap3A_666], %swap3A_669 {strides = array<i32>} : memref<16x128xf32, #tpu.memory_space<vmem>>, vector<1x16xf32>,
    %broadcast_in_dim3A_670 = arith.constant 0.000000e+00 : f32
    %broadcast_in_dim3A_671 = vector.broadcast %broadcast_in_dim3A_670 : f32 to vector<16xf32>
    %swap3A_672 = arith.constant 7 : i32
    %swap3A_673 = arith.index_cast %swap3A_672 : i32 to index
    %swap3A_674 = arith.constant 96 : index
    %swap3A_675 = tpu.vector_load %arg13[%swap3A_673, %swap3A_674] {strides = array<i32>} : memref<16x128xf32, #tpu.memory_space<vmem>>, vector<1x16xf32>,
    %swap3A_676 = vector.shape_cast %swap3A_675 : vector<1x16xf32> to vector<16xf32>
    %swap3A_677 = vector.shape_cast %broadcast_in_dim3A_671 : vector<16xf32> to vector<1x16xf32>
    tpu.vector_store %arg13[%swap3A_673, %swap3A_674], %swap3A_677 {strides = array<i32>} : memref<16x128xf32, #tpu.memory_space<vmem>>, vector<1x16xf32>,
    %broadcast_in_dim3A_678 = arith.constant 0.000000e+00 : f32
    %broadcast_in_dim3A_679 = vector.broadcast %broadcast_in_dim3A_678 : f32 to vector<16xf32>
    %swap3A_680 = arith.constant 7 : i32
    %swap3A_681 = arith.index_cast %swap3A_680 : i32 to index
    %swap3A_682 = arith.constant 112 : index
    %swap3A_683 = tpu.vector_load %arg13[%swap3A_681, %swap3A_682] {strides = array<i32>} : memref<16x128xf32, #tpu.memory_space<vmem>>, vector<1x16xf32>,
    %swap3A_684 = vector.shape_cast %swap3A_683 : vector<1x16xf32> to vector<16xf32>
    %swap3A_685 = vector.shape_cast %broadcast_in_dim3A_679 : vector<16xf32> to vector<1x16xf32>
    tpu.vector_store %arg13[%swap3A_681, %swap3A_682], %swap3A_685 {strides = array<i32>} : memref<16x128xf32, #tpu.memory_space<vmem>>, vector<1x16xf32>,
    %broadcast_in_dim3A_686 = arith.constant 0.000000e+00 : f32
    %broadcast_in_dim3A_687 = vector.broadcast %broadcast_in_dim3A_686 : f32 to vector<16xf32>
    %swap3A_688 = arith.constant 8 : i32
    %swap3A_689 = arith.index_cast %swap3A_688 : i32 to index
    %swap3A_690 = arith.constant 0 : index
    %swap3A_691 = tpu.vector_load %arg13[%swap3A_689, %swap3A_690] {strides = array<i32>} : memref<16x128xf32, #tpu.memory_space<vmem>>, vector<1x16xf32>,
    %swap3A_692 = vector.shape_cast %swap3A_691 : vector<1x16xf32> to vector<16xf32>
    %swap3A_693 = vector.shape_cast %broadcast_in_dim3A_687 : vector<16xf32> to vector<1x16xf32>
    tpu.vector_store %arg13[%swap3A_689, %swap3A_690], %swap3A_693 {strides = array<i32>} : memref<16x128xf32, #tpu.memory_space<vmem>>, vector<1x16xf32>,
    %broadcast_in_dim3A_694 = arith.constant 0.000000e+00 : f32
    %broadcast_in_dim3A_695 = vector.broadcast %broadcast_in_dim3A_694 : f32 to vector<16xf32>
    %swap3A_696 = arith.constant 8 : i32
    %swap3A_697 = arith.index_cast %swap3A_696 : i32 to index
    %swap3A_698 = arith.constant 16 : index
    %swap3A_699 = tpu.vector_load %arg13[%swap3A_697, %swap3A_698] {strides = array<i32>} : memref<16x128xf32, #tpu.memory_space<vmem>>, vector<1x16xf32>,
    %swap3A_700 = vector.shape_cast %swap3A_699 : vector<1x16xf32> to vector<16xf32>
    %swap3A_701 = vector.shape_cast %broadcast_in_dim3A_695 : vector<16xf32> to vector<1x16xf32>
    tpu.vector_store %arg13[%swap3A_697, %swap3A_698], %swap3A_701 {strides = array<i32>} : memref<16x128xf32, #tpu.memory_space<vmem>>, vector<1x16xf32>,
    %broadcast_in_dim3A_702 = arith.constant 0.000000e+00 : f32
    %broadcast_in_dim3A_703 = vector.broadcast %broadcast_in_dim3A_702 : f32 to vector<16xf32>
    %swap3A_704 = arith.constant 8 : i32
    %swap3A_705 = arith.index_cast %swap3A_704 : i32 to index
    %swap3A_706 = arith.constant 32 : index
    %swap3A_707 = tpu.vector_load %arg13[%swap3A_705, %swap3A_706] {strides = array<i32>} : memref<16x128xf32, #tpu.memory_space<vmem>>, vector<1x16xf32>,
    %swap3A_708 = vector.shape_cast %swap3A_707 : vector<1x16xf32> to vector<16xf32>
    %swap3A_709 = vector.shape_cast %broadcast_in_dim3A_703 : vector<16xf32> to vector<1x16xf32>
    tpu.vector_store %arg13[%swap3A_705, %swap3A_706], %swap3A_709 {strides = array<i32>} : memref<16x128xf32, #tpu.memory_space<vmem>>, vector<1x16xf32>,
    %broadcast_in_dim3A_710 = arith.constant 0.000000e+00 : f32
    %broadcast_in_dim3A_711 = vector.broadcast %broadcast_in_dim3A_710 : f32 to vector<16xf32>
    %swap3A_712 = arith.constant 8 : i32
    %swap3A_713 = arith.index_cast %swap3A_712 : i32 to index
    %swap3A_714 = arith.constant 48 : index
    %swap3A_715 = tpu.vector_load %arg13[%swap3A_713, %swap3A_714] {strides = array<i32>} : memref<16x128xf32, #tpu.memory_space<vmem>>, vector<1x16xf32>,
    %swap3A_716 = vector.shape_cast %swap3A_715 : vector<1x16xf32> to vector<16xf32>
    %swap3A_717 = vector.shape_cast %broadcast_in_dim3A_711 : vector<16xf32> to vector<1x16xf32>
    tpu.vector_store %arg13[%swap3A_713, %swap3A_714], %swap3A_717 {strides = array<i32>} : memref<16x128xf32, #tpu.memory_space<vmem>>, vector<1x16xf32>,
    %broadcast_in_dim3A_718 = arith.constant 0.000000e+00 : f32
    %broadcast_in_dim3A_719 = vector.broadcast %broadcast_in_dim3A_718 : f32 to vector<16xf32>
    %swap3A_720 = arith.constant 8 : i32
    %swap3A_721 = arith.index_cast %swap3A_720 : i32 to index
    %swap3A_722 = arith.constant 64 : index
    %swap3A_723 = tpu.vector_load %arg13[%swap3A_721, %swap3A_722] {strides = array<i32>} : memref<16x128xf32, #tpu.memory_space<vmem>>, vector<1x16xf32>,
    %swap3A_724 = vector.shape_cast %swap3A_723 : vector<1x16xf32> to vector<16xf32>
    %swap3A_725 = vector.shape_cast %broadcast_in_dim3A_719 : vector<16xf32> to vector<1x16xf32>
    tpu.vector_store %arg13[%swap3A_721, %swap3A_722], %swap3A_725 {strides = array<i32>} : memref<16x128xf32, #tpu.memory_space<vmem>>, vector<1x16xf32>,
    %broadcast_in_dim3A_726 = arith.constant 0.000000e+00 : f32
    %broadcast_in_dim3A_727 = vector.broadcast %broadcast_in_dim3A_726 : f32 to vector<16xf32>
    %swap3A_728 = arith.constant 8 : i32
    %swap3A_729 = arith.index_cast %swap3A_728 : i32 to index
    %swap3A_730 = arith.constant 80 : index
    %swap3A_731 = tpu.vector_load %arg13[%swap3A_729, %swap3A_730] {strides = array<i32>} : memref<16x128xf32, #tpu.memory_space<vmem>>, vector<1x16xf32>,
    %swap3A_732 = vector.shape_cast %swap3A_731 : vector<1x16xf32> to vector<16xf32>
    %swap3A_733 = vector.shape_cast %broadcast_in_dim3A_727 : vector<16xf32> to vector<1x16xf32>
    tpu.vector_store %arg13[%swap3A_729, %swap3A_730], %swap3A_733 {strides = array<i32>} : memref<16x128xf32, #tpu.memory_space<vmem>>, vector<1x16xf32>,
    %broadcast_in_dim3A_734 = arith.constant 0.000000e+00 : f32
    %broadcast_in_dim3A_735 = vector.broadcast %broadcast_in_dim3A_734 : f32 to vector<16xf32>
    %swap3A_736 = arith.constant 8 : i32
    %swap3A_737 = arith.index_cast %swap3A_736 : i32 to index
    %swap3A_738 = arith.constant 96 : index
    %swap3A_739 = tpu.vector_load %arg13[%swap3A_737, %swap3A_738] {strides = array<i32>} : memref<16x128xf32, #tpu.memory_space<vmem>>, vector<1x16xf32>,
    %swap3A_740 = vector.shape_cast %swap3A_739 : vector<1x16xf32> to vector<16xf32>
    %swap3A_741 = vector.shape_cast %broadcast_in_dim3A_735 : vector<16xf32> to vector<1x16xf32>
    tpu.vector_store %arg13[%swap3A_737, %swap3A_738], %swap3A_741 {strides = array<i32>} : memref<16x128xf32, #tpu.memory_space<vmem>>, vector<1x16xf32>,
    %broadcast_in_dim3A_742 = arith.constant 0.000000e+00 : f32
    %broadcast_in_dim3A_743 = vector.broadcast %broadcast_in_dim3A_742 : f32 to vector<16xf32>
    %swap3A_744 = arith.constant 8 : i32
    %swap3A_745 = arith.index_cast %swap3A_744 : i32 to index
    %swap3A_746 = arith.constant 112 : index
    %swap3A_747 = tpu.vector_load %arg13[%swap3A_745, %swap3A_746] {strides = array<i32>} : memref<16x128xf32, #tpu.memory_space<vmem>>, vector<1x16xf32>,
    %swap3A_748 = vector.shape_cast %swap3A_747 : vector<1x16xf32> to vector<16xf32>
    %swap3A_749 = vector.shape_cast %broadcast_in_dim3A_743 : vector<16xf32> to vector<1x16xf32>
    tpu.vector_store %arg13[%swap3A_745, %swap3A_746], %swap3A_749 {strides = array<i32>} : memref<16x128xf32, #tpu.memory_space<vmem>>, vector<1x16xf32>,
    %broadcast_in_dim3A_750 = arith.constant 0.000000e+00 : f32
    %broadcast_in_dim3A_751 = vector.broadcast %broadcast_in_dim3A_750 : f32 to vector<16xf32>
    %swap3A_752 = arith.constant 9 : i32
    %swap3A_753 = arith.index_cast %swap3A_752 : i32 to index
    %swap3A_754 = arith.constant 0 : index
    %swap3A_755 = tpu.vector_load %arg13[%swap3A_753, %swap3A_754] {strides = array<i32>} : memref<16x128xf32, #tpu.memory_space<vmem>>, vector<1x16xf32>,
    %swap3A_756 = vector.shape_cast %swap3A_755 : vector<1x16xf32> to vector<16xf32>
    %swap3A_757 = vector.shape_cast %broadcast_in_dim3A_751 : vector<16xf32> to vector<1x16xf32>
    tpu.vector_store %arg13[%swap3A_753, %swap3A_754], %swap3A_757 {strides = array<i32>} : memref<16x128xf32, #tpu.memory_space<vmem>>, vector<1x16xf32>,
    %broadcast_in_dim3A_758 = arith.constant 0.000000e+00 : f32
    %broadcast_in_dim3A_759 = vector.broadcast %broadcast_in_dim3A_758 : f32 to vector<16xf32>
    %swap3A_760 = arith.constant 9 : i32
    %swap3A_761 = arith.index_cast %swap3A_760 : i32 to index
    %swap3A_762 = arith.constant 16 : index
    %swap3A_763 = tpu.vector_load %arg13[%swap3A_761, %swap3A_762] {strides = array<i32>} : memref<16x128xf32, #tpu.memory_space<vmem>>, vector<1x16xf32>,
    %swap3A_764 = vector.shape_cast %swap3A_763 : vector<1x16xf32> to vector<16xf32>
    %swap3A_765 = vector.shape_cast %broadcast_in_dim3A_759 : vector<16xf32> to vector<1x16xf32>
    tpu.vector_store %arg13[%swap3A_761, %swap3A_762], %swap3A_765 {strides = array<i32>} : memref<16x128xf32, #tpu.memory_space<vmem>>, vector<1x16xf32>,
    %broadcast_in_dim3A_766 = arith.constant 0.000000e+00 : f32
    %broadcast_in_dim3A_767 = vector.broadcast %broadcast_in_dim3A_766 : f32 to vector<16xf32>
    %swap3A_768 = arith.constant 9 : i32
    %swap3A_769 = arith.index_cast %swap3A_768 : i32 to index
    %swap3A_770 = arith.constant 32 : index
    %swap3A_771 = tpu.vector_load %arg13[%swap3A_769, %swap3A_770] {strides = array<i32>} : memref<16x128xf32, #tpu.memory_space<vmem>>, vector<1x16xf32>,
    %swap3A_772 = vector.shape_cast %swap3A_771 : vector<1x16xf32> to vector<16xf32>
    %swap3A_773 = vector.shape_cast %broadcast_in_dim3A_767 : vector<16xf32> to vector<1x16xf32>
    tpu.vector_store %arg13[%swap3A_769, %swap3A_770], %swap3A_773 {strides = array<i32>} : memref<16x128xf32, #tpu.memory_space<vmem>>, vector<1x16xf32>,
    %broadcast_in_dim3A_774 = arith.constant 0.000000e+00 : f32
    %broadcast_in_dim3A_775 = vector.broadcast %broadcast_in_dim3A_774 : f32 to vector<16xf32>
    %swap3A_776 = arith.constant 9 : i32
    %swap3A_777 = arith.index_cast %swap3A_776 : i32 to index
    %swap3A_778 = arith.constant 48 : index
    %swap3A_779 = tpu.vector_load %arg13[%swap3A_777, %swap3A_778] {strides = array<i32>} : memref<16x128xf32, #tpu.memory_space<vmem>>, vector<1x16xf32>,
    %swap3A_780 = vector.shape_cast %swap3A_779 : vector<1x16xf32> to vector<16xf32>
    %swap3A_781 = vector.shape_cast %broadcast_in_dim3A_775 : vector<16xf32> to vector<1x16xf32>
    tpu.vector_store %arg13[%swap3A_777, %swap3A_778], %swap3A_781 {strides = array<i32>} : memref<16x128xf32, #tpu.memory_space<vmem>>, vector<1x16xf32>,
    %broadcast_in_dim3A_782 = arith.constant 0.000000e+00 : f32
    %broadcast_in_dim3A_783 = vector.broadcast %broadcast_in_dim3A_782 : f32 to vector<16xf32>
    %swap3A_784 = arith.constant 9 : i32
    %swap3A_785 = arith.index_cast %swap3A_784 : i32 to index
    %swap3A_786 = arith.constant 64 : index
    %swap3A_787 = tpu.vector_load %arg13[%swap3A_785, %swap3A_786] {strides = array<i32>} : memref<16x128xf32, #tpu.memory_space<vmem>>, vector<1x16xf32>,
    %swap3A_788 = vector.shape_cast %swap3A_787 : vector<1x16xf32> to vector<16xf32>
    %swap3A_789 = vector.shape_cast %broadcast_in_dim3A_783 : vector<16xf32> to vector<1x16xf32>
    tpu.vector_store %arg13[%swap3A_785, %swap3A_786], %swap3A_789 {strides = array<i32>} : memref<16x128xf32, #tpu.memory_space<vmem>>, vector<1x16xf32>,
    %broadcast_in_dim3A_790 = arith.constant 0.000000e+00 : f32
    %broadcast_in_dim3A_791 = vector.broadcast %broadcast_in_dim3A_790 : f32 to vector<16xf32>
    %swap3A_792 = arith.constant 9 : i32
    %swap3A_793 = arith.index_cast %swap3A_792 : i32 to index
    %swap3A_794 = arith.constant 80 : index
    %swap3A_795 = tpu.vector_load %arg13[%swap3A_793, %swap3A_794] {strides = array<i32>} : memref<16x128xf32, #tpu.memory_space<vmem>>, vector<1x16xf32>,
    %swap3A_796 = vector.shape_cast %swap3A_795 : vector<1x16xf32> to vector<16xf32>
    %swap3A_797 = vector.shape_cast %broadcast_in_dim3A_791 : vector<16xf32> to vector<1x16xf32>
    tpu.vector_store %arg13[%swap3A_793, %swap3A_794], %swap3A_797 {strides = array<i32>} : memref<16x128xf32, #tpu.memory_space<vmem>>, vector<1x16xf32>,
    %broadcast_in_dim3A_798 = arith.constant 0.000000e+00 : f32
    %broadcast_in_dim3A_799 = vector.broadcast %broadcast_in_dim3A_798 : f32 to vector<16xf32>
    %swap3A_800 = arith.constant 9 : i32
    %swap3A_801 = arith.index_cast %swap3A_800 : i32 to index
    %swap3A_802 = arith.constant 96 : index
    %swap3A_803 = tpu.vector_load %arg13[%swap3A_801, %swap3A_802] {strides = array<i32>} : memref<16x128xf32, #tpu.memory_space<vmem>>, vector<1x16xf32>,
    %swap3A_804 = vector.shape_cast %swap3A_803 : vector<1x16xf32> to vector<16xf32>
    %swap3A_805 = vector.shape_cast %broadcast_in_dim3A_799 : vector<16xf32> to vector<1x16xf32>
    tpu.vector_store %arg13[%swap3A_801, %swap3A_802], %swap3A_805 {strides = array<i32>} : memref<16x128xf32, #tpu.memory_space<vmem>>, vector<1x16xf32>,
    %broadcast_in_dim3A_806 = arith.constant 0.000000e+00 : f32
    %broadcast_in_dim3A_807 = vector.broadcast %broadcast_in_dim3A_806 : f32 to vector<16xf32>
    %swap3A_808 = arith.constant 9 : i32
    %swap3A_809 = arith.index_cast %swap3A_808 : i32 to index
    %swap3A_810 = arith.constant 112 : index
    %swap3A_811 = tpu.vector_load %arg13[%swap3A_809, %swap3A_810] {strides = array<i32>} : memref<16x128xf32, #tpu.memory_space<vmem>>, vector<1x16xf32>,
    %swap3A_812 = vector.shape_cast %swap3A_811 : vector<1x16xf32> to vector<16xf32>
    %swap3A_813 = vector.shape_cast %broadcast_in_dim3A_807 : vector<16xf32> to vector<1x16xf32>
    tpu.vector_store %arg13[%swap3A_809, %swap3A_810], %swap3A_813 {strides = array<i32>} : memref<16x128xf32, #tpu.memory_space<vmem>>, vector<1x16xf32>,
    %broadcast_in_dim3A_814 = arith.constant 0.000000e+00 : f32
    %broadcast_in_dim3A_815 = vector.broadcast %broadcast_in_dim3A_814 : f32 to vector<16xf32>
    %swap3A_816 = arith.constant 10 : i32
    %swap3A_817 = arith.index_cast %swap3A_816 : i32 to index
    %swap3A_818 = arith.constant 0 : index
    %swap3A_819 = tpu.vector_load %arg13[%swap3A_817, %swap3A_818] {strides = array<i32>} : memref<16x128xf32, #tpu.memory_space<vmem>>, vector<1x16xf32>,
    %swap3A_820 = vector.shape_cast %swap3A_819 : vector<1x16xf32> to vector<16xf32>
    %swap3A_821 = vector.shape_cast %broadcast_in_dim3A_815 : vector<16xf32> to vector<1x16xf32>
    tpu.vector_store %arg13[%swap3A_817, %swap3A_818], %swap3A_821 {strides = array<i32>} : memref<16x128xf32, #tpu.memory_space<vmem>>, vector<1x16xf32>,
    %broadcast_in_dim3A_822 = arith.constant 0.000000e+00 : f32
    %broadcast_in_dim3A_823 = vector.broadcast %broadcast_in_dim3A_822 : f32 to vector<16xf32>
    %swap3A_824 = arith.constant 10 : i32
    %swap3A_825 = arith.index_cast %swap3A_824 : i32 to index
    %swap3A_826 = arith.constant 16 : index
    %swap3A_827 = tpu.vector_load %arg13[%swap3A_825, %swap3A_826] {strides = array<i32>} : memref<16x128xf32, #tpu.memory_space<vmem>>, vector<1x16xf32>,
    %swap3A_828 = vector.shape_cast %swap3A_827 : vector<1x16xf32> to vector<16xf32>
    %swap3A_829 = vector.shape_cast %broadcast_in_dim3A_823 : vector<16xf32> to vector<1x16xf32>
    tpu.vector_store %arg13[%swap3A_825, %swap3A_826], %swap3A_829 {strides = array<i32>} : memref<16x128xf32, #tpu.memory_space<vmem>>, vector<1x16xf32>,
    %broadcast_in_dim3A_830 = arith.constant 0.000000e+00 : f32
    %broadcast_in_dim3A_831 = vector.broadcast %broadcast_in_dim3A_830 : f32 to vector<16xf32>
    %swap3A_832 = arith.constant 10 : i32
    %swap3A_833 = arith.index_cast %swap3A_832 : i32 to index
    %swap3A_834 = arith.constant 32 : index
    %swap3A_835 = tpu.vector_load %arg13[%swap3A_833, %swap3A_834] {strides = array<i32>} : memref<16x128xf32, #tpu.memory_space<vmem>>, vector<1x16xf32>,
    %swap3A_836 = vector.shape_cast %swap3A_835 : vector<1x16xf32> to vector<16xf32>
    %swap3A_837 = vector.shape_cast %broadcast_in_dim3A_831 : vector<16xf32> to vector<1x16xf32>
    tpu.vector_store %arg13[%swap3A_833, %swap3A_834], %swap3A_837 {strides = array<i32>} : memref<16x128xf32, #tpu.memory_space<vmem>>, vector<1x16xf32>,
    %broadcast_in_dim3A_838 = arith.constant 0.000000e+00 : f32
    %broadcast_in_dim3A_839 = vector.broadcast %broadcast_in_dim3A_838 : f32 to vector<16xf32>
    %swap3A_840 = arith.constant 10 : i32
    %swap3A_841 = arith.index_cast %swap3A_840 : i32 to index
    %swap3A_842 = arith.constant 48 : index
    %swap3A_843 = tpu.vector_load %arg13[%swap3A_841, %swap3A_842] {strides = array<i32>} : memref<16x128xf32, #tpu.memory_space<vmem>>, vector<1x16xf32>,
    %swap3A_844 = vector.shape_cast %swap3A_843 : vector<1x16xf32> to vector<16xf32>
    %swap3A_845 = vector.shape_cast %broadcast_in_dim3A_839 : vector<16xf32> to vector<1x16xf32>
    tpu.vector_store %arg13[%swap3A_841, %swap3A_842], %swap3A_845 {strides = array<i32>} : memref<16x128xf32, #tpu.memory_space<vmem>>, vector<1x16xf32>,
    %broadcast_in_dim3A_846 = arith.constant 0.000000e+00 : f32
    %broadcast_in_dim3A_847 = vector.broadcast %broadcast_in_dim3A_846 : f32 to vector<16xf32>
    %swap3A_848 = arith.constant 10 : i32
    %swap3A_849 = arith.index_cast %swap3A_848 : i32 to index
    %swap3A_850 = arith.constant 64 : index
    %swap3A_851 = tpu.vector_load %arg13[%swap3A_849, %swap3A_850] {strides = array<i32>} : memref<16x128xf32, #tpu.memory_space<vmem>>, vector<1x16xf32>,
    %swap3A_852 = vector.shape_cast %swap3A_851 : vector<1x16xf32> to vector<16xf32>
    %swap3A_853 = vector.shape_cast %broadcast_in_dim3A_847 : vector<16xf32> to vector<1x16xf32>
    tpu.vector_store %arg13[%swap3A_849, %swap3A_850], %swap3A_853 {strides = array<i32>} : memref<16x128xf32, #tpu.memory_space<vmem>>, vector<1x16xf32>,
    %broadcast_in_dim3A_854 = arith.constant 0.000000e+00 : f32
    %broadcast_in_dim3A_855 = vector.broadcast %broadcast_in_dim3A_854 : f32 to vector<16xf32>
    %swap3A_856 = arith.constant 10 : i32
    %swap3A_857 = arith.index_cast %swap3A_856 : i32 to index
    %swap3A_858 = arith.constant 80 : index
    %swap3A_859 = tpu.vector_load %arg13[%swap3A_857, %swap3A_858] {strides = array<i32>} : memref<16x128xf32, #tpu.memory_space<vmem>>, vector<1x16xf32>,
    %swap3A_860 = vector.shape_cast %swap3A_859 : vector<1x16xf32> to vector<16xf32>
    %swap3A_861 = vector.shape_cast %broadcast_in_dim3A_855 : vector<16xf32> to vector<1x16xf32>
    tpu.vector_store %arg13[%swap3A_857, %swap3A_858], %swap3A_861 {strides = array<i32>} : memref<16x128xf32, #tpu.memory_space<vmem>>, vector<1x16xf32>,
    %broadcast_in_dim3A_862 = arith.constant 0.000000e+00 : f32
    %broadcast_in_dim3A_863 = vector.broadcast %broadcast_in_dim3A_862 : f32 to vector<16xf32>
    %swap3A_864 = arith.constant 10 : i32
    %swap3A_865 = arith.index_cast %swap3A_864 : i32 to index
    %swap3A_866 = arith.constant 96 : index
    %swap3A_867 = tpu.vector_load %arg13[%swap3A_865, %swap3A_866] {strides = array<i32>} : memref<16x128xf32, #tpu.memory_space<vmem>>, vector<1x16xf32>,
    %swap3A_868 = vector.shape_cast %swap3A_867 : vector<1x16xf32> to vector<16xf32>
    %swap3A_869 = vector.shape_cast %broadcast_in_dim3A_863 : vector<16xf32> to vector<1x16xf32>
    tpu.vector_store %arg13[%swap3A_865, %swap3A_866], %swap3A_869 {strides = array<i32>} : memref<16x128xf32, #tpu.memory_space<vmem>>, vector<1x16xf32>,
    %broadcast_in_dim3A_870 = arith.constant 0.000000e+00 : f32
    %broadcast_in_dim3A_871 = vector.broadcast %broadcast_in_dim3A_870 : f32 to vector<16xf32>
    %swap3A_872 = arith.constant 10 : i32
    %swap3A_873 = arith.index_cast %swap3A_872 : i32 to index
    %swap3A_874 = arith.constant 112 : index
    %swap3A_875 = tpu.vector_load %arg13[%swap3A_873, %swap3A_874] {strides = array<i32>} : memref<16x128xf32, #tpu.memory_space<vmem>>, vector<1x16xf32>,
    %swap3A_876 = vector.shape_cast %swap3A_875 : vector<1x16xf32> to vector<16xf32>
    %swap3A_877 = vector.shape_cast %broadcast_in_dim3A_871 : vector<16xf32> to vector<1x16xf32>
    tpu.vector_store %arg13[%swap3A_873, %swap3A_874], %swap3A_877 {strides = array<i32>} : memref<16x128xf32, #tpu.memory_space<vmem>>, vector<1x16xf32>,
    %broadcast_in_dim3A_878 = arith.constant 0.000000e+00 : f32
    %broadcast_in_dim3A_879 = vector.broadcast %broadcast_in_dim3A_878 : f32 to vector<16xf32>
    %swap3A_880 = arith.constant 11 : i32
    %swap3A_881 = arith.index_cast %swap3A_880 : i32 to index
    %swap3A_882 = arith.constant 0 : index
    %swap3A_883 = tpu.vector_load %arg13[%swap3A_881, %swap3A_882] {strides = array<i32>} : memref<16x128xf32, #tpu.memory_space<vmem>>, vector<1x16xf32>,
    %swap3A_884 = vector.shape_cast %swap3A_883 : vector<1x16xf32> to vector<16xf32>
    %swap3A_885 = vector.shape_cast %broadcast_in_dim3A_879 : vector<16xf32> to vector<1x16xf32>
    tpu.vector_store %arg13[%swap3A_881, %swap3A_882], %swap3A_885 {strides = array<i32>} : memref<16x128xf32, #tpu.memory_space<vmem>>, vector<1x16xf32>,
    %broadcast_in_dim3A_886 = arith.constant 0.000000e+00 : f32
    %broadcast_in_dim3A_887 = vector.broadcast %broadcast_in_dim3A_886 : f32 to vector<16xf32>
    %swap3A_888 = arith.constant 11 : i32
    %swap3A_889 = arith.index_cast %swap3A_888 : i32 to index
    %swap3A_890 = arith.constant 16 : index
    %swap3A_891 = tpu.vector_load %arg13[%swap3A_889, %swap3A_890] {strides = array<i32>} : memref<16x128xf32, #tpu.memory_space<vmem>>, vector<1x16xf32>,
    %swap3A_892 = vector.shape_cast %swap3A_891 : vector<1x16xf32> to vector<16xf32>
    %swap3A_893 = vector.shape_cast %broadcast_in_dim3A_887 : vector<16xf32> to vector<1x16xf32>
    tpu.vector_store %arg13[%swap3A_889, %swap3A_890], %swap3A_893 {strides = array<i32>} : memref<16x128xf32, #tpu.memory_space<vmem>>, vector<1x16xf32>,
    %broadcast_in_dim3A_894 = arith.constant 0.000000e+00 : f32
    %broadcast_in_dim3A_895 = vector.broadcast %broadcast_in_dim3A_894 : f32 to vector<16xf32>
    %swap3A_896 = arith.constant 11 : i32
    %swap3A_897 = arith.index_cast %swap3A_896 : i32 to index
    %swap3A_898 = arith.constant 32 : index
    %swap3A_899 = tpu.vector_load %arg13[%swap3A_897, %swap3A_898] {strides = array<i32>} : memref<16x128xf32, #tpu.memory_space<vmem>>, vector<1x16xf32>,
    %swap3A_900 = vector.shape_cast %swap3A_899 : vector<1x16xf32> to vector<16xf32>
    %swap3A_901 = vector.shape_cast %broadcast_in_dim3A_895 : vector<16xf32> to vector<1x16xf32>
    tpu.vector_store %arg13[%swap3A_897, %swap3A_898], %swap3A_901 {strides = array<i32>} : memref<16x128xf32, #tpu.memory_space<vmem>>, vector<1x16xf32>,
    %broadcast_in_dim3A_902 = arith.constant 0.000000e+00 : f32
    %broadcast_in_dim3A_903 = vector.broadcast %broadcast_in_dim3A_902 : f32 to vector<16xf32>
    %swap3A_904 = arith.constant 11 : i32
    %swap3A_905 = arith.index_cast %swap3A_904 : i32 to index
    %swap3A_906 = arith.constant 48 : index
    %swap3A_907 = tpu.vector_load %arg13[%swap3A_905, %swap3A_906] {strides = array<i32>} : memref<16x128xf32, #tpu.memory_space<vmem>>, vector<1x16xf32>,
    %swap3A_908 = vector.shape_cast %swap3A_907 : vector<1x16xf32> to vector<16xf32>
    %swap3A_909 = vector.shape_cast %broadcast_in_dim3A_903 : vector<16xf32> to vector<1x16xf32>
    tpu.vector_store %arg13[%swap3A_905, %swap3A_906], %swap3A_909 {strides = array<i32>} : memref<16x128xf32, #tpu.memory_space<vmem>>, vector<1x16xf32>,
    %broadcast_in_dim3A_910 = arith.constant 0.000000e+00 : f32
    %broadcast_in_dim3A_911 = vector.broadcast %broadcast_in_dim3A_910 : f32 to vector<16xf32>
    %swap3A_912 = arith.constant 11 : i32
    %swap3A_913 = arith.index_cast %swap3A_912 : i32 to index
    %swap3A_914 = arith.constant 64 : index
    %swap3A_915 = tpu.vector_load %arg13[%swap3A_913, %swap3A_914] {strides = array<i32>} : memref<16x128xf32, #tpu.memory_space<vmem>>, vector<1x16xf32>,
    %swap3A_916 = vector.shape_cast %swap3A_915 : vector<1x16xf32> to vector<16xf32>
    %swap3A_917 = vector.shape_cast %broadcast_in_dim3A_911 : vector<16xf32> to vector<1x16xf32>
    tpu.vector_store %arg13[%swap3A_913, %swap3A_914], %swap3A_917 {strides = array<i32>} : memref<16x128xf32, #tpu.memory_space<vmem>>, vector<1x16xf32>,
    %broadcast_in_dim3A_918 = arith.constant 0.000000e+00 : f32
    %broadcast_in_dim3A_919 = vector.broadcast %broadcast_in_dim3A_918 : f32 to vector<16xf32>
    %swap3A_920 = arith.constant 11 : i32
    %swap3A_921 = arith.index_cast %swap3A_920 : i32 to index
    %swap3A_922 = arith.constant 80 : index
    %swap3A_923 = tpu.vector_load %arg13[%swap3A_921, %swap3A_922] {strides = array<i32>} : memref<16x128xf32, #tpu.memory_space<vmem>>, vector<1x16xf32>,
    %swap3A_924 = vector.shape_cast %swap3A_923 : vector<1x16xf32> to vector<16xf32>
    %swap3A_925 = vector.shape_cast %broadcast_in_dim3A_919 : vector<16xf32> to vector<1x16xf32>
    tpu.vector_store %arg13[%swap3A_921, %swap3A_922], %swap3A_925 {strides = array<i32>} : memref<16x128xf32, #tpu.memory_space<vmem>>, vector<1x16xf32>,
    %broadcast_in_dim3A_926 = arith.constant 0.000000e+00 : f32
    %broadcast_in_dim3A_927 = vector.broadcast %broadcast_in_dim3A_926 : f32 to vector<16xf32>
    %swap3A_928 = arith.constant 11 : i32
    %swap3A_929 = arith.index_cast %swap3A_928 : i32 to index
    %swap3A_930 = arith.constant 96 : index
    %swap3A_931 = tpu.vector_load %arg13[%swap3A_929, %swap3A_930] {strides = array<i32>} : memref<16x128xf32, #tpu.memory_space<vmem>>, vector<1x16xf32>,
    %swap3A_932 = vector.shape_cast %swap3A_931 : vector<1x16xf32> to vector<16xf32>
    %swap3A_933 = vector.shape_cast %broadcast_in_dim3A_927 : vector<16xf32> to vector<1x16xf32>
    tpu.vector_store %arg13[%swap3A_929, %swap3A_930], %swap3A_933 {strides = array<i32>} : memref<16x128xf32, #tpu.memory_space<vmem>>, vector<1x16xf32>,
    %broadcast_in_dim3A_934 = arith.constant 0.000000e+00 : f32
    %broadcast_in_dim3A_935 = vector.broadcast %broadcast_in_dim3A_934 : f32 to vector<16xf32>
    %swap3A_936 = arith.constant 11 : i32
    %swap3A_937 = arith.index_cast %swap3A_936 : i32 to index
    %swap3A_938 = arith.constant 112 : index
    %swap3A_939 = tpu.vector_load %arg13[%swap3A_937, %swap3A_938] {strides = array<i32>} : memref<16x128xf32, #tpu.memory_space<vmem>>, vector<1x16xf32>,
    %swap3A_940 = vector.shape_cast %swap3A_939 : vector<1x16xf32> to vector<16xf32>
    %swap3A_941 = vector.shape_cast %broadcast_in_dim3A_935 : vector<16xf32> to vector<1x16xf32>
    tpu.vector_store %arg13[%swap3A_937, %swap3A_938], %swap3A_941 {strides = array<i32>} : memref<16x128xf32, #tpu.memory_space<vmem>>, vector<1x16xf32>,
    %broadcast_in_dim3A_942 = arith.constant 0.000000e+00 : f32
    %broadcast_in_dim3A_943 = vector.broadcast %broadcast_in_dim3A_942 : f32 to vector<16xf32>
    %swap3A_944 = arith.constant 12 : i32
    %swap3A_945 = arith.index_cast %swap3A_944 : i32 to index
    %swap3A_946 = arith.constant 0 : index
    %swap3A_947 = tpu.vector_load %arg13[%swap3A_945, %swap3A_946] {strides = array<i32>} : memref<16x128xf32, #tpu.memory_space<vmem>>, vector<1x16xf32>,
    %swap3A_948 = vector.shape_cast %swap3A_947 : vector<1x16xf32> to vector<16xf32>
    %swap3A_949 = vector.shape_cast %broadcast_in_dim3A_943 : vector<16xf32> to vector<1x16xf32>
    tpu.vector_store %arg13[%swap3A_945, %swap3A_946], %swap3A_949 {strides = array<i32>} : memref<16x128xf32, #tpu.memory_space<vmem>>, vector<1x16xf32>,
    %broadcast_in_dim3A_950 = arith.constant 0.000000e+00 : f32
    %broadcast_in_dim3A_951 = vector.broadcast %broadcast_in_dim3A_950 : f32 to vector<16xf32>
    %swap3A_952 = arith.constant 12 : i32
    %swap3A_953 = arith.index_cast %swap3A_952 : i32 to index
    %swap3A_954 = arith.constant 16 : index
    %swap3A_955 = tpu.vector_load %arg13[%swap3A_953, %swap3A_954] {strides = array<i32>} : memref<16x128xf32, #tpu.memory_space<vmem>>, vector<1x16xf32>,
    %swap3A_956 = vector.shape_cast %swap3A_955 : vector<1x16xf32> to vector<16xf32>
    %swap3A_957 = vector.shape_cast %broadcast_in_dim3A_951 : vector<16xf32> to vector<1x16xf32>
    tpu.vector_store %arg13[%swap3A_953, %swap3A_954], %swap3A_957 {strides = array<i32>} : memref<16x128xf32, #tpu.memory_space<vmem>>, vector<1x16xf32>,
    %broadcast_in_dim3A_958 = arith.constant 0.000000e+00 : f32
    %broadcast_in_dim3A_959 = vector.broadcast %broadcast_in_dim3A_958 : f32 to vector<16xf32>
    %swap3A_960 = arith.constant 12 : i32
    %swap3A_961 = arith.index_cast %swap3A_960 : i32 to index
    %swap3A_962 = arith.constant 32 : index
    %swap3A_963 = tpu.vector_load %arg13[%swap3A_961, %swap3A_962] {strides = array<i32>} : memref<16x128xf32, #tpu.memory_space<vmem>>, vector<1x16xf32>,
    %swap3A_964 = vector.shape_cast %swap3A_963 : vector<1x16xf32> to vector<16xf32>
    %swap3A_965 = vector.shape_cast %broadcast_in_dim3A_959 : vector<16xf32> to vector<1x16xf32>
    tpu.vector_store %arg13[%swap3A_961, %swap3A_962], %swap3A_965 {strides = array<i32>} : memref<16x128xf32, #tpu.memory_space<vmem>>, vector<1x16xf32>,
    %broadcast_in_dim3A_966 = arith.constant 0.000000e+00 : f32
    %broadcast_in_dim3A_967 = vector.broadcast %broadcast_in_dim3A_966 : f32 to vector<16xf32>
    %swap3A_968 = arith.constant 12 : i32
    %swap3A_969 = arith.index_cast %swap3A_968 : i32 to index
    %swap3A_970 = arith.constant 48 : index
    %swap3A_971 = tpu.vector_load %arg13[%swap3A_969, %swap3A_970] {strides = array<i32>} : memref<16x128xf32, #tpu.memory_space<vmem>>, vector<1x16xf32>,
    %swap3A_972 = vector.shape_cast %swap3A_971 : vector<1x16xf32> to vector<16xf32>
    %swap3A_973 = vector.shape_cast %broadcast_in_dim3A_967 : vector<16xf32> to vector<1x16xf32>
    tpu.vector_store %arg13[%swap3A_969, %swap3A_970], %swap3A_973 {strides = array<i32>} : memref<16x128xf32, #tpu.memory_space<vmem>>, vector<1x16xf32>,
    %broadcast_in_dim3A_974 = arith.constant 0.000000e+00 : f32
    %broadcast_in_dim3A_975 = vector.broadcast %broadcast_in_dim3A_974 : f32 to vector<16xf32>
    %swap3A_976 = arith.constant 12 : i32
    %swap3A_977 = arith.index_cast %swap3A_976 : i32 to index
    %swap3A_978 = arith.constant 64 : index
    %swap3A_979 = tpu.vector_load %arg13[%swap3A_977, %swap3A_978] {strides = array<i32>} : memref<16x128xf32, #tpu.memory_space<vmem>>, vector<1x16xf32>,
    %swap3A_980 = vector.shape_cast %swap3A_979 : vector<1x16xf32> to vector<16xf32>
    %swap3A_981 = vector.shape_cast %broadcast_in_dim3A_975 : vector<16xf32> to vector<1x16xf32>
    tpu.vector_store %arg13[%swap3A_977, %swap3A_978], %swap3A_981 {strides = array<i32>} : memref<16x128xf32, #tpu.memory_space<vmem>>, vector<1x16xf32>,
    %broadcast_in_dim3A_982 = arith.constant 0.000000e+00 : f32
    %broadcast_in_dim3A_983 = vector.broadcast %broadcast_in_dim3A_982 : f32 to vector<16xf32>
    %swap3A_984 = arith.constant 12 : i32
    %swap3A_985 = arith.index_cast %swap3A_984 : i32 to index
    %swap3A_986 = arith.constant 80 : index
    %swap3A_987 = tpu.vector_load %arg13[%swap3A_985, %swap3A_986] {strides = array<i32>} : memref<16x128xf32, #tpu.memory_space<vmem>>, vector<1x16xf32>,
    %swap3A_988 = vector.shape_cast %swap3A_987 : vector<1x16xf32> to vector<16xf32>
    %swap3A_989 = vector.shape_cast %broadcast_in_dim3A_983 : vector<16xf32> to vector<1x16xf32>
    tpu.vector_store %arg13[%swap3A_985, %swap3A_986], %swap3A_989 {strides = array<i32>} : memref<16x128xf32, #tpu.memory_space<vmem>>, vector<1x16xf32>,
    %broadcast_in_dim3A_990 = arith.constant 0.000000e+00 : f32
    %broadcast_in_dim3A_991 = vector.broadcast %broadcast_in_dim3A_990 : f32 to vector<16xf32>
    %swap3A_992 = arith.constant 12 : i32
    %swap3A_993 = arith.index_cast %swap3A_992 : i32 to index
    %swap3A_994 = arith.constant 96 : index
    %swap3A_995 = tpu.vector_load %arg13[%swap3A_993, %swap3A_994] {strides = array<i32>} : memref<16x128xf32, #tpu.memory_space<vmem>>, vector<1x16xf32>,
    %swap3A_996 = vector.shape_cast %swap3A_995 : vector<1x16xf32> to vector<16xf32>
    %swap3A_997 = vector.shape_cast %broadcast_in_dim3A_991 : vector<16xf32> to vector<1x16xf32>
    tpu.vector_store %arg13[%swap3A_993, %swap3A_994], %swap3A_997 {strides = array<i32>} : memref<16x128xf32, #tpu.memory_space<vmem>>, vector<1x16xf32>,
    %broadcast_in_dim3A_998 = arith.constant 0.000000e+00 : f32
    %broadcast_in_dim3A_999 = vector.broadcast %broadcast_in_dim3A_998 : f32 to vector<16xf32>
    %swap3A_1000 = arith.constant 12 : i32
    %swap3A_1001 = arith.index_cast %swap3A_1000 : i32 to index
    %swap3A_1002 = arith.constant 112 : index
    %swap3A_1003 = tpu.vector_load %arg13[%swap3A_1001, %swap3A_1002] {strides = array<i32>} : memref<16x128xf32, #tpu.memory_space<vmem>>, vector<1x16xf32>,
    %swap3A_1004 = vector.shape_cast %swap3A_1003 : vector<1x16xf32> to vector<16xf32>
    %swap3A_1005 = vector.shape_cast %broadcast_in_dim3A_999 : vector<16xf32> to vector<1x16xf32>
    tpu.vector_store %arg13[%swap3A_1001, %swap3A_1002], %swap3A_1005 {strides = array<i32>} : memref<16x128xf32, #tpu.memory_space<vmem>>, vector<1x16xf32>,
    %broadcast_in_dim3A_1006 = arith.constant 0.000000e+00 : f32
    %broadcast_in_dim3A_1007 = vector.broadcast %broadcast_in_dim3A_1006 : f32 to vector<16xf32>
    %swap3A_1008 = arith.constant 13 : i32
    %swap3A_1009 = arith.index_cast %swap3A_1008 : i32 to index
    %swap3A_1010 = arith.constant 0 : index
    %swap3A_1011 = tpu.vector_load %arg13[%swap3A_1009, %swap3A_1010] {strides = array<i32>} : memref<16x128xf32, #tpu.memory_space<vmem>>, vector<1x16xf32>,
    %swap3A_1012 = vector.shape_cast %swap3A_1011 : vector<1x16xf32> to vector<16xf32>
    %swap3A_1013 = vector.shape_cast %broadcast_in_dim3A_1007 : vector<16xf32> to vector<1x16xf32>
    tpu.vector_store %arg13[%swap3A_1009, %swap3A_1010], %swap3A_1013 {strides = array<i32>} : memref<16x128xf32, #tpu.memory_space<vmem>>, vector<1x16xf32>,
    %broadcast_in_dim3A_1014 = arith.constant 0.000000e+00 : f32
    %broadcast_in_dim3A_1015 = vector.broadcast %broadcast_in_dim3A_1014 : f32 to vector<16xf32>
    %swap3A_1016 = arith.constant 13 : i32
    %swap3A_1017 = arith.index_cast %swap3A_1016 : i32 to index
    %swap3A_1018 = arith.constant 16 : index
    %swap3A_1019 = tpu.vector_load %arg13[%swap3A_1017, %swap3A_1018] {strides = array<i32>} : memref<16x128xf32, #tpu.memory_space<vmem>>, vector<1x16xf32>,
    %swap3A_1020 = vector.shape_cast %swap3A_1019 : vector<1x16xf32> to vector<16xf32>
    %swap3A_1021 = vector.shape_cast %broadcast_in_dim3A_1015 : vector<16xf32> to vector<1x16xf32>
    tpu.vector_store %arg13[%swap3A_1017, %swap3A_1018], %swap3A_1021 {strides = array<i32>} : memref<16x128xf32, #tpu.memory_space<vmem>>, vector<1x16xf32>,
    %broadcast_in_dim3A_1022 = arith.constant 0.000000e+00 : f32
    %broadcast_in_dim3A_1023 = vector.broadcast %broadcast_in_dim3A_1022 : f32 to vector<16xf32>
    %swap3A_1024 = arith.constant 13 : i32
    %swap3A_1025 = arith.index_cast %swap3A_1024 : i32 to index
    %swap3A_1026 = arith.constant 32 : index
    %swap3A_1027 = tpu.vector_load %arg13[%swap3A_1025, %swap3A_1026] {strides = array<i32>} : memref<16x128xf32, #tpu.memory_space<vmem>>, vector<1x16xf32>,
    %swap3A_1028 = vector.shape_cast %swap3A_1027 : vector<1x16xf32> to vector<16xf32>
    %swap3A_1029 = vector.shape_cast %broadcast_in_dim3A_1023 : vector<16xf32> to vector<1x16xf32>
    tpu.vector_store %arg13[%swap3A_1025, %swap3A_1026], %swap3A_1029 {strides = array<i32>} : memref<16x128xf32, #tpu.memory_space<vmem>>, vector<1x16xf32>,
    %broadcast_in_dim3A_1030 = arith.constant 0.000000e+00 : f32
    %broadcast_in_dim3A_1031 = vector.broadcast %broadcast_in_dim3A_1030 : f32 to vector<16xf32>
    %swap3A_1032 = arith.constant 13 : i32
    %swap3A_1033 = arith.index_cast %swap3A_1032 : i32 to index
    %swap3A_1034 = arith.constant 48 : index
    %swap3A_1035 = tpu.vector_load %arg13[%swap3A_1033, %swap3A_1034] {strides = array<i32>} : memref<16x128xf32, #tpu.memory_space<vmem>>, vector<1x16xf32>,
    %swap3A_1036 = vector.shape_cast %swap3A_1035 : vector<1x16xf32> to vector<16xf32>
    %swap3A_1037 = vector.shape_cast %broadcast_in_dim3A_1031 : vector<16xf32> to vector<1x16xf32>
    tpu.vector_store %arg13[%swap3A_1033, %swap3A_1034], %swap3A_1037 {strides = array<i32>} : memref<16x128xf32, #tpu.memory_space<vmem>>, vector<1x16xf32>,
    %broadcast_in_dim3A_1038 = arith.constant 0.000000e+00 : f32
    %broadcast_in_dim3A_1039 = vector.broadcast %broadcast_in_dim3A_1038 : f32 to vector<16xf32>
    %swap3A_1040 = arith.constant 13 : i32
    %swap3A_1041 = arith.index_cast %swap3A_1040 : i32 to index
    %swap3A_1042 = arith.constant 64 : index
    %swap3A_1043 = tpu.vector_load %arg13[%swap3A_1041, %swap3A_1042] {strides = array<i32>} : memref<16x128xf32, #tpu.memory_space<vmem>>, vector<1x16xf32>,
    %swap3A_1044 = vector.shape_cast %swap3A_1043 : vector<1x16xf32> to vector<16xf32>
    %swap3A_1045 = vector.shape_cast %broadcast_in_dim3A_1039 : vector<16xf32> to vector<1x16xf32>
    tpu.vector_store %arg13[%swap3A_1041, %swap3A_1042], %swap3A_1045 {strides = array<i32>} : memref<16x128xf32, #tpu.memory_space<vmem>>, vector<1x16xf32>,
    %broadcast_in_dim3A_1046 = arith.constant 0.000000e+00 : f32
    %broadcast_in_dim3A_1047 = vector.broadcast %broadcast_in_dim3A_1046 : f32 to vector<16xf32>
    %swap3A_1048 = arith.constant 13 : i32
    %swap3A_1049 = arith.index_cast %swap3A_1048 : i32 to index
    %swap3A_1050 = arith.constant 80 : index
    %swap3A_1051 = tpu.vector_load %arg13[%swap3A_1049, %swap3A_1050] {strides = array<i32>} : memref<16x128xf32, #tpu.memory_space<vmem>>, vector<1x16xf32>,
    %swap3A_1052 = vector.shape_cast %swap3A_1051 : vector<1x16xf32> to vector<16xf32>
    %swap3A_1053 = vector.shape_cast %broadcast_in_dim3A_1047 : vector<16xf32> to vector<1x16xf32>
    tpu.vector_store %arg13[%swap3A_1049, %swap3A_1050], %swap3A_1053 {strides = array<i32>} : memref<16x128xf32, #tpu.memory_space<vmem>>, vector<1x16xf32>,
    %broadcast_in_dim3A_1054 = arith.constant 0.000000e+00 : f32
    %broadcast_in_dim3A_1055 = vector.broadcast %broadcast_in_dim3A_1054 : f32 to vector<16xf32>
    %swap3A_1056 = arith.constant 13 : i32
    %swap3A_1057 = arith.index_cast %swap3A_1056 : i32 to index
    %swap3A_1058 = arith.constant 96 : index
    %swap3A_1059 = tpu.vector_load %arg13[%swap3A_1057, %swap3A_1058] {strides = array<i32>} : memref<16x128xf32, #tpu.memory_space<vmem>>, vector<1x16xf32>,
    %swap3A_1060 = vector.shape_cast %swap3A_1059 : vector<1x16xf32> to vector<16xf32>
    %swap3A_1061 = vector.shape_cast %broadcast_in_dim3A_1055 : vector<16xf32> to vector<1x16xf32>
    tpu.vector_store %arg13[%swap3A_1057, %swap3A_1058], %swap3A_1061 {strides = array<i32>} : memref<16x128xf32, #tpu.memory_space<vmem>>, vector<1x16xf32>,
    %broadcast_in_dim3A_1062 = arith.constant 0.000000e+00 : f32
    %broadcast_in_dim3A_1063 = vector.broadcast %broadcast_in_dim3A_1062 : f32 to vector<16xf32>
    %swap3A_1064 = arith.constant 13 : i32
    %swap3A_1065 = arith.index_cast %swap3A_1064 : i32 to index
    %swap3A_1066 = arith.constant 112 : index
    %swap3A_1067 = tpu.vector_load %arg13[%swap3A_1065, %swap3A_1066] {strides = array<i32>} : memref<16x128xf32, #tpu.memory_space<vmem>>, vector<1x16xf32>,
    %swap3A_1068 = vector.shape_cast %swap3A_1067 : vector<1x16xf32> to vector<16xf32>
    %swap3A_1069 = vector.shape_cast %broadcast_in_dim3A_1063 : vector<16xf32> to vector<1x16xf32>
    tpu.vector_store %arg13[%swap3A_1065, %swap3A_1066], %swap3A_1069 {strides = array<i32>} : memref<16x128xf32, #tpu.memory_space<vmem>>, vector<1x16xf32>,
    %broadcast_in_dim3A_1070 = arith.constant 0.000000e+00 : f32
    %broadcast_in_dim3A_1071 = vector.broadcast %broadcast_in_dim3A_1070 : f32 to vector<16xf32>
    %swap3A_1072 = arith.constant 14 : i32
    %swap3A_1073 = arith.index_cast %swap3A_1072 : i32 to index
    %swap3A_1074 = arith.constant 0 : index
    %swap3A_1075 = tpu.vector_load %arg13[%swap3A_1073, %swap3A_1074] {strides = array<i32>} : memref<16x128xf32, #tpu.memory_space<vmem>>, vector<1x16xf32>,
    %swap3A_1076 = vector.shape_cast %swap3A_1075 : vector<1x16xf32> to vector<16xf32>
    %swap3A_1077 = vector.shape_cast %broadcast_in_dim3A_1071 : vector<16xf32> to vector<1x16xf32>
    tpu.vector_store %arg13[%swap3A_1073, %swap3A_1074], %swap3A_1077 {strides = array<i32>} : memref<16x128xf32, #tpu.memory_space<vmem>>, vector<1x16xf32>,
    %broadcast_in_dim3A_1078 = arith.constant 0.000000e+00 : f32
    %broadcast_in_dim3A_1079 = vector.broadcast %broadcast_in_dim3A_1078 : f32 to vector<16xf32>
    %swap3A_1080 = arith.constant 14 : i32
    %swap3A_1081 = arith.index_cast %swap3A_1080 : i32 to index
    %swap3A_1082 = arith.constant 16 : index
    %swap3A_1083 = tpu.vector_load %arg13[%swap3A_1081, %swap3A_1082] {strides = array<i32>} : memref<16x128xf32, #tpu.memory_space<vmem>>, vector<1x16xf32>,
    %swap3A_1084 = vector.shape_cast %swap3A_1083 : vector<1x16xf32> to vector<16xf32>
    %swap3A_1085 = vector.shape_cast %broadcast_in_dim3A_1079 : vector<16xf32> to vector<1x16xf32>
    tpu.vector_store %arg13[%swap3A_1081, %swap3A_1082], %swap3A_1085 {strides = array<i32>} : memref<16x128xf32, #tpu.memory_space<vmem>>, vector<1x16xf32>,
    %broadcast_in_dim3A_1086 = arith.constant 0.000000e+00 : f32
    %broadcast_in_dim3A_1087 = vector.broadcast %broadcast_in_dim3A_1086 : f32 to vector<16xf32>
    %swap3A_1088 = arith.constant 14 : i32
    %swap3A_1089 = arith.index_cast %swap3A_1088 : i32 to index
    %swap3A_1090 = arith.constant 32 : index
    %swap3A_1091 = tpu.vector_load %arg13[%swap3A_1089, %swap3A_1090] {strides = array<i32>} : memref<16x128xf32, #tpu.memory_space<vmem>>, vector<1x16xf32>,
    %swap3A_1092 = vector.shape_cast %swap3A_1091 : vector<1x16xf32> to vector<16xf32>
    %swap3A_1093 = vector.shape_cast %broadcast_in_dim3A_1087 : vector<16xf32> to vector<1x16xf32>
    tpu.vector_store %arg13[%swap3A_1089, %swap3A_1090], %swap3A_1093 {strides = array<i32>} : memref<16x128xf32, #tpu.memory_space<vmem>>, vector<1x16xf32>,
    %broadcast_in_dim3A_1094 = arith.constant 0.000000e+00 : f32
    %broadcast_in_dim3A_1095 = vector.broadcast %broadcast_in_dim3A_1094 : f32 to vector<16xf32>
    %swap3A_1096 = arith.constant 14 : i32
    %swap3A_1097 = arith.index_cast %swap3A_1096 : i32 to index
    %swap3A_1098 = arith.constant 48 : index
    %swap3A_1099 = tpu.vector_load %arg13[%swap3A_1097, %swap3A_1098] {strides = array<i32>} : memref<16x128xf32, #tpu.memory_space<vmem>>, vector<1x16xf32>,
    %swap3A_1100 = vector.shape_cast %swap3A_1099 : vector<1x16xf32> to vector<16xf32>
    %swap3A_1101 = vector.shape_cast %broadcast_in_dim3A_1095 : vector<16xf32> to vector<1x16xf32>
    tpu.vector_store %arg13[%swap3A_1097, %swap3A_1098], %swap3A_1101 {strides = array<i32>} : memref<16x128xf32, #tpu.memory_space<vmem>>, vector<1x16xf32>,
    %broadcast_in_dim3A_1102 = arith.constant 0.000000e+00 : f32
    %broadcast_in_dim3A_1103 = vector.broadcast %broadcast_in_dim3A_1102 : f32 to vector<16xf32>
    %swap3A_1104 = arith.constant 14 : i32
    %swap3A_1105 = arith.index_cast %swap3A_1104 : i32 to index
    %swap3A_1106 = arith.constant 64 : index
    %swap3A_1107 = tpu.vector_load %arg13[%swap3A_1105, %swap3A_1106] {strides = array<i32>} : memref<16x128xf32, #tpu.memory_space<vmem>>, vector<1x16xf32>,
    %swap3A_1108 = vector.shape_cast %swap3A_1107 : vector<1x16xf32> to vector<16xf32>
    %swap3A_1109 = vector.shape_cast %broadcast_in_dim3A_1103 : vector<16xf32> to vector<1x16xf32>
    tpu.vector_store %arg13[%swap3A_1105, %swap3A_1106], %swap3A_1109 {strides = array<i32>} : memref<16x128xf32, #tpu.memory_space<vmem>>, vector<1x16xf32>,
    %broadcast_in_dim3A_1110 = arith.constant 0.000000e+00 : f32
    %broadcast_in_dim3A_1111 = vector.broadcast %broadcast_in_dim3A_1110 : f32 to vector<16xf32>
    %swap3A_1112 = arith.constant 14 : i32
    %swap3A_1113 = arith.index_cast %swap3A_1112 : i32 to index
    %swap3A_1114 = arith.constant 80 : index
    %swap3A_1115 = tpu.vector_load %arg13[%swap3A_1113, %swap3A_1114] {strides = array<i32>} : memref<16x128xf32, #tpu.memory_space<vmem>>, vector<1x16xf32>,
    %swap3A_1116 = vector.shape_cast %swap3A_1115 : vector<1x16xf32> to vector<16xf32>
    %swap3A_1117 = vector.shape_cast %broadcast_in_dim3A_1111 : vector<16xf32> to vector<1x16xf32>
    tpu.vector_store %arg13[%swap3A_1113, %swap3A_1114], %swap3A_1117 {strides = array<i32>} : memref<16x128xf32, #tpu.memory_space<vmem>>, vector<1x16xf32>,
    %broadcast_in_dim3A_1118 = arith.constant 0.000000e+00 : f32
    %broadcast_in_dim3A_1119 = vector.broadcast %broadcast_in_dim3A_1118 : f32 to vector<16xf32>
    %swap3A_1120 = arith.constant 14 : i32
    %swap3A_1121 = arith.index_cast %swap3A_1120 : i32 to index
    %swap3A_1122 = arith.constant 96 : index
    %swap3A_1123 = tpu.vector_load %arg13[%swap3A_1121, %swap3A_1122] {strides = array<i32>} : memref<16x128xf32, #tpu.memory_space<vmem>>, vector<1x16xf32>,
    %swap3A_1124 = vector.shape_cast %swap3A_1123 : vector<1x16xf32> to vector<16xf32>
    %swap3A_1125 = vector.shape_cast %broadcast_in_dim3A_1119 : vector<16xf32> to vector<1x16xf32>
    tpu.vector_store %arg13[%swap3A_1121, %swap3A_1122], %swap3A_1125 {strides = array<i32>} : memref<16x128xf32, #tpu.memory_space<vmem>>, vector<1x16xf32>,
    %broadcast_in_dim3A_1126 = arith.constant 0.000000e+00 : f32
    %broadcast_in_dim3A_1127 = vector.broadcast %broadcast_in_dim3A_1126 : f32 to vector<16xf32>
    %swap3A_1128 = arith.constant 14 : i32
    %swap3A_1129 = arith.index_cast %swap3A_1128 : i32 to index
    %swap3A_1130 = arith.constant 112 : index
    %swap3A_1131 = tpu.vector_load %arg13[%swap3A_1129, %swap3A_1130] {strides = array<i32>} : memref<16x128xf32, #tpu.memory_space<vmem>>, vector<1x16xf32>,
    %swap3A_1132 = vector.shape_cast %swap3A_1131 : vector<1x16xf32> to vector<16xf32>
    %swap3A_1133 = vector.shape_cast %broadcast_in_dim3A_1127 : vector<16xf32> to vector<1x16xf32>
    tpu.vector_store %arg13[%swap3A_1129, %swap3A_1130], %swap3A_1133 {strides = array<i32>} : memref<16x128xf32, #tpu.memory_space<vmem>>, vector<1x16xf32>,
    %broadcast_in_dim3A_1134 = arith.constant 0.000000e+00 : f32
    %broadcast_in_dim3A_1135 = vector.broadcast %broadcast_in_dim3A_1134 : f32 to vector<16xf32>
    %swap3A_1136 = arith.constant 15 : i32
    %swap3A_1137 = arith.index_cast %swap3A_1136 : i32 to index
    %swap3A_1138 = arith.constant 0 : index
    %swap3A_1139 = tpu.vector_load %arg13[%swap3A_1137, %swap3A_1138] {strides = array<i32>} : memref<16x128xf32, #tpu.memory_space<vmem>>, vector<1x16xf32>,
    %swap3A_1140 = vector.shape_cast %swap3A_1139 : vector<1x16xf32> to vector<16xf32>
    %swap3A_1141 = vector.shape_cast %broadcast_in_dim3A_1135 : vector<16xf32> to vector<1x16xf32>
    tpu.vector_store %arg13[%swap3A_1137, %swap3A_1138], %swap3A_1141 {strides = array<i32>} : memref<16x128xf32, #tpu.memory_space<vmem>>, vector<1x16xf32>,
    %broadcast_in_dim3A_1142 = arith.constant 0.000000e+00 : f32
    %broadcast_in_dim3A_1143 = vector.broadcast %broadcast_in_dim3A_1142 : f32 to vector<16xf32>
    %swap3A_1144 = arith.constant 15 : i32
    %swap3A_1145 = arith.index_cast %swap3A_1144 : i32 to index
    %swap3A_1146 = arith.constant 16 : index
    %swap3A_1147 = tpu.vector_load %arg13[%swap3A_1145, %swap3A_1146] {strides = array<i32>} : memref<16x128xf32, #tpu.memory_space<vmem>>, vector<1x16xf32>,
    %swap3A_1148 = vector.shape_cast %swap3A_1147 : vector<1x16xf32> to vector<16xf32>
    %swap3A_1149 = vector.shape_cast %broadcast_in_dim3A_1143 : vector<16xf32> to vector<1x16xf32>
    tpu.vector_store %arg13[%swap3A_1145, %swap3A_1146], %swap3A_1149 {strides = array<i32>} : memref<16x128xf32, #tpu.memory_space<vmem>>, vector<1x16xf32>,
    %broadcast_in_dim3A_1150 = arith.constant 0.000000e+00 : f32
    %broadcast_in_dim3A_1151 = vector.broadcast %broadcast_in_dim3A_1150 : f32 to vector<16xf32>
    %swap3A_1152 = arith.constant 15 : i32
    %swap3A_1153 = arith.index_cast %swap3A_1152 : i32 to index
    %swap3A_1154 = arith.constant 32 : index
    %swap3A_1155 = tpu.vector_load %arg13[%swap3A_1153, %swap3A_1154] {strides = array<i32>} : memref<16x128xf32, #tpu.memory_space<vmem>>, vector<1x16xf32>,
    %swap3A_1156 = vector.shape_cast %swap3A_1155 : vector<1x16xf32> to vector<16xf32>
    %swap3A_1157 = vector.shape_cast %broadcast_in_dim3A_1151 : vector<16xf32> to vector<1x16xf32>
    tpu.vector_store %arg13[%swap3A_1153, %swap3A_1154], %swap3A_1157 {strides = array<i32>} : memref<16x128xf32, #tpu.memory_space<vmem>>, vector<1x16xf32>,
    %broadcast_in_dim3A_1158 = arith.constant 0.000000e+00 : f32
    %broadcast_in_dim3A_1159 = vector.broadcast %broadcast_in_dim3A_1158 : f32 to vector<16xf32>
    %swap3A_1160 = arith.constant 15 : i32
    %swap3A_1161 = arith.index_cast %swap3A_1160 : i32 to index
    %swap3A_1162 = arith.constant 48 : index
    %swap3A_1163 = tpu.vector_load %arg13[%swap3A_1161, %swap3A_1162] {strides = array<i32>} : memref<16x128xf32, #tpu.memory_space<vmem>>, vector<1x16xf32>,
    %swap3A_1164 = vector.shape_cast %swap3A_1163 : vector<1x16xf32> to vector<16xf32>
    %swap3A_1165 = vector.shape_cast %broadcast_in_dim3A_1159 : vector<16xf32> to vector<1x16xf32>
    tpu.vector_store %arg13[%swap3A_1161, %swap3A_1162], %swap3A_1165 {strides = array<i32>} : memref<16x128xf32, #tpu.memory_space<vmem>>, vector<1x16xf32>,
    %broadcast_in_dim3A_1166 = arith.constant 0.000000e+00 : f32
    %broadcast_in_dim3A_1167 = vector.broadcast %broadcast_in_dim3A_1166 : f32 to vector<16xf32>
    %swap3A_1168 = arith.constant 15 : i32
    %swap3A_1169 = arith.index_cast %swap3A_1168 : i32 to index
    %swap3A_1170 = arith.constant 64 : index
    %swap3A_1171 = tpu.vector_load %arg13[%swap3A_1169, %swap3A_1170] {strides = array<i32>} : memref<16x128xf32, #tpu.memory_space<vmem>>, vector<1x16xf32>,
    %swap3A_1172 = vector.shape_cast %swap3A_1171 : vector<1x16xf32> to vector<16xf32>
    %swap3A_1173 = vector.shape_cast %broadcast_in_dim3A_1167 : vector<16xf32> to vector<1x16xf32>
    tpu.vector_store %arg13[%swap3A_1169, %swap3A_1170], %swap3A_1173 {strides = array<i32>} : memref<16x128xf32, #tpu.memory_space<vmem>>, vector<1x16xf32>,
    %broadcast_in_dim3A_1174 = arith.constant 0.000000e+00 : f32
    %broadcast_in_dim3A_1175 = vector.broadcast %broadcast_in_dim3A_1174 : f32 to vector<16xf32>
    %swap3A_1176 = arith.constant 15 : i32
    %swap3A_1177 = arith.index_cast %swap3A_1176 : i32 to index
    %swap3A_1178 = arith.constant 80 : index
    %swap3A_1179 = tpu.vector_load %arg13[%swap3A_1177, %swap3A_1178] {strides = array<i32>} : memref<16x128xf32, #tpu.memory_space<vmem>>, vector<1x16xf32>,
    %swap3A_1180 = vector.shape_cast %swap3A_1179 : vector<1x16xf32> to vector<16xf32>
    %swap3A_1181 = vector.shape_cast %broadcast_in_dim3A_1175 : vector<16xf32> to vector<1x16xf32>
    tpu.vector_store %arg13[%swap3A_1177, %swap3A_1178], %swap3A_1181 {strides = array<i32>} : memref<16x128xf32, #tpu.memory_space<vmem>>, vector<1x16xf32>,
    %broadcast_in_dim3A_1182 = arith.constant 0.000000e+00 : f32
    %broadcast_in_dim3A_1183 = vector.broadcast %broadcast_in_dim3A_1182 : f32 to vector<16xf32>
    %swap3A_1184 = arith.constant 15 : i32
    %swap3A_1185 = arith.index_cast %swap3A_1184 : i32 to index
    %swap3A_1186 = arith.constant 96 : index
    %swap3A_1187 = tpu.vector_load %arg13[%swap3A_1185, %swap3A_1186] {strides = array<i32>} : memref<16x128xf32, #tpu.memory_space<vmem>>, vector<1x16xf32>,
    %swap3A_1188 = vector.shape_cast %swap3A_1187 : vector<1x16xf32> to vector<16xf32>
    %swap3A_1189 = vector.shape_cast %broadcast_in_dim3A_1183 : vector<16xf32> to vector<1x16xf32>
    tpu.vector_store %arg13[%swap3A_1185, %swap3A_1186], %swap3A_1189 {strides = array<i32>} : memref<16x128xf32, #tpu.memory_space<vmem>>, vector<1x16xf32>,
    %broadcast_in_dim3A_1190 = arith.constant 0.000000e+00 : f32
    %broadcast_in_dim3A_1191 = vector.broadcast %broadcast_in_dim3A_1190 : f32 to vector<16xf32>
    %swap3A_1192 = arith.constant 15 : i32
    %swap3A_1193 = arith.index_cast %swap3A_1192 : i32 to index
    %swap3A_1194 = arith.constant 112 : index
    %swap3A_1195 = tpu.vector_load %arg13[%swap3A_1193, %swap3A_1194] {strides = array<i32>} : memref<16x128xf32, #tpu.memory_space<vmem>>, vector<1x16xf32>,
    %swap3A_1196 = vector.shape_cast %swap3A_1195 : vector<1x16xf32> to vector<16xf32>
    %swap3A_1197 = vector.shape_cast %broadcast_in_dim3A_1191 : vector<16xf32> to vector<1x16xf32>
    tpu.vector_store %arg13[%swap3A_1193, %swap3A_1194], %swap3A_1197 {strides = array<i32>} : memref<16x128xf32, #tpu.memory_space<vmem>>, vector<1x16xf32>,
    %mul3A_1198 = arith.constant 208 : i32
    %mul3A_1199 = arith.muli %arg1, %mul3A_1198 : i32
    %add3A_1200 = arith.constant 0 : i32
    %add3A_1201 = arith.addi %mul3A_1199, %add3A_1200 : i32
    "tpu.region"() ({
      %run_scoped3A = tpu.sem_alloc : memref<!tpu.dma_semaphore, #tpu.memory_space<semaphore_mem>>
      %dma_start3A_1276 = arith.constant 0 : i32
      %dma_start3A_1277 = tpu.memref_slice %arg14[%add3A_1201, %dma_start3A_1276] : memref<3328x128xf32, #tpu.memory_space<vmem_shared>> -> memref<16x128xf32, #tpu.memory_space<vmem_shared>>
      %dma_start3A_1278 = arith.constant 0 : i32
      %dma_start3A_1279 = tpu.memref_slice %arg14[%add3A_1201, %dma_start3A_1278] : memref<3328x128xf32, #tpu.memory_space<vmem_shared>> -> memref<16x128xf32, #tpu.memory_space<vmem_shared>>
      tpu.enqueue_dma source(%arg13 : memref<16x128xf32, #tpu.memory_space<vmem>>) target(%dma_start3A_1279 : memref<16x128xf32, #tpu.memory_space<vmem_shared>>) target_semaphore(%run_scoped3A : memref<!tpu.dma_semaphore, #tpu.memory_space<semaphore_mem>>)
      %dma_wait3A_1280 = arith.constant 0 : i32
      %dma_wait3A_1281 = tpu.memref_slice %arg14[%add3A_1201, %dma_wait3A_1280] : memref<3328x128xf32, #tpu.memory_space<vmem_shared>> -> memref<16x128xf32, #tpu.memory_space<vmem_shared>>
      %dma_wait3A_1282 = arith.constant 0 : i32
      %dma_wait3A_1283 = tpu.memref_slice %arg14[%add3A_1201, %dma_wait3A_1282] : memref<3328x128xf32, #tpu.memory_space<vmem_shared>> -> memref<16x128xf32, #tpu.memory_space<vmem_shared>>
      tpu.wait_dma2 semaphore(%run_scoped3A : memref<!tpu.dma_semaphore, #tpu.memory_space<semaphore_mem>>) src(%arg13 : memref<16x128xf32, #tpu.memory_space<vmem>>) dst(%dma_wait3A_1283 : memref<16x128xf32, #tpu.memory_space<vmem_shared>>)
      tpu.yield
    }) : () -> ()
    %add3A_1202 = arith.constant 16 : i32
    %add3A_1203 = arith.addi %mul3A_1199, %add3A_1202 : i32
    "tpu.region"() ({
      %run_scoped3A = tpu.sem_alloc : memref<!tpu.dma_semaphore, #tpu.memory_space<semaphore_mem>>
      %dma_start3A_1276 = arith.constant 0 : i32
      %dma_start3A_1277 = tpu.memref_slice %arg14[%add3A_1203, %dma_start3A_1276] : memref<3328x128xf32, #tpu.memory_space<vmem_shared>> -> memref<16x128xf32, #tpu.memory_space<vmem_shared>>
      %dma_start3A_1278 = arith.constant 0 : i32
      %dma_start3A_1279 = tpu.memref_slice %arg14[%add3A_1203, %dma_start3A_1278] : memref<3328x128xf32, #tpu.memory_space<vmem_shared>> -> memref<16x128xf32, #tpu.memory_space<vmem_shared>>
      tpu.enqueue_dma source(%arg13 : memref<16x128xf32, #tpu.memory_space<vmem>>) target(%dma_start3A_1279 : memref<16x128xf32, #tpu.memory_space<vmem_shared>>) target_semaphore(%run_scoped3A : memref<!tpu.dma_semaphore, #tpu.memory_space<semaphore_mem>>)
      %dma_wait3A_1280 = arith.constant 0 : i32
      %dma_wait3A_1281 = tpu.memref_slice %arg14[%add3A_1203, %dma_wait3A_1280] : memref<3328x128xf32, #tpu.memory_space<vmem_shared>> -> memref<16x128xf32, #tpu.memory_space<vmem_shared>>
      %dma_wait3A_1282 = arith.constant 0 : i32
      %dma_wait3A_1283 = tpu.memref_slice %arg14[%add3A_1203, %dma_wait3A_1282] : memref<3328x128xf32, #tpu.memory_space<vmem_shared>> -> memref<16x128xf32, #tpu.memory_space<vmem_shared>>
      tpu.wait_dma2 semaphore(%run_scoped3A : memref<!tpu.dma_semaphore, #tpu.memory_space<semaphore_mem>>) src(%arg13 : memref<16x128xf32, #tpu.memory_space<vmem>>) dst(%dma_wait3A_1283 : memref<16x128xf32, #tpu.memory_space<vmem_shared>>)
      tpu.yield
    }) : () -> ()
    %add3A_1204 = arith.constant 32 : i32
    %add3A_1205 = arith.addi %mul3A_1199, %add3A_1204 : i32
    "tpu.region"() ({
      %run_scoped3A = tpu.sem_alloc : memref<!tpu.dma_semaphore, #tpu.memory_space<semaphore_mem>>
      %dma_start3A_1276 = arith.constant 0 : i32
      %dma_start3A_1277 = tpu.memref_slice %arg14[%add3A_1205, %dma_start3A_1276] : memref<3328x128xf32, #tpu.memory_space<vmem_shared>> -> memref<16x128xf32, #tpu.memory_space<vmem_shared>>
      %dma_start3A_1278 = arith.constant 0 : i32
      %dma_start3A_1279 = tpu.memref_slice %arg14[%add3A_1205, %dma_start3A_1278] : memref<3328x128xf32, #tpu.memory_space<vmem_shared>> -> memref<16x128xf32, #tpu.memory_space<vmem_shared>>
      tpu.enqueue_dma source(%arg13 : memref<16x128xf32, #tpu.memory_space<vmem>>) target(%dma_start3A_1279 : memref<16x128xf32, #tpu.memory_space<vmem_shared>>) target_semaphore(%run_scoped3A : memref<!tpu.dma_semaphore, #tpu.memory_space<semaphore_mem>>)
      %dma_wait3A_1280 = arith.constant 0 : i32
      %dma_wait3A_1281 = tpu.memref_slice %arg14[%add3A_1205, %dma_wait3A_1280] : memref<3328x128xf32, #tpu.memory_space<vmem_shared>> -> memref<16x128xf32, #tpu.memory_space<vmem_shared>>
      %dma_wait3A_1282 = arith.constant 0 : i32
      %dma_wait3A_1283 = tpu.memref_slice %arg14[%add3A_1205, %dma_wait3A_1282] : memref<3328x128xf32, #tpu.memory_space<vmem_shared>> -> memref<16x128xf32, #tpu.memory_space<vmem_shared>>
      tpu.wait_dma2 semaphore(%run_scoped3A : memref<!tpu.dma_semaphore, #tpu.memory_space<semaphore_mem>>) src(%arg13 : memref<16x128xf32, #tpu.memory_space<vmem>>) dst(%dma_wait3A_1283 : memref<16x128xf32, #tpu.memory_space<vmem_shared>>)
      tpu.yield
    }) : () -> ()
    %add3A_1206 = arith.constant 48 : i32
    %add3A_1207 = arith.addi %mul3A_1199, %add3A_1206 : i32
    "tpu.region"() ({
      %run_scoped3A = tpu.sem_alloc : memref<!tpu.dma_semaphore, #tpu.memory_space<semaphore_mem>>
      %dma_start3A_1276 = arith.constant 0 : i32
      %dma_start3A_1277 = tpu.memref_slice %arg14[%add3A_1207, %dma_start3A_1276] : memref<3328x128xf32, #tpu.memory_space<vmem_shared>> -> memref<16x128xf32, #tpu.memory_space<vmem_shared>>
      %dma_start3A_1278 = arith.constant 0 : i32
      %dma_start3A_1279 = tpu.memref_slice %arg14[%add3A_1207, %dma_start3A_1278] : memref<3328x128xf32, #tpu.memory_space<vmem_shared>> -> memref<16x128xf32, #tpu.memory_space<vmem_shared>>
      tpu.enqueue_dma source(%arg13 : memref<16x128xf32, #tpu.memory_space<vmem>>) target(%dma_start3A_1279 : memref<16x128xf32, #tpu.memory_space<vmem_shared>>) target_semaphore(%run_scoped3A : memref<!tpu.dma_semaphore, #tpu.memory_space<semaphore_mem>>)
      %dma_wait3A_1280 = arith.constant 0 : i32
      %dma_wait3A_1281 = tpu.memref_slice %arg14[%add3A_1207, %dma_wait3A_1280] : memref<3328x128xf32, #tpu.memory_space<vmem_shared>> -> memref<16x128xf32, #tpu.memory_space<vmem_shared>>
      %dma_wait3A_1282 = arith.constant 0 : i32
      %dma_wait3A_1283 = tpu.memref_slice %arg14[%add3A_1207, %dma_wait3A_1282] : memref<3328x128xf32, #tpu.memory_space<vmem_shared>> -> memref<16x128xf32, #tpu.memory_space<vmem_shared>>
      tpu.wait_dma2 semaphore(%run_scoped3A : memref<!tpu.dma_semaphore, #tpu.memory_space<semaphore_mem>>) src(%arg13 : memref<16x128xf32, #tpu.memory_space<vmem>>) dst(%dma_wait3A_1283 : memref<16x128xf32, #tpu.memory_space<vmem_shared>>)
      tpu.yield
    }) : () -> ()
    %add3A_1208 = arith.constant 64 : i32
    %add3A_1209 = arith.addi %mul3A_1199, %add3A_1208 : i32
    "tpu.region"() ({
      %run_scoped3A = tpu.sem_alloc : memref<!tpu.dma_semaphore, #tpu.memory_space<semaphore_mem>>
      %dma_start3A_1276 = arith.constant 0 : i32
      %dma_start3A_1277 = tpu.memref_slice %arg14[%add3A_1209, %dma_start3A_1276] : memref<3328x128xf32, #tpu.memory_space<vmem_shared>> -> memref<16x128xf32, #tpu.memory_space<vmem_shared>>
      %dma_start3A_1278 = arith.constant 0 : i32
      %dma_start3A_1279 = tpu.memref_slice %arg14[%add3A_1209, %dma_start3A_1278] : memref<3328x128xf32, #tpu.memory_space<vmem_shared>> -> memref<16x128xf32, #tpu.memory_space<vmem_shared>>
      tpu.enqueue_dma source(%arg13 : memref<16x128xf32, #tpu.memory_space<vmem>>) target(%dma_start3A_1279 : memref<16x128xf32, #tpu.memory_space<vmem_shared>>) target_semaphore(%run_scoped3A : memref<!tpu.dma_semaphore, #tpu.memory_space<semaphore_mem>>)
      %dma_wait3A_1280 = arith.constant 0 : i32
      %dma_wait3A_1281 = tpu.memref_slice %arg14[%add3A_1209, %dma_wait3A_1280] : memref<3328x128xf32, #tpu.memory_space<vmem_shared>> -> memref<16x128xf32, #tpu.memory_space<vmem_shared>>
      %dma_wait3A_1282 = arith.constant 0 : i32
      %dma_wait3A_1283 = tpu.memref_slice %arg14[%add3A_1209, %dma_wait3A_1282] : memref<3328x128xf32, #tpu.memory_space<vmem_shared>> -> memref<16x128xf32, #tpu.memory_space<vmem_shared>>
      tpu.wait_dma2 semaphore(%run_scoped3A : memref<!tpu.dma_semaphore, #tpu.memory_space<semaphore_mem>>) src(%arg13 : memref<16x128xf32, #tpu.memory_space<vmem>>) dst(%dma_wait3A_1283 : memref<16x128xf32, #tpu.memory_space<vmem_shared>>)
      tpu.yield
    }) : () -> ()
    %add3A_1210 = arith.constant 80 : i32
    %add3A_1211 = arith.addi %mul3A_1199, %add3A_1210 : i32
    "tpu.region"() ({
      %run_scoped3A = tpu.sem_alloc : memref<!tpu.dma_semaphore, #tpu.memory_space<semaphore_mem>>
      %dma_start3A_1276 = arith.constant 0 : i32
      %dma_start3A_1277 = tpu.memref_slice %arg14[%add3A_1211, %dma_start3A_1276] : memref<3328x128xf32, #tpu.memory_space<vmem_shared>> -> memref<16x128xf32, #tpu.memory_space<vmem_shared>>
      %dma_start3A_1278 = arith.constant 0 : i32
      %dma_start3A_1279 = tpu.memref_slice %arg14[%add3A_1211, %dma_start3A_1278] : memref<3328x128xf32, #tpu.memory_space<vmem_shared>> -> memref<16x128xf32, #tpu.memory_space<vmem_shared>>
      tpu.enqueue_dma source(%arg13 : memref<16x128xf32, #tpu.memory_space<vmem>>) target(%dma_start3A_1279 : memref<16x128xf32, #tpu.memory_space<vmem_shared>>) target_semaphore(%run_scoped3A : memref<!tpu.dma_semaphore, #tpu.memory_space<semaphore_mem>>)
      %dma_wait3A_1280 = arith.constant 0 : i32
      %dma_wait3A_1281 = tpu.memref_slice %arg14[%add3A_1211, %dma_wait3A_1280] : memref<3328x128xf32, #tpu.memory_space<vmem_shared>> -> memref<16x128xf32, #tpu.memory_space<vmem_shared>>
      %dma_wait3A_1282 = arith.constant 0 : i32
      %dma_wait3A_1283 = tpu.memref_slice %arg14[%add3A_1211, %dma_wait3A_1282] : memref<3328x128xf32, #tpu.memory_space<vmem_shared>> -> memref<16x128xf32, #tpu.memory_space<vmem_shared>>
      tpu.wait_dma2 semaphore(%run_scoped3A : memref<!tpu.dma_semaphore, #tpu.memory_space<semaphore_mem>>) src(%arg13 : memref<16x128xf32, #tpu.memory_space<vmem>>) dst(%dma_wait3A_1283 : memref<16x128xf32, #tpu.memory_space<vmem_shared>>)
      tpu.yield
    }) : () -> ()
    %add3A_1212 = arith.constant 96 : i32
    %add3A_1213 = arith.addi %mul3A_1199, %add3A_1212 : i32
    "tpu.region"() ({
      %run_scoped3A = tpu.sem_alloc : memref<!tpu.dma_semaphore, #tpu.memory_space<semaphore_mem>>
      %dma_start3A_1276 = arith.constant 0 : i32
      %dma_start3A_1277 = tpu.memref_slice %arg14[%add3A_1213, %dma_start3A_1276] : memref<3328x128xf32, #tpu.memory_space<vmem_shared>> -> memref<16x128xf32, #tpu.memory_space<vmem_shared>>
      %dma_start3A_1278 = arith.constant 0 : i32
      %dma_start3A_1279 = tpu.memref_slice %arg14[%add3A_1213, %dma_start3A_1278] : memref<3328x128xf32, #tpu.memory_space<vmem_shared>> -> memref<16x128xf32, #tpu.memory_space<vmem_shared>>
      tpu.enqueue_dma source(%arg13 : memref<16x128xf32, #tpu.memory_space<vmem>>) target(%dma_start3A_1279 : memref<16x128xf32, #tpu.memory_space<vmem_shared>>) target_semaphore(%run_scoped3A : memref<!tpu.dma_semaphore, #tpu.memory_space<semaphore_mem>>)
      %dma_wait3A_1280 = arith.constant 0 : i32
      %dma_wait3A_1281 = tpu.memref_slice %arg14[%add3A_1213, %dma_wait3A_1280] : memref<3328x128xf32, #tpu.memory_space<vmem_shared>> -> memref<16x128xf32, #tpu.memory_space<vmem_shared>>
      %dma_wait3A_1282 = arith.constant 0 : i32
      %dma_wait3A_1283 = tpu.memref_slice %arg14[%add3A_1213, %dma_wait3A_1282] : memref<3328x128xf32, #tpu.memory_space<vmem_shared>> -> memref<16x128xf32, #tpu.memory_space<vmem_shared>>
      tpu.wait_dma2 semaphore(%run_scoped3A : memref<!tpu.dma_semaphore, #tpu.memory_space<semaphore_mem>>) src(%arg13 : memref<16x128xf32, #tpu.memory_space<vmem>>) dst(%dma_wait3A_1283 : memref<16x128xf32, #tpu.memory_space<vmem_shared>>)
      tpu.yield
    }) : () -> ()
    %add3A_1214 = arith.constant 112 : i32
    %add3A_1215 = arith.addi %mul3A_1199, %add3A_1214 : i32
    "tpu.region"() ({
      %run_scoped3A = tpu.sem_alloc : memref<!tpu.dma_semaphore, #tpu.memory_space<semaphore_mem>>
      %dma_start3A_1276 = arith.constant 0 : i32
      %dma_start3A_1277 = tpu.memref_slice %arg14[%add3A_1215, %dma_start3A_1276] : memref<3328x128xf32, #tpu.memory_space<vmem_shared>> -> memref<16x128xf32, #tpu.memory_space<vmem_shared>>
      %dma_start3A_1278 = arith.constant 0 : i32
      %dma_start3A_1279 = tpu.memref_slice %arg14[%add3A_1215, %dma_start3A_1278] : memref<3328x128xf32, #tpu.memory_space<vmem_shared>> -> memref<16x128xf32, #tpu.memory_space<vmem_shared>>
      tpu.enqueue_dma source(%arg13 : memref<16x128xf32, #tpu.memory_space<vmem>>) target(%dma_start3A_1279 : memref<16x128xf32, #tpu.memory_space<vmem_shared>>) target_semaphore(%run_scoped3A : memref<!tpu.dma_semaphore, #tpu.memory_space<semaphore_mem>>)
      %dma_wait3A_1280 = arith.constant 0 : i32
      %dma_wait3A_1281 = tpu.memref_slice %arg14[%add3A_1215, %dma_wait3A_1280] : memref<3328x128xf32, #tpu.memory_space<vmem_shared>> -> memref<16x128xf32, #tpu.memory_space<vmem_shared>>
      %dma_wait3A_1282 = arith.constant 0 : i32
      %dma_wait3A_1283 = tpu.memref_slice %arg14[%add3A_1215, %dma_wait3A_1282] : memref<3328x128xf32, #tpu.memory_space<vmem_shared>> -> memref<16x128xf32, #tpu.memory_space<vmem_shared>>
      tpu.wait_dma2 semaphore(%run_scoped3A : memref<!tpu.dma_semaphore, #tpu.memory_space<semaphore_mem>>) src(%arg13 : memref<16x128xf32, #tpu.memory_space<vmem>>) dst(%dma_wait3A_1283 : memref<16x128xf32, #tpu.memory_space<vmem_shared>>)
      tpu.yield
    }) : () -> ()
    %add3A_1216 = arith.constant 128 : i32
    %add3A_1217 = arith.addi %mul3A_1199, %add3A_1216 : i32
    "tpu.region"() ({
      %run_scoped3A = tpu.sem_alloc : memref<!tpu.dma_semaphore, #tpu.memory_space<semaphore_mem>>
      %dma_start3A_1276 = arith.constant 0 : i32
      %dma_start3A_1277 = tpu.memref_slice %arg14[%add3A_1217, %dma_start3A_1276] : memref<3328x128xf32, #tpu.memory_space<vmem_shared>> -> memref<16x128xf32, #tpu.memory_space<vmem_shared>>
      %dma_start3A_1278 = arith.constant 0 : i32
      %dma_start3A_1279 = tpu.memref_slice %arg14[%add3A_1217, %dma_start3A_1278] : memref<3328x128xf32, #tpu.memory_space<vmem_shared>> -> memref<16x128xf32, #tpu.memory_space<vmem_shared>>
      tpu.enqueue_dma source(%arg13 : memref<16x128xf32, #tpu.memory_space<vmem>>) target(%dma_start3A_1279 : memref<16x128xf32, #tpu.memory_space<vmem_shared>>) target_semaphore(%run_scoped3A : memref<!tpu.dma_semaphore, #tpu.memory_space<semaphore_mem>>)
      %dma_wait3A_1280 = arith.constant 0 : i32
      %dma_wait3A_1281 = tpu.memref_slice %arg14[%add3A_1217, %dma_wait3A_1280] : memref<3328x128xf32, #tpu.memory_space<vmem_shared>> -> memref<16x128xf32, #tpu.memory_space<vmem_shared>>
      %dma_wait3A_1282 = arith.constant 0 : i32
      %dma_wait3A_1283 = tpu.memref_slice %arg14[%add3A_1217, %dma_wait3A_1282] : memref<3328x128xf32, #tpu.memory_space<vmem_shared>> -> memref<16x128xf32, #tpu.memory_space<vmem_shared>>
      tpu.wait_dma2 semaphore(%run_scoped3A : memref<!tpu.dma_semaphore, #tpu.memory_space<semaphore_mem>>) src(%arg13 : memref<16x128xf32, #tpu.memory_space<vmem>>) dst(%dma_wait3A_1283 : memref<16x128xf32, #tpu.memory_space<vmem_shared>>)
      tpu.yield
    }) : () -> ()
    %add3A_1218 = arith.constant 144 : i32
    %add3A_1219 = arith.addi %mul3A_1199, %add3A_1218 : i32
    "tpu.region"() ({
      %run_scoped3A = tpu.sem_alloc : memref<!tpu.dma_semaphore, #tpu.memory_space<semaphore_mem>>
      %dma_start3A_1276 = arith.constant 0 : i32
      %dma_start3A_1277 = tpu.memref_slice %arg14[%add3A_1219, %dma_start3A_1276] : memref<3328x128xf32, #tpu.memory_space<vmem_shared>> -> memref<16x128xf32, #tpu.memory_space<vmem_shared>>
      %dma_start3A_1278 = arith.constant 0 : i32
      %dma_start3A_1279 = tpu.memref_slice %arg14[%add3A_1219, %dma_start3A_1278] : memref<3328x128xf32, #tpu.memory_space<vmem_shared>> -> memref<16x128xf32, #tpu.memory_space<vmem_shared>>
      tpu.enqueue_dma source(%arg13 : memref<16x128xf32, #tpu.memory_space<vmem>>) target(%dma_start3A_1279 : memref<16x128xf32, #tpu.memory_space<vmem_shared>>) target_semaphore(%run_scoped3A : memref<!tpu.dma_semaphore, #tpu.memory_space<semaphore_mem>>)
      %dma_wait3A_1280 = arith.constant 0 : i32
      %dma_wait3A_1281 = tpu.memref_slice %arg14[%add3A_1219, %dma_wait3A_1280] : memref<3328x128xf32, #tpu.memory_space<vmem_shared>> -> memref<16x128xf32, #tpu.memory_space<vmem_shared>>
      %dma_wait3A_1282 = arith.constant 0 : i32
      %dma_wait3A_1283 = tpu.memref_slice %arg14[%add3A_1219, %dma_wait3A_1282] : memref<3328x128xf32, #tpu.memory_space<vmem_shared>> -> memref<16x128xf32, #tpu.memory_space<vmem_shared>>
      tpu.wait_dma2 semaphore(%run_scoped3A : memref<!tpu.dma_semaphore, #tpu.memory_space<semaphore_mem>>) src(%arg13 : memref<16x128xf32, #tpu.memory_space<vmem>>) dst(%dma_wait3A_1283 : memref<16x128xf32, #tpu.memory_space<vmem_shared>>)
      tpu.yield
    }) : () -> ()
    %add3A_1220 = arith.constant 160 : i32
    %add3A_1221 = arith.addi %mul3A_1199, %add3A_1220 : i32
    "tpu.region"() ({
      %run_scoped3A = tpu.sem_alloc : memref<!tpu.dma_semaphore, #tpu.memory_space<semaphore_mem>>
      %dma_start3A_1276 = arith.constant 0 : i32
      %dma_start3A_1277 = tpu.memref_slice %arg14[%add3A_1221, %dma_start3A_1276] : memref<3328x128xf32, #tpu.memory_space<vmem_shared>> -> memref<16x128xf32, #tpu.memory_space<vmem_shared>>
      %dma_start3A_1278 = arith.constant 0 : i32
      %dma_start3A_1279 = tpu.memref_slice %arg14[%add3A_1221, %dma_start3A_1278] : memref<3328x128xf32, #tpu.memory_space<vmem_shared>> -> memref<16x128xf32, #tpu.memory_space<vmem_shared>>
      tpu.enqueue_dma source(%arg13 : memref<16x128xf32, #tpu.memory_space<vmem>>) target(%dma_start3A_1279 : memref<16x128xf32, #tpu.memory_space<vmem_shared>>) target_semaphore(%run_scoped3A : memref<!tpu.dma_semaphore, #tpu.memory_space<semaphore_mem>>)
      %dma_wait3A_1280 = arith.constant 0 : i32
      %dma_wait3A_1281 = tpu.memref_slice %arg14[%add3A_1221, %dma_wait3A_1280] : memref<3328x128xf32, #tpu.memory_space<vmem_shared>> -> memref<16x128xf32, #tpu.memory_space<vmem_shared>>
      %dma_wait3A_1282 = arith.constant 0 : i32
      %dma_wait3A_1283 = tpu.memref_slice %arg14[%add3A_1221, %dma_wait3A_1282] : memref<3328x128xf32, #tpu.memory_space<vmem_shared>> -> memref<16x128xf32, #tpu.memory_space<vmem_shared>>
      tpu.wait_dma2 semaphore(%run_scoped3A : memref<!tpu.dma_semaphore, #tpu.memory_space<semaphore_mem>>) src(%arg13 : memref<16x128xf32, #tpu.memory_space<vmem>>) dst(%dma_wait3A_1283 : memref<16x128xf32, #tpu.memory_space<vmem_shared>>)
      tpu.yield
    }) : () -> ()
    %add3A_1222 = arith.constant 176 : i32
    %add3A_1223 = arith.addi %mul3A_1199, %add3A_1222 : i32
    "tpu.region"() ({
      %run_scoped3A = tpu.sem_alloc : memref<!tpu.dma_semaphore, #tpu.memory_space<semaphore_mem>>
      %dma_start3A_1276 = arith.constant 0 : i32
      %dma_start3A_1277 = tpu.memref_slice %arg14[%add3A_1223, %dma_start3A_1276] : memref<3328x128xf32, #tpu.memory_space<vmem_shared>> -> memref<16x128xf32, #tpu.memory_space<vmem_shared>>
      %dma_start3A_1278 = arith.constant 0 : i32
      %dma_start3A_1279 = tpu.memref_slice %arg14[%add3A_1223, %dma_start3A_1278] : memref<3328x128xf32, #tpu.memory_space<vmem_shared>> -> memref<16x128xf32, #tpu.memory_space<vmem_shared>>
      tpu.enqueue_dma source(%arg13 : memref<16x128xf32, #tpu.memory_space<vmem>>) target(%dma_start3A_1279 : memref<16x128xf32, #tpu.memory_space<vmem_shared>>) target_semaphore(%run_scoped3A : memref<!tpu.dma_semaphore, #tpu.memory_space<semaphore_mem>>)
      %dma_wait3A_1280 = arith.constant 0 : i32
      %dma_wait3A_1281 = tpu.memref_slice %arg14[%add3A_1223, %dma_wait3A_1280] : memref<3328x128xf32, #tpu.memory_space<vmem_shared>> -> memref<16x128xf32, #tpu.memory_space<vmem_shared>>
      %dma_wait3A_1282 = arith.constant 0 : i32
      %dma_wait3A_1283 = tpu.memref_slice %arg14[%add3A_1223, %dma_wait3A_1282] : memref<3328x128xf32, #tpu.memory_space<vmem_shared>> -> memref<16x128xf32, #tpu.memory_space<vmem_shared>>
      tpu.wait_dma2 semaphore(%run_scoped3A : memref<!tpu.dma_semaphore, #tpu.memory_space<semaphore_mem>>) src(%arg13 : memref<16x128xf32, #tpu.memory_space<vmem>>) dst(%dma_wait3A_1283 : memref<16x128xf32, #tpu.memory_space<vmem_shared>>)
      tpu.yield
    }) : () -> ()
    %add3A_1224 = arith.constant 192 : i32
    %add3A_1225 = arith.addi %mul3A_1199, %add3A_1224 : i32
    "tpu.region"() ({
      %run_scoped3A = tpu.sem_alloc : memref<!tpu.dma_semaphore, #tpu.memory_space<semaphore_mem>>
      %dma_start3A_1276 = arith.constant 0 : i32
      %dma_start3A_1277 = tpu.memref_slice %arg14[%add3A_1225, %dma_start3A_1276] : memref<3328x128xf32, #tpu.memory_space<vmem_shared>> -> memref<16x128xf32, #tpu.memory_space<vmem_shared>>
      %dma_start3A_1278 = arith.constant 0 : i32
      %dma_start3A_1279 = tpu.memref_slice %arg14[%add3A_1225, %dma_start3A_1278] : memref<3328x128xf32, #tpu.memory_space<vmem_shared>> -> memref<16x128xf32, #tpu.memory_space<vmem_shared>>
      tpu.enqueue_dma source(%arg13 : memref<16x128xf32, #tpu.memory_space<vmem>>) target(%dma_start3A_1279 : memref<16x128xf32, #tpu.memory_space<vmem_shared>>) target_semaphore(%run_scoped3A : memref<!tpu.dma_semaphore, #tpu.memory_space<semaphore_mem>>)
      %dma_wait3A_1280 = arith.constant 0 : i32
      %dma_wait3A_1281 = tpu.memref_slice %arg14[%add3A_1225, %dma_wait3A_1280] : memref<3328x128xf32, #tpu.memory_space<vmem_shared>> -> memref<16x128xf32, #tpu.memory_space<vmem_shared>>
      %dma_wait3A_1282 = arith.constant 0 : i32
      %dma_wait3A_1283 = tpu.memref_slice %arg14[%add3A_1225, %dma_wait3A_1282] : memref<3328x128xf32, #tpu.memory_space<vmem_shared>> -> memref<16x128xf32, #tpu.memory_space<vmem_shared>>
      tpu.wait_dma2 semaphore(%run_scoped3A : memref<!tpu.dma_semaphore, #tpu.memory_space<semaphore_mem>>) src(%arg13 : memref<16x128xf32, #tpu.memory_space<vmem>>) dst(%dma_wait3A_1283 : memref<16x128xf32, #tpu.memory_space<vmem_shared>>)
      tpu.yield
    }) : () -> ()
    %barrier3A = arith.constant 0 : index
    tpu.barrier barrier_id(%barrier3A)
    %dma_wait3A = tpu.memref_slice %arg3[%min3A_161] : memref<10000xi32, #tpu.memory_space<hbm>> -> memref<640xi32, #tpu.memory_space<hbm>>
    %dma_wait3A_1226 = tpu.memref_slice %arg3[%min3A_161] : memref<10000xi32, #tpu.memory_space<hbm>> -> memref<640xi32, #tpu.memory_space<hbm>>
    tpu.wait_dma2 semaphore(%arg17 : memref<!tpu.dma_semaphore, #tpu.memory_space<semaphore_mem>>) src(%dma_wait3A_1226 : memref<640xi32, #tpu.memory_space<hbm>>) dst(%arg9 : memref<640xi32, #tpu.memory_space<vmem>>)
    %dma_wait3A_1227 = tpu.memref_slice %arg4[%min3A_161] : memref<10000xi32, #tpu.memory_space<hbm>> -> memref<640xi32, #tpu.memory_space<hbm>>
    %dma_wait3A_1228 = tpu.memref_slice %arg4[%min3A_161] : memref<10000xi32, #tpu.memory_space<hbm>> -> memref<640xi32, #tpu.memory_space<hbm>>
    tpu.wait_dma2 semaphore(%arg17 : memref<!tpu.dma_semaphore, #tpu.memory_space<semaphore_mem>>) src(%dma_wait3A_1228 : memref<640xi32, #tpu.memory_space<hbm>>) dst(%arg10 : memref<640xi32, #tpu.memory_space<vmem>>)
    %add3A_1229 = arith.constant 1 : i32
    %add3A_1230 = arith.addi %sub3A_153, %add3A_1229 : i32
    %jit3A_1231 = arith.constant 2 : i32
    %div3A_1232 = arith.divsi %add3A_1230, %jit3A_1231 : i32
    %sign3A_1233 = arith.constant 0 : i32
    %sign3A_1234 = arith.cmpi sgt, %add3A_1230, %sign3A_1233 : i32
    %sign3A_1235 = arith.extui %sign3A_1234 : i1 to i32
    %sign3A_1236 = arith.constant 0 : i32
    %sign3A_1237 = arith.cmpi slt, %add3A_1230, %sign3A_1236 : i32
    %sign3A_1238 = arith.extui %sign3A_1237 : i1 to i32
    %sign3A_1239 = arith.subi %sign3A_1235, %sign3A_1238 : i32
    %sign3A_1240 = arith.constant 0 : i32
    %sign3A_1241 = arith.cmpi sgt, %jit3A_1231, %sign3A_1240 : i32
    %sign3A_1242 = arith.extui %sign3A_1241 : i1 to i32
    %sign3A_1243 = arith.constant 0 : i32
    %sign3A_1244 = arith.cmpi slt, %jit3A_1231, %sign3A_1243 : i32
    %sign3A_1245 = arith.extui %sign3A_1244 : i1 to i32
    %sign3A_1246 = arith.subi %sign3A_1242, %sign3A_1245 : i32
    %ne3A_1247 = arith.cmpi ne, %sign3A_1239, %sign3A_1246 : i32
    %rem3A_1248 = arith.remsi %add3A_1230, %jit3A_1231 : i32
    %ne3A_1249 = arith.constant 0 : i32
    %ne3A_1250 = arith.cmpi ne, %rem3A_1248, %ne3A_1249 : i32
    %and3A_1251 = arith.andi %ne3A_1247, %ne3A_1250 : i1
    %sub3A_1252 = arith.constant 1 : i32
    %sub3A_1253 = arith.subi %div3A_1232, %sub3A_1252 : i32
    %select_n3A_1254 = arith.select %and3A_1251, %sub3A_1253, %div3A_1232 : i32
    %while3A = arith.constant 0 : i32
    %while3A_1255 = arith.constant 0 : i32
    %while3A_1256 = arith.subi %select_n3A_1254, %while3A_1255 : i32
    %while3A_1257 = arith.addi %while3A_1255, %while3A_1256 : i32
    %while3A_1258 = arith.constant 1 : i32
    %while3A_1259 = arith.divsi %while3A_1256, %while3A_1258 : i32
    %while3A_1260 = arith.muli %while3A_1259, %while3A_1258 : i32
    %while3A_1261 = arith.addi %while3A_1255, %while3A_1260 : i32
    %while3A_1262 = arith.constant 1 : i32
    scf.for %while3A_1276 = %while3A_1255 to %while3A_1261 step %while3A_1262  : i32 {
      %mul3A_1277 = arith.constant 2 : i32
      %mul3A_1278 = arith.muli %mul3A_1277, %while3A_1276 : i32
      %dma_wait3A_1279 = arith.constant 0 : i32
      %dma_wait3A_1280 = arith.constant 0 : i32
      %dma_wait3A_1281 = tpu.memref_slice %arg2[%dma_wait3A_1279, %dma_wait3A_1280] : memref<10000x128xf32, #tpu.memory_space<hbm>> -> memref<128x128xf32, #tpu.memory_space<hbm>>
      %dma_wait3A_1282 = arith.constant 0 : i32
      %dma_wait3A_1283 = arith.constant 0 : i32
      %dma_wait3A_1284 = tpu.memref_slice %arg2[%dma_wait3A_1282, %dma_wait3A_1283] : memref<10000x128xf32, #tpu.memory_space<hbm>> -> memref<128x128xf32, #tpu.memory_space<hbm>>
      tpu.wait_dma2 semaphore(%arg15 : memref<!tpu.dma_semaphore, #tpu.memory_space<semaphore_mem>>) src(%dma_wait3A_1284 : memref<128x128xf32, #tpu.memory_space<hbm>>) dst(%arg7 : memref<128x128xf32, #tpu.memory_space<vmem>>)
      %add3A_1285 = arith.constant 1 : i32
      %add3A_1286 = arith.addi %mul3A_1278, %add3A_1285 : i32
      %add3A_1287 = arith.addi %select_n3A_125, %add3A_1286 : i32
      %mul3A_1288 = arith.constant 128 : i32
      %mul3A_1289 = arith.muli %add3A_1287, %mul3A_1288 : i32
      %add3A_1290 = arith.addi %select_n3A_68, %mul3A_1289 : i32
      %min3A_1291 = arith.constant 9872 : i32
      %min3A_1292 = arith.minsi %add3A_1290, %min3A_1291 : i32
      %dma_start3A_1293 = arith.constant 0 : i32
      %dma_start3A_1294 = tpu.memref_slice %arg2[%min3A_1292, %dma_start3A_1293] : memref<10000x128xf32, #tpu.memory_space<hbm>> -> memref<128x128xf32, #tpu.memory_space<hbm>>
      %dma_start3A_1295 = arith.constant 0 : i32
      %dma_start3A_1296 = tpu.memref_slice %arg2[%min3A_1292, %dma_start3A_1295] : memref<10000x128xf32, #tpu.memory_space<hbm>> -> memref<128x128xf32, #tpu.memory_space<hbm>>
      tpu.enqueue_dma source(%dma_start3A_1296 : memref<128x128xf32, #tpu.memory_space<hbm>>) target(%arg8 : memref<128x128xf32, #tpu.memory_space<vmem>>) target_semaphore(%arg16 : memref<!tpu.dma_semaphore, #tpu.memory_space<semaphore_mem>>)
      %lt3A = arith.cmpi slt, %mul3A_1278, %sub3A_153 : i32
      %convert_element_type3A = arith.extui %lt3A : i1 to i32
      %cond3A = arith.constant 0 : i32
      %cond3A_1297 = arith.cmpi ne, %convert_element_type3A, %cond3A : i32
      scf.if %cond3A_1297 {
        %add3A_1322 = arith.addi %select_n3A_125, %mul3A_1278 : i32
        %mul3A_1323 = arith.constant 128 : i32
        %mul3A_1324 = arith.muli %add3A_1322, %mul3A_1323 : i32
        %add3A_1325 = arith.addi %select_n3A_68, %mul3A_1324 : i32
        %add3A_1326 = arith.addi %select_n3A_125, %mul3A_1278 : i32
        %mul3A_1327 = arith.constant 128 : i32
        %mul3A_1328 = arith.muli %add3A_1326, %mul3A_1327 : i32
        %add3A_1329 = arith.addi %select_n3A_68, %mul3A_1328 : i32
        %min3A_1330 = arith.constant 9872 : i32
        %min3A_1331 = arith.minsi %add3A_1329, %min3A_1330 : i32
        %sub3A_1332 = arith.subi %min3A_1331, %min3A_161 : i32
        %max3A = arith.maxsi %add3A_1325, %select_n3A_70 : i32
        %add3A_1333 = arith.constant 128 : i32
        %add3A_1334 = arith.addi %add3A_1325, %add3A_1333 : i32
        %min3A_1335 = arith.minsi %add3A_1334, %select_n3A_72 : i32
        %add3A_1336 = arith.constant 0 : i32
        %add3A_1337 = arith.addi %sub3A_1332, %add3A_1336 : i32
        %get3A_1338 = arith.index_cast %add3A_1337 : i32 to index
        %get3A_1339 = tpu.vector_load %arg9[%get3A_1338] {strides = array<i32>} : memref<640xi32, #tpu.memory_space<vmem>>, vector<16xi32>,
        %get3A_1340 = vector.shape_cast %get3A_1339 : vector<16xi32> to vector<16xi32>
        %add3A_1341 = arith.constant 0 : i32
        %add3A_1342 = arith.addi %sub3A_1332, %add3A_1341 : i32
        %get3A_1343 = arith.index_cast %add3A_1342 : i32 to index
        %get3A_1344 = tpu.vector_load %arg10[%get3A_1343] {strides = array<i32>} : memref<640xi32, #tpu.memory_space<vmem>>, vector<16xi32>,
        %get3A_1345 = vector.shape_cast %get3A_1344 : vector<16xi32> to vector<16xi32>
        %add3A_1346 = arith.constant 0 : i32
        %add3A_1347 = arith.addi %min3A_1331, %add3A_1346 : i32
        %iota3A = tpu.iota {dimensions = array<i32: 0>} : vector<16xi32>
        %add3A_1348 = vector.broadcast %add3A_1347 : i32 to vector<16xi32>
        %add3A_1349 = arith.addi %add3A_1348, %iota3A : vector<16xi32>
        %mul3A_1350 = arith.constant 100 : i32
        %mul3A_1351 = vector.broadcast %mul3A_1350 : i32 to vector<16xi32>
        %mul3A_1352 = arith.muli %get3A_1345, %mul3A_1351 : vector<16xi32>
        %add3A_1353 = arith.addi %mul3A_1352, %get3A_1340 : vector<16xi32>
        %sub3A_1354 = arith.constant 1 : i32
        %sub3A_1355 = vector.broadcast %sub3A_1354 : i32 to vector<16xi32>
        %sub3A_1356 = arith.subi %add3A_1353, %sub3A_1355 : vector<16xi32>
        %sub3A_1357 = vector.broadcast %mul3A_157 : i32 to vector<16xi32>
        %sub3A_1358 = arith.subi %sub3A_1356, %sub3A_1357 : vector<16xi32>
        %ge3A = vector.broadcast %max3A : i32 to vector<16xi32>
        %ge3A_1359 = arith.cmpi sge, %add3A_1349, %ge3A : vector<16xi32>
        %lt3A_1360 = vector.broadcast %min3A_1335 : i32 to vector<16xi32>
        %lt3A_1361 = arith.cmpi slt, %add3A_1349, %lt3A_1360 : vector<16xi32>
        %and3A_1362 = arith.andi %ge3A_1359, %lt3A_1361 : vector<16xi1>
        %ge3A_1363 = arith.constant 0 : i32
        %ge3A_1364 = vector.broadcast %ge3A_1363 : i32 to vector<16xi32>
        %ge3A_1365 = arith.cmpi sge, %sub3A_1358, %ge3A_1364 : vector<16xi32>
        %and3A_1366 = arith.andi %and3A_1362, %ge3A_1365 : vector<16xi1>
        %lt3A_1367 = arith.constant 3200 : i32
        %lt3A_1368 = vector.broadcast %lt3A_1367 : i32 to vector<16xi32>
        %lt3A_1369 = arith.cmpi slt, %sub3A_1358, %lt3A_1368 : vector<16xi32>
        %and3A_1370 = arith.andi %and3A_1366, %lt3A_1369 : vector<16xi1>
        %broadcast_in_dim3A_1371 = vector.broadcast %add3A_155 : i32 to vector<16xi32>
        %select_n3A_1372 = arith.select %and3A_1370, %sub3A_1358, %broadcast_in_dim3A_1371 : vector<16xi1>, vector<16xi32>
        %swap3A_1373 = arith.constant 0 : index
        %swap3A_1374 = tpu.vector_load %arg11[%swap3A_1373] {strides = array<i32>} : memref<128xi32, #tpu.memory_space<vmem>>, vector<16xi32>,
        %swap3A_1375 = vector.shape_cast %swap3A_1374 : vector<16xi32> to vector<16xi32>
        %swap3A_1376 = vector.shape_cast %select_n3A_1372 : vector<16xi32> to vector<16xi32>
        tpu.vector_store %arg11[%swap3A_1373], %swap3A_1376 {strides = array<i32>} : memref<128xi32, #tpu.memory_space<vmem>>, vector<16xi32>,
        %add3A_1377 = arith.constant 16 : i32
        %add3A_1378 = arith.addi %sub3A_1332, %add3A_1377 : i32
        %get3A_1379 = arith.index_cast %add3A_1378 : i32 to index
        %get3A_1380 = tpu.vector_load %arg9[%get3A_1379] {strides = array<i32>} : memref<640xi32, #tpu.memory_space<vmem>>, vector<16xi32>,
        %get3A_1381 = vector.shape_cast %get3A_1380 : vector<16xi32> to vector<16xi32>
        %add3A_1382 = arith.constant 16 : i32
        %add3A_1383 = arith.addi %sub3A_1332, %add3A_1382 : i32
        %get3A_1384 = arith.index_cast %add3A_1383 : i32 to index
        %get3A_1385 = tpu.vector_load %arg10[%get3A_1384] {strides = array<i32>} : memref<640xi32, #tpu.memory_space<vmem>>, vector<16xi32>,
        %get3A_1386 = vector.shape_cast %get3A_1385 : vector<16xi32> to vector<16xi32>
        %add3A_1387 = arith.constant 16 : i32
        %add3A_1388 = arith.addi %min3A_1331, %add3A_1387 : i32
        %iota3A_1389 = tpu.iota {dimensions = array<i32: 0>} : vector<16xi32>
        %add3A_1390 = vector.broadcast %add3A_1388 : i32 to vector<16xi32>
        %add3A_1391 = arith.addi %add3A_1390, %iota3A_1389 : vector<16xi32>
        %mul3A_1392 = arith.constant 100 : i32
        %mul3A_1393 = vector.broadcast %mul3A_1392 : i32 to vector<16xi32>
        %mul3A_1394 = arith.muli %get3A_1386, %mul3A_1393 : vector<16xi32>
        %add3A_1395 = arith.addi %mul3A_1394, %get3A_1381 : vector<16xi32>
        %sub3A_1396 = arith.constant 1 : i32
        %sub3A_1397 = vector.broadcast %sub3A_1396 : i32 to vector<16xi32>
        %sub3A_1398 = arith.subi %add3A_1395, %sub3A_1397 : vector<16xi32>
        %sub3A_1399 = vector.broadcast %mul3A_157 : i32 to vector<16xi32>
        %sub3A_1400 = arith.subi %sub3A_1398, %sub3A_1399 : vector<16xi32>
        %ge3A_1401 = vector.broadcast %max3A : i32 to vector<16xi32>
        %ge3A_1402 = arith.cmpi sge, %add3A_1391, %ge3A_1401 : vector<16xi32>
        %lt3A_1403 = vector.broadcast %min3A_1335 : i32 to vector<16xi32>
        %lt3A_1404 = arith.cmpi slt, %add3A_1391, %lt3A_1403 : vector<16xi32>
        %and3A_1405 = arith.andi %ge3A_1402, %lt3A_1404 : vector<16xi1>
        %ge3A_1406 = arith.constant 0 : i32
        %ge3A_1407 = vector.broadcast %ge3A_1406 : i32 to vector<16xi32>
        %ge3A_1408 = arith.cmpi sge, %sub3A_1400, %ge3A_1407 : vector<16xi32>
        %and3A_1409 = arith.andi %and3A_1405, %ge3A_1408 : vector<16xi1>
        %lt3A_1410 = arith.constant 3200 : i32
        %lt3A_1411 = vector.broadcast %lt3A_1410 : i32 to vector<16xi32>
        %lt3A_1412 = arith.cmpi slt, %sub3A_1400, %lt3A_1411 : vector<16xi32>
        %and3A_1413 = arith.andi %and3A_1409, %lt3A_1412 : vector<16xi1>
        %broadcast_in_dim3A_1414 = vector.broadcast %add3A_155 : i32 to vector<16xi32>
        %select_n3A_1415 = arith.select %and3A_1413, %sub3A_1400, %broadcast_in_dim3A_1414 : vector<16xi1>, vector<16xi32>
        %swap3A_1416 = arith.constant 16 : index
        %swap3A_1417 = tpu.vector_load %arg11[%swap3A_1416] {strides = array<i32>} : memref<128xi32, #tpu.memory_space<vmem>>, vector<16xi32>,
        %swap3A_1418 = vector.shape_cast %swap3A_1417 : vector<16xi32> to vector<16xi32>
        %swap3A_1419 = vector.shape_cast %select_n3A_1415 : vector<16xi32> to vector<16xi32>
        tpu.vector_store %arg11[%swap3A_1416], %swap3A_1419 {strides = array<i32>} : memref<128xi32, #tpu.memory_space<vmem>>, vector<16xi32>,
        %add3A_1420 = arith.constant 32 : i32
        %add3A_1421 = arith.addi %sub3A_1332, %add3A_1420 : i32
        %get3A_1422 = arith.index_cast %add3A_1421 : i32 to index
        %get3A_1423 = tpu.vector_load %arg9[%get3A_1422] {strides = array<i32>} : memref<640xi32, #tpu.memory_space<vmem>>, vector<16xi32>,
        %get3A_1424 = vector.shape_cast %get3A_1423 : vector<16xi32> to vector<16xi32>
        %add3A_1425 = arith.constant 32 : i32
        %add3A_1426 = arith.addi %sub3A_1332, %add3A_1425 : i32
        %get3A_1427 = arith.index_cast %add3A_1426 : i32 to index
        %get3A_1428 = tpu.vector_load %arg10[%get3A_1427] {strides = array<i32>} : memref<640xi32, #tpu.memory_space<vmem>>, vector<16xi32>,
        %get3A_1429 = vector.shape_cast %get3A_1428 : vector<16xi32> to vector<16xi32>
        %add3A_1430 = arith.constant 32 : i32
        %add3A_1431 = arith.addi %min3A_1331, %add3A_1430 : i32
        %iota3A_1432 = tpu.iota {dimensions = array<i32: 0>} : vector<16xi32>
        %add3A_1433 = vector.broadcast %add3A_1431 : i32 to vector<16xi32>
        %add3A_1434 = arith.addi %add3A_1433, %iota3A_1432 : vector<16xi32>
        %mul3A_1435 = arith.constant 100 : i32
        %mul3A_1436 = vector.broadcast %mul3A_1435 : i32 to vector<16xi32>
        %mul3A_1437 = arith.muli %get3A_1429, %mul3A_1436 : vector<16xi32>
        %add3A_1438 = arith.addi %mul3A_1437, %get3A_1424 : vector<16xi32>
        %sub3A_1439 = arith.constant 1 : i32
        %sub3A_1440 = vector.broadcast %sub3A_1439 : i32 to vector<16xi32>
        %sub3A_1441 = arith.subi %add3A_1438, %sub3A_1440 : vector<16xi32>
        %sub3A_1442 = vector.broadcast %mul3A_157 : i32 to vector<16xi32>
        %sub3A_1443 = arith.subi %sub3A_1441, %sub3A_1442 : vector<16xi32>
        %ge3A_1444 = vector.broadcast %max3A : i32 to vector<16xi32>
        %ge3A_1445 = arith.cmpi sge, %add3A_1434, %ge3A_1444 : vector<16xi32>
        %lt3A_1446 = vector.broadcast %min3A_1335 : i32 to vector<16xi32>
        %lt3A_1447 = arith.cmpi slt, %add3A_1434, %lt3A_1446 : vector<16xi32>
        %and3A_1448 = arith.andi %ge3A_1445, %lt3A_1447 : vector<16xi1>
        %ge3A_1449 = arith.constant 0 : i32
        %ge3A_1450 = vector.broadcast %ge3A_1449 : i32 to vector<16xi32>
        %ge3A_1451 = arith.cmpi sge, %sub3A_1443, %ge3A_1450 : vector<16xi32>
        %and3A_1452 = arith.andi %and3A_1448, %ge3A_1451 : vector<16xi1>
        %lt3A_1453 = arith.constant 3200 : i32
        %lt3A_1454 = vector.broadcast %lt3A_1453 : i32 to vector<16xi32>
        %lt3A_1455 = arith.cmpi slt, %sub3A_1443, %lt3A_1454 : vector<16xi32>
        %and3A_1456 = arith.andi %and3A_1452, %lt3A_1455 : vector<16xi1>
        %broadcast_in_dim3A_1457 = vector.broadcast %add3A_155 : i32 to vector<16xi32>
        %select_n3A_1458 = arith.select %and3A_1456, %sub3A_1443, %broadcast_in_dim3A_1457 : vector<16xi1>, vector<16xi32>
        %swap3A_1459 = arith.constant 32 : index
        %swap3A_1460 = tpu.vector_load %arg11[%swap3A_1459] {strides = array<i32>} : memref<128xi32, #tpu.memory_space<vmem>>, vector<16xi32>,
        %swap3A_1461 = vector.shape_cast %swap3A_1460 : vector<16xi32> to vector<16xi32>
        %swap3A_1462 = vector.shape_cast %select_n3A_1458 : vector<16xi32> to vector<16xi32>
        tpu.vector_store %arg11[%swap3A_1459], %swap3A_1462 {strides = array<i32>} : memref<128xi32, #tpu.memory_space<vmem>>, vector<16xi32>,
        %add3A_1463 = arith.constant 48 : i32
        %add3A_1464 = arith.addi %sub3A_1332, %add3A_1463 : i32
        %get3A_1465 = arith.index_cast %add3A_1464 : i32 to index
        %get3A_1466 = tpu.vector_load %arg9[%get3A_1465] {strides = array<i32>} : memref<640xi32, #tpu.memory_space<vmem>>, vector<16xi32>,
        %get3A_1467 = vector.shape_cast %get3A_1466 : vector<16xi32> to vector<16xi32>
        %add3A_1468 = arith.constant 48 : i32
        %add3A_1469 = arith.addi %sub3A_1332, %add3A_1468 : i32
        %get3A_1470 = arith.index_cast %add3A_1469 : i32 to index
        %get3A_1471 = tpu.vector_load %arg10[%get3A_1470] {strides = array<i32>} : memref<640xi32, #tpu.memory_space<vmem>>, vector<16xi32>,
        %get3A_1472 = vector.shape_cast %get3A_1471 : vector<16xi32> to vector<16xi32>
        %add3A_1473 = arith.constant 48 : i32
        %add3A_1474 = arith.addi %min3A_1331, %add3A_1473 : i32
        %iota3A_1475 = tpu.iota {dimensions = array<i32: 0>} : vector<16xi32>
        %add3A_1476 = vector.broadcast %add3A_1474 : i32 to vector<16xi32>
        %add3A_1477 = arith.addi %add3A_1476, %iota3A_1475 : vector<16xi32>
        %mul3A_1478 = arith.constant 100 : i32
        %mul3A_1479 = vector.broadcast %mul3A_1478 : i32 to vector<16xi32>
        %mul3A_1480 = arith.muli %get3A_1472, %mul3A_1479 : vector<16xi32>
        %add3A_1481 = arith.addi %mul3A_1480, %get3A_1467 : vector<16xi32>
        %sub3A_1482 = arith.constant 1 : i32
        %sub3A_1483 = vector.broadcast %sub3A_1482 : i32 to vector<16xi32>
        %sub3A_1484 = arith.subi %add3A_1481, %sub3A_1483 : vector<16xi32>
        %sub3A_1485 = vector.broadcast %mul3A_157 : i32 to vector<16xi32>
        %sub3A_1486 = arith.subi %sub3A_1484, %sub3A_1485 : vector<16xi32>
        %ge3A_1487 = vector.broadcast %max3A : i32 to vector<16xi32>
        %ge3A_1488 = arith.cmpi sge, %add3A_1477, %ge3A_1487 : vector<16xi32>
        %lt3A_1489 = vector.broadcast %min3A_1335 : i32 to vector<16xi32>
        %lt3A_1490 = arith.cmpi slt, %add3A_1477, %lt3A_1489 : vector<16xi32>
        %and3A_1491 = arith.andi %ge3A_1488, %lt3A_1490 : vector<16xi1>
        %ge3A_1492 = arith.constant 0 : i32
        %ge3A_1493 = vector.broadcast %ge3A_1492 : i32 to vector<16xi32>
        %ge3A_1494 = arith.cmpi sge, %sub3A_1486, %ge3A_1493 : vector<16xi32>
        %and3A_1495 = arith.andi %and3A_1491, %ge3A_1494 : vector<16xi1>
        %lt3A_1496 = arith.constant 3200 : i32
        %lt3A_1497 = vector.broadcast %lt3A_1496 : i32 to vector<16xi32>
        %lt3A_1498 = arith.cmpi slt, %sub3A_1486, %lt3A_1497 : vector<16xi32>
        %and3A_1499 = arith.andi %and3A_1495, %lt3A_1498 : vector<16xi1>
        %broadcast_in_dim3A_1500 = vector.broadcast %add3A_155 : i32 to vector<16xi32>
        %select_n3A_1501 = arith.select %and3A_1499, %sub3A_1486, %broadcast_in_dim3A_1500 : vector<16xi1>, vector<16xi32>
        %swap3A_1502 = arith.constant 48 : index
        %swap3A_1503 = tpu.vector_load %arg11[%swap3A_1502] {strides = array<i32>} : memref<128xi32, #tpu.memory_space<vmem>>, vector<16xi32>,
        %swap3A_1504 = vector.shape_cast %swap3A_1503 : vector<16xi32> to vector<16xi32>
        %swap3A_1505 = vector.shape_cast %select_n3A_1501 : vector<16xi32> to vector<16xi32>
        tpu.vector_store %arg11[%swap3A_1502], %swap3A_1505 {strides = array<i32>} : memref<128xi32, #tpu.memory_space<vmem>>, vector<16xi32>,
        %add3A_1506 = arith.constant 64 : i32
        %add3A_1507 = arith.addi %sub3A_1332, %add3A_1506 : i32
        %get3A_1508 = arith.index_cast %add3A_1507 : i32 to index
        %get3A_1509 = tpu.vector_load %arg9[%get3A_1508] {strides = array<i32>} : memref<640xi32, #tpu.memory_space<vmem>>, vector<16xi32>,
        %get3A_1510 = vector.shape_cast %get3A_1509 : vector<16xi32> to vector<16xi32>
        %add3A_1511 = arith.constant 64 : i32
        %add3A_1512 = arith.addi %sub3A_1332, %add3A_1511 : i32
        %get3A_1513 = arith.index_cast %add3A_1512 : i32 to index
        %get3A_1514 = tpu.vector_load %arg10[%get3A_1513] {strides = array<i32>} : memref<640xi32, #tpu.memory_space<vmem>>, vector<16xi32>,
        %get3A_1515 = vector.shape_cast %get3A_1514 : vector<16xi32> to vector<16xi32>
        %add3A_1516 = arith.constant 64 : i32
        %add3A_1517 = arith.addi %min3A_1331, %add3A_1516 : i32
        %iota3A_1518 = tpu.iota {dimensions = array<i32: 0>} : vector<16xi32>
        %add3A_1519 = vector.broadcast %add3A_1517 : i32 to vector<16xi32>
        %add3A_1520 = arith.addi %add3A_1519, %iota3A_1518 : vector<16xi32>
        %mul3A_1521 = arith.constant 100 : i32
        %mul3A_1522 = vector.broadcast %mul3A_1521 : i32 to vector<16xi32>
        %mul3A_1523 = arith.muli %get3A_1515, %mul3A_1522 : vector<16xi32>
        %add3A_1524 = arith.addi %mul3A_1523, %get3A_1510 : vector<16xi32>
        %sub3A_1525 = arith.constant 1 : i32
        %sub3A_1526 = vector.broadcast %sub3A_1525 : i32 to vector<16xi32>
        %sub3A_1527 = arith.subi %add3A_1524, %sub3A_1526 : vector<16xi32>
        %sub3A_1528 = vector.broadcast %mul3A_157 : i32 to vector<16xi32>
        %sub3A_1529 = arith.subi %sub3A_1527, %sub3A_1528 : vector<16xi32>
        %ge3A_1530 = vector.broadcast %max3A : i32 to vector<16xi32>
        %ge3A_1531 = arith.cmpi sge, %add3A_1520, %ge3A_1530 : vector<16xi32>
        %lt3A_1532 = vector.broadcast %min3A_1335 : i32 to vector<16xi32>
        %lt3A_1533 = arith.cmpi slt, %add3A_1520, %lt3A_1532 : vector<16xi32>
        %and3A_1534 = arith.andi %ge3A_1531, %lt3A_1533 : vector<16xi1>
        %ge3A_1535 = arith.constant 0 : i32
        %ge3A_1536 = vector.broadcast %ge3A_1535 : i32 to vector<16xi32>
        %ge3A_1537 = arith.cmpi sge, %sub3A_1529, %ge3A_1536 : vector<16xi32>
        %and3A_1538 = arith.andi %and3A_1534, %ge3A_1537 : vector<16xi1>
        %lt3A_1539 = arith.constant 3200 : i32
        %lt3A_1540 = vector.broadcast %lt3A_1539 : i32 to vector<16xi32>
        %lt3A_1541 = arith.cmpi slt, %sub3A_1529, %lt3A_1540 : vector<16xi32>
        %and3A_1542 = arith.andi %and3A_1538, %lt3A_1541 : vector<16xi1>
        %broadcast_in_dim3A_1543 = vector.broadcast %add3A_155 : i32 to vector<16xi32>
        %select_n3A_1544 = arith.select %and3A_1542, %sub3A_1529, %broadcast_in_dim3A_1543 : vector<16xi1>, vector<16xi32>
        %swap3A_1545 = arith.constant 64 : index
        %swap3A_1546 = tpu.vector_load %arg11[%swap3A_1545] {strides = array<i32>} : memref<128xi32, #tpu.memory_space<vmem>>, vector<16xi32>,
        %swap3A_1547 = vector.shape_cast %swap3A_1546 : vector<16xi32> to vector<16xi32>
        %swap3A_1548 = vector.shape_cast %select_n3A_1544 : vector<16xi32> to vector<16xi32>
        tpu.vector_store %arg11[%swap3A_1545], %swap3A_1548 {strides = array<i32>} : memref<128xi32, #tpu.memory_space<vmem>>, vector<16xi32>,
        %add3A_1549 = arith.constant 80 : i32
        %add3A_1550 = arith.addi %sub3A_1332, %add3A_1549 : i32
        %get3A_1551 = arith.index_cast %add3A_1550 : i32 to index
        %get3A_1552 = tpu.vector_load %arg9[%get3A_1551] {strides = array<i32>} : memref<640xi32, #tpu.memory_space<vmem>>, vector<16xi32>,
        %get3A_1553 = vector.shape_cast %get3A_1552 : vector<16xi32> to vector<16xi32>
        %add3A_1554 = arith.constant 80 : i32
        %add3A_1555 = arith.addi %sub3A_1332, %add3A_1554 : i32
        %get3A_1556 = arith.index_cast %add3A_1555 : i32 to index
        %get3A_1557 = tpu.vector_load %arg10[%get3A_1556] {strides = array<i32>} : memref<640xi32, #tpu.memory_space<vmem>>, vector<16xi32>,
        %get3A_1558 = vector.shape_cast %get3A_1557 : vector<16xi32> to vector<16xi32>
        %add3A_1559 = arith.constant 80 : i32
        %add3A_1560 = arith.addi %min3A_1331, %add3A_1559 : i32
        %iota3A_1561 = tpu.iota {dimensions = array<i32: 0>} : vector<16xi32>
        %add3A_1562 = vector.broadcast %add3A_1560 : i32 to vector<16xi32>
        %add3A_1563 = arith.addi %add3A_1562, %iota3A_1561 : vector<16xi32>
        %mul3A_1564 = arith.constant 100 : i32
        %mul3A_1565 = vector.broadcast %mul3A_1564 : i32 to vector<16xi32>
        %mul3A_1566 = arith.muli %get3A_1558, %mul3A_1565 : vector<16xi32>
        %add3A_1567 = arith.addi %mul3A_1566, %get3A_1553 : vector<16xi32>
        %sub3A_1568 = arith.constant 1 : i32
        %sub3A_1569 = vector.broadcast %sub3A_1568 : i32 to vector<16xi32>
        %sub3A_1570 = arith.subi %add3A_1567, %sub3A_1569 : vector<16xi32>
        %sub3A_1571 = vector.broadcast %mul3A_157 : i32 to vector<16xi32>
        %sub3A_1572 = arith.subi %sub3A_1570, %sub3A_1571 : vector<16xi32>
        %ge3A_1573 = vector.broadcast %max3A : i32 to vector<16xi32>
        %ge3A_1574 = arith.cmpi sge, %add3A_1563, %ge3A_1573 : vector<16xi32>
        %lt3A_1575 = vector.broadcast %min3A_1335 : i32 to vector<16xi32>
        %lt3A_1576 = arith.cmpi slt, %add3A_1563, %lt3A_1575 : vector<16xi32>
        %and3A_1577 = arith.andi %ge3A_1574, %lt3A_1576 : vector<16xi1>
        %ge3A_1578 = arith.constant 0 : i32
        %ge3A_1579 = vector.broadcast %ge3A_1578 : i32 to vector<16xi32>
        %ge3A_1580 = arith.cmpi sge, %sub3A_1572, %ge3A_1579 : vector<16xi32>
        %and3A_1581 = arith.andi %and3A_1577, %ge3A_1580 : vector<16xi1>
        %lt3A_1582 = arith.constant 3200 : i32
        %lt3A_1583 = vector.broadcast %lt3A_1582 : i32 to vector<16xi32>
        %lt3A_1584 = arith.cmpi slt, %sub3A_1572, %lt3A_1583 : vector<16xi32>
        %and3A_1585 = arith.andi %and3A_1581, %lt3A_1584 : vector<16xi1>
        %broadcast_in_dim3A_1586 = vector.broadcast %add3A_155 : i32 to vector<16xi32>
        %select_n3A_1587 = arith.select %and3A_1585, %sub3A_1572, %broadcast_in_dim3A_1586 : vector<16xi1>, vector<16xi32>
        %swap3A_1588 = arith.constant 80 : index
        %swap3A_1589 = tpu.vector_load %arg11[%swap3A_1588] {strides = array<i32>} : memref<128xi32, #tpu.memory_space<vmem>>, vector<16xi32>,
        %swap3A_1590 = vector.shape_cast %swap3A_1589 : vector<16xi32> to vector<16xi32>
        %swap3A_1591 = vector.shape_cast %select_n3A_1587 : vector<16xi32> to vector<16xi32>
        tpu.vector_store %arg11[%swap3A_1588], %swap3A_1591 {strides = array<i32>} : memref<128xi32, #tpu.memory_space<vmem>>, vector<16xi32>,
        %add3A_1592 = arith.constant 96 : i32
        %add3A_1593 = arith.addi %sub3A_1332, %add3A_1592 : i32
        %get3A_1594 = arith.index_cast %add3A_1593 : i32 to index
        %get3A_1595 = tpu.vector_load %arg9[%get3A_1594] {strides = array<i32>} : memref<640xi32, #tpu.memory_space<vmem>>, vector<16xi32>,
        %get3A_1596 = vector.shape_cast %get3A_1595 : vector<16xi32> to vector<16xi32>
        %add3A_1597 = arith.constant 96 : i32
        %add3A_1598 = arith.addi %sub3A_1332, %add3A_1597 : i32
        %get3A_1599 = arith.index_cast %add3A_1598 : i32 to index
        %get3A_1600 = tpu.vector_load %arg10[%get3A_1599] {strides = array<i32>} : memref<640xi32, #tpu.memory_space<vmem>>, vector<16xi32>,
        %get3A_1601 = vector.shape_cast %get3A_1600 : vector<16xi32> to vector<16xi32>
        %add3A_1602 = arith.constant 96 : i32
        %add3A_1603 = arith.addi %min3A_1331, %add3A_1602 : i32
        %iota3A_1604 = tpu.iota {dimensions = array<i32: 0>} : vector<16xi32>
        %add3A_1605 = vector.broadcast %add3A_1603 : i32 to vector<16xi32>
        %add3A_1606 = arith.addi %add3A_1605, %iota3A_1604 : vector<16xi32>
        %mul3A_1607 = arith.constant 100 : i32
        %mul3A_1608 = vector.broadcast %mul3A_1607 : i32 to vector<16xi32>
        %mul3A_1609 = arith.muli %get3A_1601, %mul3A_1608 : vector<16xi32>
        %add3A_1610 = arith.addi %mul3A_1609, %get3A_1596 : vector<16xi32>
        %sub3A_1611 = arith.constant 1 : i32
        %sub3A_1612 = vector.broadcast %sub3A_1611 : i32 to vector<16xi32>
        %sub3A_1613 = arith.subi %add3A_1610, %sub3A_1612 : vector<16xi32>
        %sub3A_1614 = vector.broadcast %mul3A_157 : i32 to vector<16xi32>
        %sub3A_1615 = arith.subi %sub3A_1613, %sub3A_1614 : vector<16xi32>
        %ge3A_1616 = vector.broadcast %max3A : i32 to vector<16xi32>
        %ge3A_1617 = arith.cmpi sge, %add3A_1606, %ge3A_1616 : vector<16xi32>
        %lt3A_1618 = vector.broadcast %min3A_1335 : i32 to vector<16xi32>
        %lt3A_1619 = arith.cmpi slt, %add3A_1606, %lt3A_1618 : vector<16xi32>
        %and3A_1620 = arith.andi %ge3A_1617, %lt3A_1619 : vector<16xi1>
        %ge3A_1621 = arith.constant 0 : i32
        %ge3A_1622 = vector.broadcast %ge3A_1621 : i32 to vector<16xi32>
        %ge3A_1623 = arith.cmpi sge, %sub3A_1615, %ge3A_1622 : vector<16xi32>
        %and3A_1624 = arith.andi %and3A_1620, %ge3A_1623 : vector<16xi1>
        %lt3A_1625 = arith.constant 3200 : i32
        %lt3A_1626 = vector.broadcast %lt3A_1625 : i32 to vector<16xi32>
        %lt3A_1627 = arith.cmpi slt, %sub3A_1615, %lt3A_1626 : vector<16xi32>
        %and3A_1628 = arith.andi %and3A_1624, %lt3A_1627 : vector<16xi1>
        %broadcast_in_dim3A_1629 = vector.broadcast %add3A_155 : i32 to vector<16xi32>
        %select_n3A_1630 = arith.select %and3A_1628, %sub3A_1615, %broadcast_in_dim3A_1629 : vector<16xi1>, vector<16xi32>
        %swap3A_1631 = arith.constant 96 : index
        %swap3A_1632 = tpu.vector_load %arg11[%swap3A_1631] {strides = array<i32>} : memref<128xi32, #tpu.memory_space<vmem>>, vector<16xi32>,
        %swap3A_1633 = vector.shape_cast %swap3A_1632 : vector<16xi32> to vector<16xi32>
        %swap3A_1634 = vector.shape_cast %select_n3A_1630 : vector<16xi32> to vector<16xi32>
        tpu.vector_store %arg11[%swap3A_1631], %swap3A_1634 {strides = array<i32>} : memref<128xi32, #tpu.memory_space<vmem>>, vector<16xi32>,
        %add3A_1635 = arith.constant 112 : i32
        %add3A_1636 = arith.addi %sub3A_1332, %add3A_1635 : i32
        %get3A_1637 = arith.index_cast %add3A_1636 : i32 to index
        %get3A_1638 = tpu.vector_load %arg9[%get3A_1637] {strides = array<i32>} : memref<640xi32, #tpu.memory_space<vmem>>, vector<16xi32>,
        %get3A_1639 = vector.shape_cast %get3A_1638 : vector<16xi32> to vector<16xi32>
        %add3A_1640 = arith.constant 112 : i32
        %add3A_1641 = arith.addi %sub3A_1332, %add3A_1640 : i32
        %get3A_1642 = arith.index_cast %add3A_1641 : i32 to index
        %get3A_1643 = tpu.vector_load %arg10[%get3A_1642] {strides = array<i32>} : memref<640xi32, #tpu.memory_space<vmem>>, vector<16xi32>,
        %get3A_1644 = vector.shape_cast %get3A_1643 : vector<16xi32> to vector<16xi32>
        %add3A_1645 = arith.constant 112 : i32
        %add3A_1646 = arith.addi %min3A_1331, %add3A_1645 : i32
        %iota3A_1647 = tpu.iota {dimensions = array<i32: 0>} : vector<16xi32>
        %add3A_1648 = vector.broadcast %add3A_1646 : i32 to vector<16xi32>
        %add3A_1649 = arith.addi %add3A_1648, %iota3A_1647 : vector<16xi32>
        %mul3A_1650 = arith.constant 100 : i32
        %mul3A_1651 = vector.broadcast %mul3A_1650 : i32 to vector<16xi32>
        %mul3A_1652 = arith.muli %get3A_1644, %mul3A_1651 : vector<16xi32>
        %add3A_1653 = arith.addi %mul3A_1652, %get3A_1639 : vector<16xi32>
        %sub3A_1654 = arith.constant 1 : i32
        %sub3A_1655 = vector.broadcast %sub3A_1654 : i32 to vector<16xi32>
        %sub3A_1656 = arith.subi %add3A_1653, %sub3A_1655 : vector<16xi32>
        %sub3A_1657 = vector.broadcast %mul3A_157 : i32 to vector<16xi32>
        %sub3A_1658 = arith.subi %sub3A_1656, %sub3A_1657 : vector<16xi32>
        %ge3A_1659 = vector.broadcast %max3A : i32 to vector<16xi32>
        %ge3A_1660 = arith.cmpi sge, %add3A_1649, %ge3A_1659 : vector<16xi32>
        %lt3A_1661 = vector.broadcast %min3A_1335 : i32 to vector<16xi32>
        %lt3A_1662 = arith.cmpi slt, %add3A_1649, %lt3A_1661 : vector<16xi32>
        %and3A_1663 = arith.andi %ge3A_1660, %lt3A_1662 : vector<16xi1>
        %ge3A_1664 = arith.constant 0 : i32
        %ge3A_1665 = vector.broadcast %ge3A_1664 : i32 to vector<16xi32>
        %ge3A_1666 = arith.cmpi sge, %sub3A_1658, %ge3A_1665 : vector<16xi32>
        %and3A_1667 = arith.andi %and3A_1663, %ge3A_1666 : vector<16xi1>
        %lt3A_1668 = arith.constant 3200 : i32
        %lt3A_1669 = vector.broadcast %lt3A_1668 : i32 to vector<16xi32>
        %lt3A_1670 = arith.cmpi slt, %sub3A_1658, %lt3A_1669 : vector<16xi32>
        %and3A_1671 = arith.andi %and3A_1667, %lt3A_1670 : vector<16xi1>
        %broadcast_in_dim3A_1672 = vector.broadcast %add3A_155 : i32 to vector<16xi32>
        %select_n3A_1673 = arith.select %and3A_1671, %sub3A_1658, %broadcast_in_dim3A_1672 : vector<16xi1>, vector<16xi32>
        %swap3A_1674 = arith.constant 112 : index
        %swap3A_1675 = tpu.vector_load %arg11[%swap3A_1674] {strides = array<i32>} : memref<128xi32, #tpu.memory_space<vmem>>, vector<16xi32>,
        %swap3A_1676 = vector.shape_cast %swap3A_1675 : vector<16xi32> to vector<16xi32>
        %swap3A_1677 = vector.shape_cast %select_n3A_1673 : vector<16xi32> to vector<16xi32>
        tpu.vector_store %arg11[%swap3A_1674], %swap3A_1677 {strides = array<i32>} : memref<128xi32, #tpu.memory_space<vmem>>, vector<16xi32>,
        "tpu.region"() ({
          %run_scoped3A = tpu.sem_alloc : memref<!tpu.dma_semaphore, #tpu.memory_space<semaphore_mem>>
          %dma_start3A_1678 = arith.constant 0 : i32
          %dma_start3A_1679 = arith.constant 0 : i32
          %dma_start3A_1680 = tpu.memref_slice %arg14[%dma_start3A_1678, %dma_start3A_1679] : memref<3328x128xf32, #tpu.memory_space<vmem_shared>> -> memref<3328x128xf32, #tpu.memory_space<vmem_shared>>
          tpu.enqueue_indirect_dma source(%arg7 : memref<128x128xf32, #tpu.memory_space<vmem>>) target(%dma_start3A_1680 : memref<3328x128xf32, #tpu.memory_space<vmem_shared>>) offsets(%arg11 : memref<128xi32, #tpu.memory_space<vmem>>) semaphore(%run_scoped3A : memref<!tpu.dma_semaphore, #tpu.memory_space<semaphore_mem>>) {add = true}
          %dma_wait3A_1681 = arith.constant 0 : i32
          %dma_wait3A_1682 = arith.constant 0 : i32
          %dma_wait3A_1683 = tpu.memref_slice %arg14[%dma_wait3A_1681, %dma_wait3A_1682] : memref<3328x128xf32, #tpu.memory_space<vmem_shared>> -> memref<3328x128xf32, #tpu.memory_space<vmem_shared>>
          tpu.wait_indirect_dma semaphore(%run_scoped3A : memref<!tpu.dma_semaphore, #tpu.memory_space<semaphore_mem>>) src(%arg7 : memref<128x128xf32, #tpu.memory_space<vmem>>) dst(%dma_wait3A_1683 : memref<3328x128xf32, #tpu.memory_space<vmem_shared>>)
          tpu.yield
        }) : () -> ()
      } else {
      }
      %dma_wait3A_1298 = arith.constant 0 : i32
      %dma_wait3A_1299 = arith.constant 0 : i32
      %dma_wait3A_1300 = tpu.memref_slice %arg2[%dma_wait3A_1298, %dma_wait3A_1299] : memref<10000x128xf32, #tpu.memory_space<hbm>> -> memref<128x128xf32, #tpu.memory_space<hbm>>
      %dma_wait3A_1301 = arith.constant 0 : i32
      %dma_wait3A_1302 = arith.constant 0 : i32
      %dma_wait3A_1303 = tpu.memref_slice %arg2[%dma_wait3A_1301, %dma_wait3A_1302] : memref<10000x128xf32, #tpu.memory_space<hbm>> -> memref<128x128xf32, #tpu.memory_space<hbm>>
      tpu.wait_dma2 semaphore(%arg16 : memref<!tpu.dma_semaphore, #tpu.memory_space<semaphore_mem>>) src(%dma_wait3A_1303 : memref<128x128xf32, #tpu.memory_space<hbm>>) dst(%arg8 : memref<128x128xf32, #tpu.memory_space<vmem>>)
      %add3A_1304 = arith.constant 2 : i32
      %add3A_1305 = arith.addi %mul3A_1278, %add3A_1304 : i32
      %add3A_1306 = arith.addi %select_n3A_125, %add3A_1305 : i32
      %mul3A_1307 = arith.constant 128 : i32
      %mul3A_1308 = arith.muli %add3A_1306, %mul3A_1307 : i32
      %add3A_1309 = arith.addi %select_n3A_68, %mul3A_1308 : i32
      %min3A_1310 = arith.constant 9872 : i32
      %min3A_1311 = arith.minsi %add3A_1309, %min3A_1310 : i32
      %dma_start3A_1312 = arith.constant 0 : i32
      %dma_start3A_1313 = tpu.memref_slice %arg2[%min3A_1311, %dma_start3A_1312] : memref<10000x128xf32, #tpu.memory_space<hbm>> -> memref<128x128xf32, #tpu.memory_space<hbm>>
      %dma_start3A_1314 = arith.constant 0 : i32
      %dma_start3A_1315 = tpu.memref_slice %arg2[%min3A_1311, %dma_start3A_1314] : memref<10000x128xf32, #tpu.memory_space<hbm>> -> memref<128x128xf32, #tpu.memory_space<hbm>>
      tpu.enqueue_dma source(%dma_start3A_1315 : memref<128x128xf32, #tpu.memory_space<hbm>>) target(%arg7 : memref<128x128xf32, #tpu.memory_space<vmem>>) target_semaphore(%arg15 : memref<!tpu.dma_semaphore, #tpu.memory_space<semaphore_mem>>)
      %add3A_1316 = arith.constant 1 : i32
      %add3A_1317 = arith.addi %mul3A_1278, %add3A_1316 : i32
      %lt3A_1318 = arith.cmpi slt, %add3A_1317, %sub3A_153 : i32
      %convert_element_type3A_1319 = arith.extui %lt3A_1318 : i1 to i32
      %cond3A_1320 = arith.constant 0 : i32
      %cond3A_1321 = arith.cmpi ne, %convert_element_type3A_1319, %cond3A_1320 : i32
      scf.if %cond3A_1321 {
        %add3A_1322 = arith.constant 1 : i32
        %add3A_1323 = arith.addi %mul3A_1278, %add3A_1322 : i32
        %add3A_1324 = arith.addi %select_n3A_125, %add3A_1323 : i32
        %mul3A_1325 = arith.constant 128 : i32
        %mul3A_1326 = arith.muli %add3A_1324, %mul3A_1325 : i32
        %add3A_1327 = arith.addi %select_n3A_68, %mul3A_1326 : i32
        %add3A_1328 = arith.addi %select_n3A_125, %add3A_1323 : i32
        %mul3A_1329 = arith.constant 128 : i32
        %mul3A_1330 = arith.muli %add3A_1328, %mul3A_1329 : i32
        %add3A_1331 = arith.addi %select_n3A_68, %mul3A_1330 : i32
        %min3A_1332 = arith.constant 9872 : i32
        %min3A_1333 = arith.minsi %add3A_1331, %min3A_1332 : i32
        %sub3A_1334 = arith.subi %min3A_1333, %min3A_161 : i32
        %max3A = arith.maxsi %add3A_1327, %select_n3A_70 : i32
        %add3A_1335 = arith.constant 128 : i32
        %add3A_1336 = arith.addi %add3A_1327, %add3A_1335 : i32
        %min3A_1337 = arith.minsi %add3A_1336, %select_n3A_72 : i32
        %add3A_1338 = arith.constant 0 : i32
        %add3A_1339 = arith.addi %sub3A_1334, %add3A_1338 : i32
        %get3A_1340 = arith.index_cast %add3A_1339 : i32 to index
        %get3A_1341 = tpu.vector_load %arg9[%get3A_1340] {strides = array<i32>} : memref<640xi32, #tpu.memory_space<vmem>>, vector<16xi32>,
        %get3A_1342 = vector.shape_cast %get3A_1341 : vector<16xi32> to vector<16xi32>
        %add3A_1343 = arith.constant 0 : i32
        %add3A_1344 = arith.addi %sub3A_1334, %add3A_1343 : i32
        %get3A_1345 = arith.index_cast %add3A_1344 : i32 to index
        %get3A_1346 = tpu.vector_load %arg10[%get3A_1345] {strides = array<i32>} : memref<640xi32, #tpu.memory_space<vmem>>, vector<16xi32>,
        %get3A_1347 = vector.shape_cast %get3A_1346 : vector<16xi32> to vector<16xi32>
        %add3A_1348 = arith.constant 0 : i32
        %add3A_1349 = arith.addi %min3A_1333, %add3A_1348 : i32
        %iota3A = tpu.iota {dimensions = array<i32: 0>} : vector<16xi32>
        %add3A_1350 = vector.broadcast %add3A_1349 : i32 to vector<16xi32>
        %add3A_1351 = arith.addi %add3A_1350, %iota3A : vector<16xi32>
        %mul3A_1352 = arith.constant 100 : i32
        %mul3A_1353 = vector.broadcast %mul3A_1352 : i32 to vector<16xi32>
        %mul3A_1354 = arith.muli %get3A_1347, %mul3A_1353 : vector<16xi32>
        %add3A_1355 = arith.addi %mul3A_1354, %get3A_1342 : vector<16xi32>
        %sub3A_1356 = arith.constant 1 : i32
        %sub3A_1357 = vector.broadcast %sub3A_1356 : i32 to vector<16xi32>
        %sub3A_1358 = arith.subi %add3A_1355, %sub3A_1357 : vector<16xi32>
        %sub3A_1359 = vector.broadcast %mul3A_157 : i32 to vector<16xi32>
        %sub3A_1360 = arith.subi %sub3A_1358, %sub3A_1359 : vector<16xi32>
        %ge3A = vector.broadcast %max3A : i32 to vector<16xi32>
        %ge3A_1361 = arith.cmpi sge, %add3A_1351, %ge3A : vector<16xi32>
        %lt3A_1362 = vector.broadcast %min3A_1337 : i32 to vector<16xi32>
        %lt3A_1363 = arith.cmpi slt, %add3A_1351, %lt3A_1362 : vector<16xi32>
        %and3A_1364 = arith.andi %ge3A_1361, %lt3A_1363 : vector<16xi1>
        %ge3A_1365 = arith.constant 0 : i32
        %ge3A_1366 = vector.broadcast %ge3A_1365 : i32 to vector<16xi32>
        %ge3A_1367 = arith.cmpi sge, %sub3A_1360, %ge3A_1366 : vector<16xi32>
        %and3A_1368 = arith.andi %and3A_1364, %ge3A_1367 : vector<16xi1>
        %lt3A_1369 = arith.constant 3200 : i32
        %lt3A_1370 = vector.broadcast %lt3A_1369 : i32 to vector<16xi32>
        %lt3A_1371 = arith.cmpi slt, %sub3A_1360, %lt3A_1370 : vector<16xi32>
        %and3A_1372 = arith.andi %and3A_1368, %lt3A_1371 : vector<16xi1>
        %broadcast_in_dim3A_1373 = vector.broadcast %add3A_155 : i32 to vector<16xi32>
        %select_n3A_1374 = arith.select %and3A_1372, %sub3A_1360, %broadcast_in_dim3A_1373 : vector<16xi1>, vector<16xi32>
        %swap3A_1375 = arith.constant 0 : index
        %swap3A_1376 = tpu.vector_load %arg11[%swap3A_1375] {strides = array<i32>} : memref<128xi32, #tpu.memory_space<vmem>>, vector<16xi32>,
        %swap3A_1377 = vector.shape_cast %swap3A_1376 : vector<16xi32> to vector<16xi32>
        %swap3A_1378 = vector.shape_cast %select_n3A_1374 : vector<16xi32> to vector<16xi32>
        tpu.vector_store %arg11[%swap3A_1375], %swap3A_1378 {strides = array<i32>} : memref<128xi32, #tpu.memory_space<vmem>>, vector<16xi32>,
        %add3A_1379 = arith.constant 16 : i32
        %add3A_1380 = arith.addi %sub3A_1334, %add3A_1379 : i32
        %get3A_1381 = arith.index_cast %add3A_1380 : i32 to index
        %get3A_1382 = tpu.vector_load %arg9[%get3A_1381] {strides = array<i32>} : memref<640xi32, #tpu.memory_space<vmem>>, vector<16xi32>,
        %get3A_1383 = vector.shape_cast %get3A_1382 : vector<16xi32> to vector<16xi32>
        %add3A_1384 = arith.constant 16 : i32
        %add3A_1385 = arith.addi %sub3A_1334, %add3A_1384 : i32
        %get3A_1386 = arith.index_cast %add3A_1385 : i32 to index
        %get3A_1387 = tpu.vector_load %arg10[%get3A_1386] {strides = array<i32>} : memref<640xi32, #tpu.memory_space<vmem>>, vector<16xi32>,
        %get3A_1388 = vector.shape_cast %get3A_1387 : vector<16xi32> to vector<16xi32>
        %add3A_1389 = arith.constant 16 : i32
        %add3A_1390 = arith.addi %min3A_1333, %add3A_1389 : i32
        %iota3A_1391 = tpu.iota {dimensions = array<i32: 0>} : vector<16xi32>
        %add3A_1392 = vector.broadcast %add3A_1390 : i32 to vector<16xi32>
        %add3A_1393 = arith.addi %add3A_1392, %iota3A_1391 : vector<16xi32>
        %mul3A_1394 = arith.constant 100 : i32
        %mul3A_1395 = vector.broadcast %mul3A_1394 : i32 to vector<16xi32>
        %mul3A_1396 = arith.muli %get3A_1388, %mul3A_1395 : vector<16xi32>
        %add3A_1397 = arith.addi %mul3A_1396, %get3A_1383 : vector<16xi32>
        %sub3A_1398 = arith.constant 1 : i32
        %sub3A_1399 = vector.broadcast %sub3A_1398 : i32 to vector<16xi32>
        %sub3A_1400 = arith.subi %add3A_1397, %sub3A_1399 : vector<16xi32>
        %sub3A_1401 = vector.broadcast %mul3A_157 : i32 to vector<16xi32>
        %sub3A_1402 = arith.subi %sub3A_1400, %sub3A_1401 : vector<16xi32>
        %ge3A_1403 = vector.broadcast %max3A : i32 to vector<16xi32>
        %ge3A_1404 = arith.cmpi sge, %add3A_1393, %ge3A_1403 : vector<16xi32>
        %lt3A_1405 = vector.broadcast %min3A_1337 : i32 to vector<16xi32>
        %lt3A_1406 = arith.cmpi slt, %add3A_1393, %lt3A_1405 : vector<16xi32>
        %and3A_1407 = arith.andi %ge3A_1404, %lt3A_1406 : vector<16xi1>
        %ge3A_1408 = arith.constant 0 : i32
        %ge3A_1409 = vector.broadcast %ge3A_1408 : i32 to vector<16xi32>
        %ge3A_1410 = arith.cmpi sge, %sub3A_1402, %ge3A_1409 : vector<16xi32>
        %and3A_1411 = arith.andi %and3A_1407, %ge3A_1410 : vector<16xi1>
        %lt3A_1412 = arith.constant 3200 : i32
        %lt3A_1413 = vector.broadcast %lt3A_1412 : i32 to vector<16xi32>
        %lt3A_1414 = arith.cmpi slt, %sub3A_1402, %lt3A_1413 : vector<16xi32>
        %and3A_1415 = arith.andi %and3A_1411, %lt3A_1414 : vector<16xi1>
        %broadcast_in_dim3A_1416 = vector.broadcast %add3A_155 : i32 to vector<16xi32>
        %select_n3A_1417 = arith.select %and3A_1415, %sub3A_1402, %broadcast_in_dim3A_1416 : vector<16xi1>, vector<16xi32>
        %swap3A_1418 = arith.constant 16 : index
        %swap3A_1419 = tpu.vector_load %arg11[%swap3A_1418] {strides = array<i32>} : memref<128xi32, #tpu.memory_space<vmem>>, vector<16xi32>,
        %swap3A_1420 = vector.shape_cast %swap3A_1419 : vector<16xi32> to vector<16xi32>
        %swap3A_1421 = vector.shape_cast %select_n3A_1417 : vector<16xi32> to vector<16xi32>
        tpu.vector_store %arg11[%swap3A_1418], %swap3A_1421 {strides = array<i32>} : memref<128xi32, #tpu.memory_space<vmem>>, vector<16xi32>,
        %add3A_1422 = arith.constant 32 : i32
        %add3A_1423 = arith.addi %sub3A_1334, %add3A_1422 : i32
        %get3A_1424 = arith.index_cast %add3A_1423 : i32 to index
        %get3A_1425 = tpu.vector_load %arg9[%get3A_1424] {strides = array<i32>} : memref<640xi32, #tpu.memory_space<vmem>>, vector<16xi32>,
        %get3A_1426 = vector.shape_cast %get3A_1425 : vector<16xi32> to vector<16xi32>
        %add3A_1427 = arith.constant 32 : i32
        %add3A_1428 = arith.addi %sub3A_1334, %add3A_1427 : i32
        %get3A_1429 = arith.index_cast %add3A_1428 : i32 to index
        %get3A_1430 = tpu.vector_load %arg10[%get3A_1429] {strides = array<i32>} : memref<640xi32, #tpu.memory_space<vmem>>, vector<16xi32>,
        %get3A_1431 = vector.shape_cast %get3A_1430 : vector<16xi32> to vector<16xi32>
        %add3A_1432 = arith.constant 32 : i32
        %add3A_1433 = arith.addi %min3A_1333, %add3A_1432 : i32
        %iota3A_1434 = tpu.iota {dimensions = array<i32: 0>} : vector<16xi32>
        %add3A_1435 = vector.broadcast %add3A_1433 : i32 to vector<16xi32>
        %add3A_1436 = arith.addi %add3A_1435, %iota3A_1434 : vector<16xi32>
        %mul3A_1437 = arith.constant 100 : i32
        %mul3A_1438 = vector.broadcast %mul3A_1437 : i32 to vector<16xi32>
        %mul3A_1439 = arith.muli %get3A_1431, %mul3A_1438 : vector<16xi32>
        %add3A_1440 = arith.addi %mul3A_1439, %get3A_1426 : vector<16xi32>
        %sub3A_1441 = arith.constant 1 : i32
        %sub3A_1442 = vector.broadcast %sub3A_1441 : i32 to vector<16xi32>
        %sub3A_1443 = arith.subi %add3A_1440, %sub3A_1442 : vector<16xi32>
        %sub3A_1444 = vector.broadcast %mul3A_157 : i32 to vector<16xi32>
        %sub3A_1445 = arith.subi %sub3A_1443, %sub3A_1444 : vector<16xi32>
        %ge3A_1446 = vector.broadcast %max3A : i32 to vector<16xi32>
        %ge3A_1447 = arith.cmpi sge, %add3A_1436, %ge3A_1446 : vector<16xi32>
        %lt3A_1448 = vector.broadcast %min3A_1337 : i32 to vector<16xi32>
        %lt3A_1449 = arith.cmpi slt, %add3A_1436, %lt3A_1448 : vector<16xi32>
        %and3A_1450 = arith.andi %ge3A_1447, %lt3A_1449 : vector<16xi1>
        %ge3A_1451 = arith.constant 0 : i32
        %ge3A_1452 = vector.broadcast %ge3A_1451 : i32 to vector<16xi32>
        %ge3A_1453 = arith.cmpi sge, %sub3A_1445, %ge3A_1452 : vector<16xi32>
        %and3A_1454 = arith.andi %and3A_1450, %ge3A_1453 : vector<16xi1>
        %lt3A_1455 = arith.constant 3200 : i32
        %lt3A_1456 = vector.broadcast %lt3A_1455 : i32 to vector<16xi32>
        %lt3A_1457 = arith.cmpi slt, %sub3A_1445, %lt3A_1456 : vector<16xi32>
        %and3A_1458 = arith.andi %and3A_1454, %lt3A_1457 : vector<16xi1>
        %broadcast_in_dim3A_1459 = vector.broadcast %add3A_155 : i32 to vector<16xi32>
        %select_n3A_1460 = arith.select %and3A_1458, %sub3A_1445, %broadcast_in_dim3A_1459 : vector<16xi1>, vector<16xi32>
        %swap3A_1461 = arith.constant 32 : index
        %swap3A_1462 = tpu.vector_load %arg11[%swap3A_1461] {strides = array<i32>} : memref<128xi32, #tpu.memory_space<vmem>>, vector<16xi32>,
        %swap3A_1463 = vector.shape_cast %swap3A_1462 : vector<16xi32> to vector<16xi32>
        %swap3A_1464 = vector.shape_cast %select_n3A_1460 : vector<16xi32> to vector<16xi32>
        tpu.vector_store %arg11[%swap3A_1461], %swap3A_1464 {strides = array<i32>} : memref<128xi32, #tpu.memory_space<vmem>>, vector<16xi32>,
        %add3A_1465 = arith.constant 48 : i32
        %add3A_1466 = arith.addi %sub3A_1334, %add3A_1465 : i32
        %get3A_1467 = arith.index_cast %add3A_1466 : i32 to index
        %get3A_1468 = tpu.vector_load %arg9[%get3A_1467] {strides = array<i32>} : memref<640xi32, #tpu.memory_space<vmem>>, vector<16xi32>,
        %get3A_1469 = vector.shape_cast %get3A_1468 : vector<16xi32> to vector<16xi32>
        %add3A_1470 = arith.constant 48 : i32
        %add3A_1471 = arith.addi %sub3A_1334, %add3A_1470 : i32
        %get3A_1472 = arith.index_cast %add3A_1471 : i32 to index
        %get3A_1473 = tpu.vector_load %arg10[%get3A_1472] {strides = array<i32>} : memref<640xi32, #tpu.memory_space<vmem>>, vector<16xi32>,
        %get3A_1474 = vector.shape_cast %get3A_1473 : vector<16xi32> to vector<16xi32>
        %add3A_1475 = arith.constant 48 : i32
        %add3A_1476 = arith.addi %min3A_1333, %add3A_1475 : i32
        %iota3A_1477 = tpu.iota {dimensions = array<i32: 0>} : vector<16xi32>
        %add3A_1478 = vector.broadcast %add3A_1476 : i32 to vector<16xi32>
        %add3A_1479 = arith.addi %add3A_1478, %iota3A_1477 : vector<16xi32>
        %mul3A_1480 = arith.constant 100 : i32
        %mul3A_1481 = vector.broadcast %mul3A_1480 : i32 to vector<16xi32>
        %mul3A_1482 = arith.muli %get3A_1474, %mul3A_1481 : vector<16xi32>
        %add3A_1483 = arith.addi %mul3A_1482, %get3A_1469 : vector<16xi32>
        %sub3A_1484 = arith.constant 1 : i32
        %sub3A_1485 = vector.broadcast %sub3A_1484 : i32 to vector<16xi32>
        %sub3A_1486 = arith.subi %add3A_1483, %sub3A_1485 : vector<16xi32>
        %sub3A_1487 = vector.broadcast %mul3A_157 : i32 to vector<16xi32>
        %sub3A_1488 = arith.subi %sub3A_1486, %sub3A_1487 : vector<16xi32>
        %ge3A_1489 = vector.broadcast %max3A : i32 to vector<16xi32>
        %ge3A_1490 = arith.cmpi sge, %add3A_1479, %ge3A_1489 : vector<16xi32>
        %lt3A_1491 = vector.broadcast %min3A_1337 : i32 to vector<16xi32>
        %lt3A_1492 = arith.cmpi slt, %add3A_1479, %lt3A_1491 : vector<16xi32>
        %and3A_1493 = arith.andi %ge3A_1490, %lt3A_1492 : vector<16xi1>
        %ge3A_1494 = arith.constant 0 : i32
        %ge3A_1495 = vector.broadcast %ge3A_1494 : i32 to vector<16xi32>
        %ge3A_1496 = arith.cmpi sge, %sub3A_1488, %ge3A_1495 : vector<16xi32>
        %and3A_1497 = arith.andi %and3A_1493, %ge3A_1496 : vector<16xi1>
        %lt3A_1498 = arith.constant 3200 : i32
        %lt3A_1499 = vector.broadcast %lt3A_1498 : i32 to vector<16xi32>
        %lt3A_1500 = arith.cmpi slt, %sub3A_1488, %lt3A_1499 : vector<16xi32>
        %and3A_1501 = arith.andi %and3A_1497, %lt3A_1500 : vector<16xi1>
        %broadcast_in_dim3A_1502 = vector.broadcast %add3A_155 : i32 to vector<16xi32>
        %select_n3A_1503 = arith.select %and3A_1501, %sub3A_1488, %broadcast_in_dim3A_1502 : vector<16xi1>, vector<16xi32>
        %swap3A_1504 = arith.constant 48 : index
        %swap3A_1505 = tpu.vector_load %arg11[%swap3A_1504] {strides = array<i32>} : memref<128xi32, #tpu.memory_space<vmem>>, vector<16xi32>,
        %swap3A_1506 = vector.shape_cast %swap3A_1505 : vector<16xi32> to vector<16xi32>
        %swap3A_1507 = vector.shape_cast %select_n3A_1503 : vector<16xi32> to vector<16xi32>
        tpu.vector_store %arg11[%swap3A_1504], %swap3A_1507 {strides = array<i32>} : memref<128xi32, #tpu.memory_space<vmem>>, vector<16xi32>,
        %add3A_1508 = arith.constant 64 : i32
        %add3A_1509 = arith.addi %sub3A_1334, %add3A_1508 : i32
        %get3A_1510 = arith.index_cast %add3A_1509 : i32 to index
        %get3A_1511 = tpu.vector_load %arg9[%get3A_1510] {strides = array<i32>} : memref<640xi32, #tpu.memory_space<vmem>>, vector<16xi32>,
        %get3A_1512 = vector.shape_cast %get3A_1511 : vector<16xi32> to vector<16xi32>
        %add3A_1513 = arith.constant 64 : i32
        %add3A_1514 = arith.addi %sub3A_1334, %add3A_1513 : i32
        %get3A_1515 = arith.index_cast %add3A_1514 : i32 to index
        %get3A_1516 = tpu.vector_load %arg10[%get3A_1515] {strides = array<i32>} : memref<640xi32, #tpu.memory_space<vmem>>, vector<16xi32>,
        %get3A_1517 = vector.shape_cast %get3A_1516 : vector<16xi32> to vector<16xi32>
        %add3A_1518 = arith.constant 64 : i32
        %add3A_1519 = arith.addi %min3A_1333, %add3A_1518 : i32
        %iota3A_1520 = tpu.iota {dimensions = array<i32: 0>} : vector<16xi32>
        %add3A_1521 = vector.broadcast %add3A_1519 : i32 to vector<16xi32>
        %add3A_1522 = arith.addi %add3A_1521, %iota3A_1520 : vector<16xi32>
        %mul3A_1523 = arith.constant 100 : i32
        %mul3A_1524 = vector.broadcast %mul3A_1523 : i32 to vector<16xi32>
        %mul3A_1525 = arith.muli %get3A_1517, %mul3A_1524 : vector<16xi32>
        %add3A_1526 = arith.addi %mul3A_1525, %get3A_1512 : vector<16xi32>
        %sub3A_1527 = arith.constant 1 : i32
        %sub3A_1528 = vector.broadcast %sub3A_1527 : i32 to vector<16xi32>
        %sub3A_1529 = arith.subi %add3A_1526, %sub3A_1528 : vector<16xi32>
        %sub3A_1530 = vector.broadcast %mul3A_157 : i32 to vector<16xi32>
        %sub3A_1531 = arith.subi %sub3A_1529, %sub3A_1530 : vector<16xi32>
        %ge3A_1532 = vector.broadcast %max3A : i32 to vector<16xi32>
        %ge3A_1533 = arith.cmpi sge, %add3A_1522, %ge3A_1532 : vector<16xi32>
        %lt3A_1534 = vector.broadcast %min3A_1337 : i32 to vector<16xi32>
        %lt3A_1535 = arith.cmpi slt, %add3A_1522, %lt3A_1534 : vector<16xi32>
        %and3A_1536 = arith.andi %ge3A_1533, %lt3A_1535 : vector<16xi1>
        %ge3A_1537 = arith.constant 0 : i32
        %ge3A_1538 = vector.broadcast %ge3A_1537 : i32 to vector<16xi32>
        %ge3A_1539 = arith.cmpi sge, %sub3A_1531, %ge3A_1538 : vector<16xi32>
        %and3A_1540 = arith.andi %and3A_1536, %ge3A_1539 : vector<16xi1>
        %lt3A_1541 = arith.constant 3200 : i32
        %lt3A_1542 = vector.broadcast %lt3A_1541 : i32 to vector<16xi32>
        %lt3A_1543 = arith.cmpi slt, %sub3A_1531, %lt3A_1542 : vector<16xi32>
        %and3A_1544 = arith.andi %and3A_1540, %lt3A_1543 : vector<16xi1>
        %broadcast_in_dim3A_1545 = vector.broadcast %add3A_155 : i32 to vector<16xi32>
        %select_n3A_1546 = arith.select %and3A_1544, %sub3A_1531, %broadcast_in_dim3A_1545 : vector<16xi1>, vector<16xi32>
        %swap3A_1547 = arith.constant 64 : index
        %swap3A_1548 = tpu.vector_load %arg11[%swap3A_1547] {strides = array<i32>} : memref<128xi32, #tpu.memory_space<vmem>>, vector<16xi32>,
        %swap3A_1549 = vector.shape_cast %swap3A_1548 : vector<16xi32> to vector<16xi32>
        %swap3A_1550 = vector.shape_cast %select_n3A_1546 : vector<16xi32> to vector<16xi32>
        tpu.vector_store %arg11[%swap3A_1547], %swap3A_1550 {strides = array<i32>} : memref<128xi32, #tpu.memory_space<vmem>>, vector<16xi32>,
        %add3A_1551 = arith.constant 80 : i32
        %add3A_1552 = arith.addi %sub3A_1334, %add3A_1551 : i32
        %get3A_1553 = arith.index_cast %add3A_1552 : i32 to index
        %get3A_1554 = tpu.vector_load %arg9[%get3A_1553] {strides = array<i32>} : memref<640xi32, #tpu.memory_space<vmem>>, vector<16xi32>,
        %get3A_1555 = vector.shape_cast %get3A_1554 : vector<16xi32> to vector<16xi32>
        %add3A_1556 = arith.constant 80 : i32
        %add3A_1557 = arith.addi %sub3A_1334, %add3A_1556 : i32
        %get3A_1558 = arith.index_cast %add3A_1557 : i32 to index
        %get3A_1559 = tpu.vector_load %arg10[%get3A_1558] {strides = array<i32>} : memref<640xi32, #tpu.memory_space<vmem>>, vector<16xi32>,
        %get3A_1560 = vector.shape_cast %get3A_1559 : vector<16xi32> to vector<16xi32>
        %add3A_1561 = arith.constant 80 : i32
        %add3A_1562 = arith.addi %min3A_1333, %add3A_1561 : i32
        %iota3A_1563 = tpu.iota {dimensions = array<i32: 0>} : vector<16xi32>
        %add3A_1564 = vector.broadcast %add3A_1562 : i32 to vector<16xi32>
        %add3A_1565 = arith.addi %add3A_1564, %iota3A_1563 : vector<16xi32>
        %mul3A_1566 = arith.constant 100 : i32
        %mul3A_1567 = vector.broadcast %mul3A_1566 : i32 to vector<16xi32>
        %mul3A_1568 = arith.muli %get3A_1560, %mul3A_1567 : vector<16xi32>
        %add3A_1569 = arith.addi %mul3A_1568, %get3A_1555 : vector<16xi32>
        %sub3A_1570 = arith.constant 1 : i32
        %sub3A_1571 = vector.broadcast %sub3A_1570 : i32 to vector<16xi32>
        %sub3A_1572 = arith.subi %add3A_1569, %sub3A_1571 : vector<16xi32>
        %sub3A_1573 = vector.broadcast %mul3A_157 : i32 to vector<16xi32>
        %sub3A_1574 = arith.subi %sub3A_1572, %sub3A_1573 : vector<16xi32>
        %ge3A_1575 = vector.broadcast %max3A : i32 to vector<16xi32>
        %ge3A_1576 = arith.cmpi sge, %add3A_1565, %ge3A_1575 : vector<16xi32>
        %lt3A_1577 = vector.broadcast %min3A_1337 : i32 to vector<16xi32>
        %lt3A_1578 = arith.cmpi slt, %add3A_1565, %lt3A_1577 : vector<16xi32>
        %and3A_1579 = arith.andi %ge3A_1576, %lt3A_1578 : vector<16xi1>
        %ge3A_1580 = arith.constant 0 : i32
        %ge3A_1581 = vector.broadcast %ge3A_1580 : i32 to vector<16xi32>
        %ge3A_1582 = arith.cmpi sge, %sub3A_1574, %ge3A_1581 : vector<16xi32>
        %and3A_1583 = arith.andi %and3A_1579, %ge3A_1582 : vector<16xi1>
        %lt3A_1584 = arith.constant 3200 : i32
        %lt3A_1585 = vector.broadcast %lt3A_1584 : i32 to vector<16xi32>
        %lt3A_1586 = arith.cmpi slt, %sub3A_1574, %lt3A_1585 : vector<16xi32>
        %and3A_1587 = arith.andi %and3A_1583, %lt3A_1586 : vector<16xi1>
        %broadcast_in_dim3A_1588 = vector.broadcast %add3A_155 : i32 to vector<16xi32>
        %select_n3A_1589 = arith.select %and3A_1587, %sub3A_1574, %broadcast_in_dim3A_1588 : vector<16xi1>, vector<16xi32>
        %swap3A_1590 = arith.constant 80 : index
        %swap3A_1591 = tpu.vector_load %arg11[%swap3A_1590] {strides = array<i32>} : memref<128xi32, #tpu.memory_space<vmem>>, vector<16xi32>,
        %swap3A_1592 = vector.shape_cast %swap3A_1591 : vector<16xi32> to vector<16xi32>
        %swap3A_1593 = vector.shape_cast %select_n3A_1589 : vector<16xi32> to vector<16xi32>
        tpu.vector_store %arg11[%swap3A_1590], %swap3A_1593 {strides = array<i32>} : memref<128xi32, #tpu.memory_space<vmem>>, vector<16xi32>,
        %add3A_1594 = arith.constant 96 : i32
        %add3A_1595 = arith.addi %sub3A_1334, %add3A_1594 : i32
        %get3A_1596 = arith.index_cast %add3A_1595 : i32 to index
        %get3A_1597 = tpu.vector_load %arg9[%get3A_1596] {strides = array<i32>} : memref<640xi32, #tpu.memory_space<vmem>>, vector<16xi32>,
        %get3A_1598 = vector.shape_cast %get3A_1597 : vector<16xi32> to vector<16xi32>
        %add3A_1599 = arith.constant 96 : i32
        %add3A_1600 = arith.addi %sub3A_1334, %add3A_1599 : i32
        %get3A_1601 = arith.index_cast %add3A_1600 : i32 to index
        %get3A_1602 = tpu.vector_load %arg10[%get3A_1601] {strides = array<i32>} : memref<640xi32, #tpu.memory_space<vmem>>, vector<16xi32>,
        %get3A_1603 = vector.shape_cast %get3A_1602 : vector<16xi32> to vector<16xi32>
        %add3A_1604 = arith.constant 96 : i32
        %add3A_1605 = arith.addi %min3A_1333, %add3A_1604 : i32
        %iota3A_1606 = tpu.iota {dimensions = array<i32: 0>} : vector<16xi32>
        %add3A_1607 = vector.broadcast %add3A_1605 : i32 to vector<16xi32>
        %add3A_1608 = arith.addi %add3A_1607, %iota3A_1606 : vector<16xi32>
        %mul3A_1609 = arith.constant 100 : i32
        %mul3A_1610 = vector.broadcast %mul3A_1609 : i32 to vector<16xi32>
        %mul3A_1611 = arith.muli %get3A_1603, %mul3A_1610 : vector<16xi32>
        %add3A_1612 = arith.addi %mul3A_1611, %get3A_1598 : vector<16xi32>
        %sub3A_1613 = arith.constant 1 : i32
        %sub3A_1614 = vector.broadcast %sub3A_1613 : i32 to vector<16xi32>
        %sub3A_1615 = arith.subi %add3A_1612, %sub3A_1614 : vector<16xi32>
        %sub3A_1616 = vector.broadcast %mul3A_157 : i32 to vector<16xi32>
        %sub3A_1617 = arith.subi %sub3A_1615, %sub3A_1616 : vector<16xi32>
        %ge3A_1618 = vector.broadcast %max3A : i32 to vector<16xi32>
        %ge3A_1619 = arith.cmpi sge, %add3A_1608, %ge3A_1618 : vector<16xi32>
        %lt3A_1620 = vector.broadcast %min3A_1337 : i32 to vector<16xi32>
        %lt3A_1621 = arith.cmpi slt, %add3A_1608, %lt3A_1620 : vector<16xi32>
        %and3A_1622 = arith.andi %ge3A_1619, %lt3A_1621 : vector<16xi1>
        %ge3A_1623 = arith.constant 0 : i32
        %ge3A_1624 = vector.broadcast %ge3A_1623 : i32 to vector<16xi32>
        %ge3A_1625 = arith.cmpi sge, %sub3A_1617, %ge3A_1624 : vector<16xi32>
        %and3A_1626 = arith.andi %and3A_1622, %ge3A_1625 : vector<16xi1>
        %lt3A_1627 = arith.constant 3200 : i32
        %lt3A_1628 = vector.broadcast %lt3A_1627 : i32 to vector<16xi32>
        %lt3A_1629 = arith.cmpi slt, %sub3A_1617, %lt3A_1628 : vector<16xi32>
        %and3A_1630 = arith.andi %and3A_1626, %lt3A_1629 : vector<16xi1>
        %broadcast_in_dim3A_1631 = vector.broadcast %add3A_155 : i32 to vector<16xi32>
        %select_n3A_1632 = arith.select %and3A_1630, %sub3A_1617, %broadcast_in_dim3A_1631 : vector<16xi1>, vector<16xi32>
        %swap3A_1633 = arith.constant 96 : index
        %swap3A_1634 = tpu.vector_load %arg11[%swap3A_1633] {strides = array<i32>} : memref<128xi32, #tpu.memory_space<vmem>>, vector<16xi32>,
        %swap3A_1635 = vector.shape_cast %swap3A_1634 : vector<16xi32> to vector<16xi32>
        %swap3A_1636 = vector.shape_cast %select_n3A_1632 : vector<16xi32> to vector<16xi32>
        tpu.vector_store %arg11[%swap3A_1633], %swap3A_1636 {strides = array<i32>} : memref<128xi32, #tpu.memory_space<vmem>>, vector<16xi32>,
        %add3A_1637 = arith.constant 112 : i32
        %add3A_1638 = arith.addi %sub3A_1334, %add3A_1637 : i32
        %get3A_1639 = arith.index_cast %add3A_1638 : i32 to index
        %get3A_1640 = tpu.vector_load %arg9[%get3A_1639] {strides = array<i32>} : memref<640xi32, #tpu.memory_space<vmem>>, vector<16xi32>,
        %get3A_1641 = vector.shape_cast %get3A_1640 : vector<16xi32> to vector<16xi32>
        %add3A_1642 = arith.constant 112 : i32
        %add3A_1643 = arith.addi %sub3A_1334, %add3A_1642 : i32
        %get3A_1644 = arith.index_cast %add3A_1643 : i32 to index
        %get3A_1645 = tpu.vector_load %arg10[%get3A_1644] {strides = array<i32>} : memref<640xi32, #tpu.memory_space<vmem>>, vector<16xi32>,
        %get3A_1646 = vector.shape_cast %get3A_1645 : vector<16xi32> to vector<16xi32>
        %add3A_1647 = arith.constant 112 : i32
        %add3A_1648 = arith.addi %min3A_1333, %add3A_1647 : i32
        %iota3A_1649 = tpu.iota {dimensions = array<i32: 0>} : vector<16xi32>
        %add3A_1650 = vector.broadcast %add3A_1648 : i32 to vector<16xi32>
        %add3A_1651 = arith.addi %add3A_1650, %iota3A_1649 : vector<16xi32>
        %mul3A_1652 = arith.constant 100 : i32
        %mul3A_1653 = vector.broadcast %mul3A_1652 : i32 to vector<16xi32>
        %mul3A_1654 = arith.muli %get3A_1646, %mul3A_1653 : vector<16xi32>
        %add3A_1655 = arith.addi %mul3A_1654, %get3A_1641 : vector<16xi32>
        %sub3A_1656 = arith.constant 1 : i32
        %sub3A_1657 = vector.broadcast %sub3A_1656 : i32 to vector<16xi32>
        %sub3A_1658 = arith.subi %add3A_1655, %sub3A_1657 : vector<16xi32>
        %sub3A_1659 = vector.broadcast %mul3A_157 : i32 to vector<16xi32>
        %sub3A_1660 = arith.subi %sub3A_1658, %sub3A_1659 : vector<16xi32>
        %ge3A_1661 = vector.broadcast %max3A : i32 to vector<16xi32>
        %ge3A_1662 = arith.cmpi sge, %add3A_1651, %ge3A_1661 : vector<16xi32>
        %lt3A_1663 = vector.broadcast %min3A_1337 : i32 to vector<16xi32>
        %lt3A_1664 = arith.cmpi slt, %add3A_1651, %lt3A_1663 : vector<16xi32>
        %and3A_1665 = arith.andi %ge3A_1662, %lt3A_1664 : vector<16xi1>
        %ge3A_1666 = arith.constant 0 : i32
        %ge3A_1667 = vector.broadcast %ge3A_1666 : i32 to vector<16xi32>
        %ge3A_1668 = arith.cmpi sge, %sub3A_1660, %ge3A_1667 : vector<16xi32>
        %and3A_1669 = arith.andi %and3A_1665, %ge3A_1668 : vector<16xi1>
        %lt3A_1670 = arith.constant 3200 : i32
        %lt3A_1671 = vector.broadcast %lt3A_1670 : i32 to vector<16xi32>
        %lt3A_1672 = arith.cmpi slt, %sub3A_1660, %lt3A_1671 : vector<16xi32>
        %and3A_1673 = arith.andi %and3A_1669, %lt3A_1672 : vector<16xi1>
        %broadcast_in_dim3A_1674 = vector.broadcast %add3A_155 : i32 to vector<16xi32>
        %select_n3A_1675 = arith.select %and3A_1673, %sub3A_1660, %broadcast_in_dim3A_1674 : vector<16xi1>, vector<16xi32>
        %swap3A_1676 = arith.constant 112 : index
        %swap3A_1677 = tpu.vector_load %arg11[%swap3A_1676] {strides = array<i32>} : memref<128xi32, #tpu.memory_space<vmem>>, vector<16xi32>,
        %swap3A_1678 = vector.shape_cast %swap3A_1677 : vector<16xi32> to vector<16xi32>
        %swap3A_1679 = vector.shape_cast %select_n3A_1675 : vector<16xi32> to vector<16xi32>
        tpu.vector_store %arg11[%swap3A_1676], %swap3A_1679 {strides = array<i32>} : memref<128xi32, #tpu.memory_space<vmem>>, vector<16xi32>,
        "tpu.region"() ({
          %run_scoped3A = tpu.sem_alloc : memref<!tpu.dma_semaphore, #tpu.memory_space<semaphore_mem>>
          %dma_start3A_1680 = arith.constant 0 : i32
          %dma_start3A_1681 = arith.constant 0 : i32
          %dma_start3A_1682 = tpu.memref_slice %arg14[%dma_start3A_1680, %dma_start3A_1681] : memref<3328x128xf32, #tpu.memory_space<vmem_shared>> -> memref<3328x128xf32, #tpu.memory_space<vmem_shared>>
          tpu.enqueue_indirect_dma source(%arg8 : memref<128x128xf32, #tpu.memory_space<vmem>>) target(%dma_start3A_1682 : memref<3328x128xf32, #tpu.memory_space<vmem_shared>>) offsets(%arg11 : memref<128xi32, #tpu.memory_space<vmem>>) semaphore(%run_scoped3A : memref<!tpu.dma_semaphore, #tpu.memory_space<semaphore_mem>>) {add = true}
          %dma_wait3A_1683 = arith.constant 0 : i32
          %dma_wait3A_1684 = arith.constant 0 : i32
          %dma_wait3A_1685 = tpu.memref_slice %arg14[%dma_wait3A_1683, %dma_wait3A_1684] : memref<3328x128xf32, #tpu.memory_space<vmem_shared>> -> memref<3328x128xf32, #tpu.memory_space<vmem_shared>>
          tpu.wait_indirect_dma semaphore(%run_scoped3A : memref<!tpu.dma_semaphore, #tpu.memory_space<semaphore_mem>>) src(%arg8 : memref<128x128xf32, #tpu.memory_space<vmem>>) dst(%dma_wait3A_1685 : memref<3328x128xf32, #tpu.memory_space<vmem_shared>>)
          tpu.yield
        }) : () -> ()
      } else {
      }
    }
    %while3A_1263 = arith.constant 1 : i32
    scf.for %while3A_1276 = %while3A_1261 to %while3A_1257 step %while3A_1263  : i32 {
      %mul3A_1277 = arith.constant 2 : i32
      %mul3A_1278 = arith.muli %mul3A_1277, %while3A_1276 : i32
      %dma_wait3A_1279 = arith.constant 0 : i32
      %dma_wait3A_1280 = arith.constant 0 : i32
      %dma_wait3A_1281 = tpu.memref_slice %arg2[%dma_wait3A_1279, %dma_wait3A_1280] : memref<10000x128xf32, #tpu.memory_space<hbm>> -> memref<128x128xf32, #tpu.memory_space<hbm>>
      %dma_wait3A_1282 = arith.constant 0 : i32
      %dma_wait3A_1283 = arith.constant 0 : i32
      %dma_wait3A_1284 = tpu.memref_slice %arg2[%dma_wait3A_1282, %dma_wait3A_1283] : memref<10000x128xf32, #tpu.memory_space<hbm>> -> memref<128x128xf32, #tpu.memory_space<hbm>>
      tpu.wait_dma2 semaphore(%arg15 : memref<!tpu.dma_semaphore, #tpu.memory_space<semaphore_mem>>) src(%dma_wait3A_1284 : memref<128x128xf32, #tpu.memory_space<hbm>>) dst(%arg7 : memref<128x128xf32, #tpu.memory_space<vmem>>)
      %add3A_1285 = arith.constant 1 : i32
      %add3A_1286 = arith.addi %mul3A_1278, %add3A_1285 : i32
      %add3A_1287 = arith.addi %select_n3A_125, %add3A_1286 : i32
      %mul3A_1288 = arith.constant 128 : i32
      %mul3A_1289 = arith.muli %add3A_1287, %mul3A_1288 : i32
      %add3A_1290 = arith.addi %select_n3A_68, %mul3A_1289 : i32
      %min3A_1291 = arith.constant 9872 : i32
      %min3A_1292 = arith.minsi %add3A_1290, %min3A_1291 : i32
      %dma_start3A_1293 = arith.constant 0 : i32
      %dma_start3A_1294 = tpu.memref_slice %arg2[%min3A_1292, %dma_start3A_1293] : memref<10000x128xf32, #tpu.memory_space<hbm>> -> memref<128x128xf32, #tpu.memory_space<hbm>>
      %dma_start3A_1295 = arith.constant 0 : i32
      %dma_start3A_1296 = tpu.memref_slice %arg2[%min3A_1292, %dma_start3A_1295] : memref<10000x128xf32, #tpu.memory_space<hbm>> -> memref<128x128xf32, #tpu.memory_space<hbm>>
      tpu.enqueue_dma source(%dma_start3A_1296 : memref<128x128xf32, #tpu.memory_space<hbm>>) target(%arg8 : memref<128x128xf32, #tpu.memory_space<vmem>>) target_semaphore(%arg16 : memref<!tpu.dma_semaphore, #tpu.memory_space<semaphore_mem>>)
      %lt3A = arith.cmpi slt, %mul3A_1278, %sub3A_153 : i32
      %convert_element_type3A = arith.extui %lt3A : i1 to i32
      %cond3A = arith.constant 0 : i32
      %cond3A_1297 = arith.cmpi ne, %convert_element_type3A, %cond3A : i32
      scf.if %cond3A_1297 {
        %add3A_1322 = arith.addi %select_n3A_125, %mul3A_1278 : i32
        %mul3A_1323 = arith.constant 128 : i32
        %mul3A_1324 = arith.muli %add3A_1322, %mul3A_1323 : i32
        %add3A_1325 = arith.addi %select_n3A_68, %mul3A_1324 : i32
        %add3A_1326 = arith.addi %select_n3A_125, %mul3A_1278 : i32
        %mul3A_1327 = arith.constant 128 : i32
        %mul3A_1328 = arith.muli %add3A_1326, %mul3A_1327 : i32
        %add3A_1329 = arith.addi %select_n3A_68, %mul3A_1328 : i32
        %min3A_1330 = arith.constant 9872 : i32
        %min3A_1331 = arith.minsi %add3A_1329, %min3A_1330 : i32
        %sub3A_1332 = arith.subi %min3A_1331, %min3A_161 : i32
        %max3A = arith.maxsi %add3A_1325, %select_n3A_70 : i32
        %add3A_1333 = arith.constant 128 : i32
        %add3A_1334 = arith.addi %add3A_1325, %add3A_1333 : i32
        %min3A_1335 = arith.minsi %add3A_1334, %select_n3A_72 : i32
        %add3A_1336 = arith.constant 0 : i32
        %add3A_1337 = arith.addi %sub3A_1332, %add3A_1336 : i32
        %get3A_1338 = arith.index_cast %add3A_1337 : i32 to index
        %get3A_1339 = tpu.vector_load %arg9[%get3A_1338] {strides = array<i32>} : memref<640xi32, #tpu.memory_space<vmem>>, vector<16xi32>,
        %get3A_1340 = vector.shape_cast %get3A_1339 : vector<16xi32> to vector<16xi32>
        %add3A_1341 = arith.constant 0 : i32
        %add3A_1342 = arith.addi %sub3A_1332, %add3A_1341 : i32
        %get3A_1343 = arith.index_cast %add3A_1342 : i32 to index
        %get3A_1344 = tpu.vector_load %arg10[%get3A_1343] {strides = array<i32>} : memref<640xi32, #tpu.memory_space<vmem>>, vector<16xi32>,
        %get3A_1345 = vector.shape_cast %get3A_1344 : vector<16xi32> to vector<16xi32>
        %add3A_1346 = arith.constant 0 : i32
        %add3A_1347 = arith.addi %min3A_1331, %add3A_1346 : i32
        %iota3A = tpu.iota {dimensions = array<i32: 0>} : vector<16xi32>
        %add3A_1348 = vector.broadcast %add3A_1347 : i32 to vector<16xi32>
        %add3A_1349 = arith.addi %add3A_1348, %iota3A : vector<16xi32>
        %mul3A_1350 = arith.constant 100 : i32
        %mul3A_1351 = vector.broadcast %mul3A_1350 : i32 to vector<16xi32>
        %mul3A_1352 = arith.muli %get3A_1345, %mul3A_1351 : vector<16xi32>
        %add3A_1353 = arith.addi %mul3A_1352, %get3A_1340 : vector<16xi32>
        %sub3A_1354 = arith.constant 1 : i32
        %sub3A_1355 = vector.broadcast %sub3A_1354 : i32 to vector<16xi32>
        %sub3A_1356 = arith.subi %add3A_1353, %sub3A_1355 : vector<16xi32>
        %sub3A_1357 = vector.broadcast %mul3A_157 : i32 to vector<16xi32>
        %sub3A_1358 = arith.subi %sub3A_1356, %sub3A_1357 : vector<16xi32>
        %ge3A = vector.broadcast %max3A : i32 to vector<16xi32>
        %ge3A_1359 = arith.cmpi sge, %add3A_1349, %ge3A : vector<16xi32>
        %lt3A_1360 = vector.broadcast %min3A_1335 : i32 to vector<16xi32>
        %lt3A_1361 = arith.cmpi slt, %add3A_1349, %lt3A_1360 : vector<16xi32>
        %and3A_1362 = arith.andi %ge3A_1359, %lt3A_1361 : vector<16xi1>
        %ge3A_1363 = arith.constant 0 : i32
        %ge3A_1364 = vector.broadcast %ge3A_1363 : i32 to vector<16xi32>
        %ge3A_1365 = arith.cmpi sge, %sub3A_1358, %ge3A_1364 : vector<16xi32>
        %and3A_1366 = arith.andi %and3A_1362, %ge3A_1365 : vector<16xi1>
        %lt3A_1367 = arith.constant 3200 : i32
        %lt3A_1368 = vector.broadcast %lt3A_1367 : i32 to vector<16xi32>
        %lt3A_1369 = arith.cmpi slt, %sub3A_1358, %lt3A_1368 : vector<16xi32>
        %and3A_1370 = arith.andi %and3A_1366, %lt3A_1369 : vector<16xi1>
        %broadcast_in_dim3A_1371 = vector.broadcast %add3A_155 : i32 to vector<16xi32>
        %select_n3A_1372 = arith.select %and3A_1370, %sub3A_1358, %broadcast_in_dim3A_1371 : vector<16xi1>, vector<16xi32>
        %swap3A_1373 = arith.constant 0 : index
        %swap3A_1374 = tpu.vector_load %arg11[%swap3A_1373] {strides = array<i32>} : memref<128xi32, #tpu.memory_space<vmem>>, vector<16xi32>,
        %swap3A_1375 = vector.shape_cast %swap3A_1374 : vector<16xi32> to vector<16xi32>
        %swap3A_1376 = vector.shape_cast %select_n3A_1372 : vector<16xi32> to vector<16xi32>
        tpu.vector_store %arg11[%swap3A_1373], %swap3A_1376 {strides = array<i32>} : memref<128xi32, #tpu.memory_space<vmem>>, vector<16xi32>,
        %add3A_1377 = arith.constant 16 : i32
        %add3A_1378 = arith.addi %sub3A_1332, %add3A_1377 : i32
        %get3A_1379 = arith.index_cast %add3A_1378 : i32 to index
        %get3A_1380 = tpu.vector_load %arg9[%get3A_1379] {strides = array<i32>} : memref<640xi32, #tpu.memory_space<vmem>>, vector<16xi32>,
        %get3A_1381 = vector.shape_cast %get3A_1380 : vector<16xi32> to vector<16xi32>
        %add3A_1382 = arith.constant 16 : i32
        %add3A_1383 = arith.addi %sub3A_1332, %add3A_1382 : i32
        %get3A_1384 = arith.index_cast %add3A_1383 : i32 to index
        %get3A_1385 = tpu.vector_load %arg10[%get3A_1384] {strides = array<i32>} : memref<640xi32, #tpu.memory_space<vmem>>, vector<16xi32>,
        %get3A_1386 = vector.shape_cast %get3A_1385 : vector<16xi32> to vector<16xi32>
        %add3A_1387 = arith.constant 16 : i32
        %add3A_1388 = arith.addi %min3A_1331, %add3A_1387 : i32
        %iota3A_1389 = tpu.iota {dimensions = array<i32: 0>} : vector<16xi32>
        %add3A_1390 = vector.broadcast %add3A_1388 : i32 to vector<16xi32>
        %add3A_1391 = arith.addi %add3A_1390, %iota3A_1389 : vector<16xi32>
        %mul3A_1392 = arith.constant 100 : i32
        %mul3A_1393 = vector.broadcast %mul3A_1392 : i32 to vector<16xi32>
        %mul3A_1394 = arith.muli %get3A_1386, %mul3A_1393 : vector<16xi32>
        %add3A_1395 = arith.addi %mul3A_1394, %get3A_1381 : vector<16xi32>
        %sub3A_1396 = arith.constant 1 : i32
        %sub3A_1397 = vector.broadcast %sub3A_1396 : i32 to vector<16xi32>
        %sub3A_1398 = arith.subi %add3A_1395, %sub3A_1397 : vector<16xi32>
        %sub3A_1399 = vector.broadcast %mul3A_157 : i32 to vector<16xi32>
        %sub3A_1400 = arith.subi %sub3A_1398, %sub3A_1399 : vector<16xi32>
        %ge3A_1401 = vector.broadcast %max3A : i32 to vector<16xi32>
        %ge3A_1402 = arith.cmpi sge, %add3A_1391, %ge3A_1401 : vector<16xi32>
        %lt3A_1403 = vector.broadcast %min3A_1335 : i32 to vector<16xi32>
        %lt3A_1404 = arith.cmpi slt, %add3A_1391, %lt3A_1403 : vector<16xi32>
        %and3A_1405 = arith.andi %ge3A_1402, %lt3A_1404 : vector<16xi1>
        %ge3A_1406 = arith.constant 0 : i32
        %ge3A_1407 = vector.broadcast %ge3A_1406 : i32 to vector<16xi32>
        %ge3A_1408 = arith.cmpi sge, %sub3A_1400, %ge3A_1407 : vector<16xi32>
        %and3A_1409 = arith.andi %and3A_1405, %ge3A_1408 : vector<16xi1>
        %lt3A_1410 = arith.constant 3200 : i32
        %lt3A_1411 = vector.broadcast %lt3A_1410 : i32 to vector<16xi32>
        %lt3A_1412 = arith.cmpi slt, %sub3A_1400, %lt3A_1411 : vector<16xi32>
        %and3A_1413 = arith.andi %and3A_1409, %lt3A_1412 : vector<16xi1>
        %broadcast_in_dim3A_1414 = vector.broadcast %add3A_155 : i32 to vector<16xi32>
        %select_n3A_1415 = arith.select %and3A_1413, %sub3A_1400, %broadcast_in_dim3A_1414 : vector<16xi1>, vector<16xi32>
        %swap3A_1416 = arith.constant 16 : index
        %swap3A_1417 = tpu.vector_load %arg11[%swap3A_1416] {strides = array<i32>} : memref<128xi32, #tpu.memory_space<vmem>>, vector<16xi32>,
        %swap3A_1418 = vector.shape_cast %swap3A_1417 : vector<16xi32> to vector<16xi32>
        %swap3A_1419 = vector.shape_cast %select_n3A_1415 : vector<16xi32> to vector<16xi32>
        tpu.vector_store %arg11[%swap3A_1416], %swap3A_1419 {strides = array<i32>} : memref<128xi32, #tpu.memory_space<vmem>>, vector<16xi32>,
        %add3A_1420 = arith.constant 32 : i32
        %add3A_1421 = arith.addi %sub3A_1332, %add3A_1420 : i32
        %get3A_1422 = arith.index_cast %add3A_1421 : i32 to index
        %get3A_1423 = tpu.vector_load %arg9[%get3A_1422] {strides = array<i32>} : memref<640xi32, #tpu.memory_space<vmem>>, vector<16xi32>,
        %get3A_1424 = vector.shape_cast %get3A_1423 : vector<16xi32> to vector<16xi32>
        %add3A_1425 = arith.constant 32 : i32
        %add3A_1426 = arith.addi %sub3A_1332, %add3A_1425 : i32
        %get3A_1427 = arith.index_cast %add3A_1426 : i32 to index
        %get3A_1428 = tpu.vector_load %arg10[%get3A_1427] {strides = array<i32>} : memref<640xi32, #tpu.memory_space<vmem>>, vector<16xi32>,
        %get3A_1429 = vector.shape_cast %get3A_1428 : vector<16xi32> to vector<16xi32>
        %add3A_1430 = arith.constant 32 : i32
        %add3A_1431 = arith.addi %min3A_1331, %add3A_1430 : i32
        %iota3A_1432 = tpu.iota {dimensions = array<i32: 0>} : vector<16xi32>
        %add3A_1433 = vector.broadcast %add3A_1431 : i32 to vector<16xi32>
        %add3A_1434 = arith.addi %add3A_1433, %iota3A_1432 : vector<16xi32>
        %mul3A_1435 = arith.constant 100 : i32
        %mul3A_1436 = vector.broadcast %mul3A_1435 : i32 to vector<16xi32>
        %mul3A_1437 = arith.muli %get3A_1429, %mul3A_1436 : vector<16xi32>
        %add3A_1438 = arith.addi %mul3A_1437, %get3A_1424 : vector<16xi32>
        %sub3A_1439 = arith.constant 1 : i32
        %sub3A_1440 = vector.broadcast %sub3A_1439 : i32 to vector<16xi32>
        %sub3A_1441 = arith.subi %add3A_1438, %sub3A_1440 : vector<16xi32>
        %sub3A_1442 = vector.broadcast %mul3A_157 : i32 to vector<16xi32>
        %sub3A_1443 = arith.subi %sub3A_1441, %sub3A_1442 : vector<16xi32>
        %ge3A_1444 = vector.broadcast %max3A : i32 to vector<16xi32>
        %ge3A_1445 = arith.cmpi sge, %add3A_1434, %ge3A_1444 : vector<16xi32>
        %lt3A_1446 = vector.broadcast %min3A_1335 : i32 to vector<16xi32>
        %lt3A_1447 = arith.cmpi slt, %add3A_1434, %lt3A_1446 : vector<16xi32>
        %and3A_1448 = arith.andi %ge3A_1445, %lt3A_1447 : vector<16xi1>
        %ge3A_1449 = arith.constant 0 : i32
        %ge3A_1450 = vector.broadcast %ge3A_1449 : i32 to vector<16xi32>
        %ge3A_1451 = arith.cmpi sge, %sub3A_1443, %ge3A_1450 : vector<16xi32>
        %and3A_1452 = arith.andi %and3A_1448, %ge3A_1451 : vector<16xi1>
        %lt3A_1453 = arith.constant 3200 : i32
        %lt3A_1454 = vector.broadcast %lt3A_1453 : i32 to vector<16xi32>
        %lt3A_1455 = arith.cmpi slt, %sub3A_1443, %lt3A_1454 : vector<16xi32>
        %and3A_1456 = arith.andi %and3A_1452, %lt3A_1455 : vector<16xi1>
        %broadcast_in_dim3A_1457 = vector.broadcast %add3A_155 : i32 to vector<16xi32>
        %select_n3A_1458 = arith.select %and3A_1456, %sub3A_1443, %broadcast_in_dim3A_1457 : vector<16xi1>, vector<16xi32>
        %swap3A_1459 = arith.constant 32 : index
        %swap3A_1460 = tpu.vector_load %arg11[%swap3A_1459] {strides = array<i32>} : memref<128xi32, #tpu.memory_space<vmem>>, vector<16xi32>,
        %swap3A_1461 = vector.shape_cast %swap3A_1460 : vector<16xi32> to vector<16xi32>
        %swap3A_1462 = vector.shape_cast %select_n3A_1458 : vector<16xi32> to vector<16xi32>
        tpu.vector_store %arg11[%swap3A_1459], %swap3A_1462 {strides = array<i32>} : memref<128xi32, #tpu.memory_space<vmem>>, vector<16xi32>,
        %add3A_1463 = arith.constant 48 : i32
        %add3A_1464 = arith.addi %sub3A_1332, %add3A_1463 : i32
        %get3A_1465 = arith.index_cast %add3A_1464 : i32 to index
        %get3A_1466 = tpu.vector_load %arg9[%get3A_1465] {strides = array<i32>} : memref<640xi32, #tpu.memory_space<vmem>>, vector<16xi32>,
        %get3A_1467 = vector.shape_cast %get3A_1466 : vector<16xi32> to vector<16xi32>
        %add3A_1468 = arith.constant 48 : i32
        %add3A_1469 = arith.addi %sub3A_1332, %add3A_1468 : i32
        %get3A_1470 = arith.index_cast %add3A_1469 : i32 to index
        %get3A_1471 = tpu.vector_load %arg10[%get3A_1470] {strides = array<i32>} : memref<640xi32, #tpu.memory_space<vmem>>, vector<16xi32>,
        %get3A_1472 = vector.shape_cast %get3A_1471 : vector<16xi32> to vector<16xi32>
        %add3A_1473 = arith.constant 48 : i32
        %add3A_1474 = arith.addi %min3A_1331, %add3A_1473 : i32
        %iota3A_1475 = tpu.iota {dimensions = array<i32: 0>} : vector<16xi32>
        %add3A_1476 = vector.broadcast %add3A_1474 : i32 to vector<16xi32>
        %add3A_1477 = arith.addi %add3A_1476, %iota3A_1475 : vector<16xi32>
        %mul3A_1478 = arith.constant 100 : i32
        %mul3A_1479 = vector.broadcast %mul3A_1478 : i32 to vector<16xi32>
        %mul3A_1480 = arith.muli %get3A_1472, %mul3A_1479 : vector<16xi32>
        %add3A_1481 = arith.addi %mul3A_1480, %get3A_1467 : vector<16xi32>
        %sub3A_1482 = arith.constant 1 : i32
        %sub3A_1483 = vector.broadcast %sub3A_1482 : i32 to vector<16xi32>
        %sub3A_1484 = arith.subi %add3A_1481, %sub3A_1483 : vector<16xi32>
        %sub3A_1485 = vector.broadcast %mul3A_157 : i32 to vector<16xi32>
        %sub3A_1486 = arith.subi %sub3A_1484, %sub3A_1485 : vector<16xi32>
        %ge3A_1487 = vector.broadcast %max3A : i32 to vector<16xi32>
        %ge3A_1488 = arith.cmpi sge, %add3A_1477, %ge3A_1487 : vector<16xi32>
        %lt3A_1489 = vector.broadcast %min3A_1335 : i32 to vector<16xi32>
        %lt3A_1490 = arith.cmpi slt, %add3A_1477, %lt3A_1489 : vector<16xi32>
        %and3A_1491 = arith.andi %ge3A_1488, %lt3A_1490 : vector<16xi1>
        %ge3A_1492 = arith.constant 0 : i32
        %ge3A_1493 = vector.broadcast %ge3A_1492 : i32 to vector<16xi32>
        %ge3A_1494 = arith.cmpi sge, %sub3A_1486, %ge3A_1493 : vector<16xi32>
        %and3A_1495 = arith.andi %and3A_1491, %ge3A_1494 : vector<16xi1>
        %lt3A_1496 = arith.constant 3200 : i32
        %lt3A_1497 = vector.broadcast %lt3A_1496 : i32 to vector<16xi32>
        %lt3A_1498 = arith.cmpi slt, %sub3A_1486, %lt3A_1497 : vector<16xi32>
        %and3A_1499 = arith.andi %and3A_1495, %lt3A_1498 : vector<16xi1>
        %broadcast_in_dim3A_1500 = vector.broadcast %add3A_155 : i32 to vector<16xi32>
        %select_n3A_1501 = arith.select %and3A_1499, %sub3A_1486, %broadcast_in_dim3A_1500 : vector<16xi1>, vector<16xi32>
        %swap3A_1502 = arith.constant 48 : index
        %swap3A_1503 = tpu.vector_load %arg11[%swap3A_1502] {strides = array<i32>} : memref<128xi32, #tpu.memory_space<vmem>>, vector<16xi32>,
        %swap3A_1504 = vector.shape_cast %swap3A_1503 : vector<16xi32> to vector<16xi32>
        %swap3A_1505 = vector.shape_cast %select_n3A_1501 : vector<16xi32> to vector<16xi32>
        tpu.vector_store %arg11[%swap3A_1502], %swap3A_1505 {strides = array<i32>} : memref<128xi32, #tpu.memory_space<vmem>>, vector<16xi32>,
        %add3A_1506 = arith.constant 64 : i32
        %add3A_1507 = arith.addi %sub3A_1332, %add3A_1506 : i32
        %get3A_1508 = arith.index_cast %add3A_1507 : i32 to index
        %get3A_1509 = tpu.vector_load %arg9[%get3A_1508] {strides = array<i32>} : memref<640xi32, #tpu.memory_space<vmem>>, vector<16xi32>,
        %get3A_1510 = vector.shape_cast %get3A_1509 : vector<16xi32> to vector<16xi32>
        %add3A_1511 = arith.constant 64 : i32
        %add3A_1512 = arith.addi %sub3A_1332, %add3A_1511 : i32
        %get3A_1513 = arith.index_cast %add3A_1512 : i32 to index
        %get3A_1514 = tpu.vector_load %arg10[%get3A_1513] {strides = array<i32>} : memref<640xi32, #tpu.memory_space<vmem>>, vector<16xi32>,
        %get3A_1515 = vector.shape_cast %get3A_1514 : vector<16xi32> to vector<16xi32>
        %add3A_1516 = arith.constant 64 : i32
        %add3A_1517 = arith.addi %min3A_1331, %add3A_1516 : i32
        %iota3A_1518 = tpu.iota {dimensions = array<i32: 0>} : vector<16xi32>
        %add3A_1519 = vector.broadcast %add3A_1517 : i32 to vector<16xi32>
        %add3A_1520 = arith.addi %add3A_1519, %iota3A_1518 : vector<16xi32>
        %mul3A_1521 = arith.constant 100 : i32
        %mul3A_1522 = vector.broadcast %mul3A_1521 : i32 to vector<16xi32>
        %mul3A_1523 = arith.muli %get3A_1515, %mul3A_1522 : vector<16xi32>
        %add3A_1524 = arith.addi %mul3A_1523, %get3A_1510 : vector<16xi32>
        %sub3A_1525 = arith.constant 1 : i32
        %sub3A_1526 = vector.broadcast %sub3A_1525 : i32 to vector<16xi32>
        %sub3A_1527 = arith.subi %add3A_1524, %sub3A_1526 : vector<16xi32>
        %sub3A_1528 = vector.broadcast %mul3A_157 : i32 to vector<16xi32>
        %sub3A_1529 = arith.subi %sub3A_1527, %sub3A_1528 : vector<16xi32>
        %ge3A_1530 = vector.broadcast %max3A : i32 to vector<16xi32>
        %ge3A_1531 = arith.cmpi sge, %add3A_1520, %ge3A_1530 : vector<16xi32>
        %lt3A_1532 = vector.broadcast %min3A_1335 : i32 to vector<16xi32>
        %lt3A_1533 = arith.cmpi slt, %add3A_1520, %lt3A_1532 : vector<16xi32>
        %and3A_1534 = arith.andi %ge3A_1531, %lt3A_1533 : vector<16xi1>
        %ge3A_1535 = arith.constant 0 : i32
        %ge3A_1536 = vector.broadcast %ge3A_1535 : i32 to vector<16xi32>
        %ge3A_1537 = arith.cmpi sge, %sub3A_1529, %ge3A_1536 : vector<16xi32>
        %and3A_1538 = arith.andi %and3A_1534, %ge3A_1537 : vector<16xi1>
        %lt3A_1539 = arith.constant 3200 : i32
        %lt3A_1540 = vector.broadcast %lt3A_1539 : i32 to vector<16xi32>
        %lt3A_1541 = arith.cmpi slt, %sub3A_1529, %lt3A_1540 : vector<16xi32>
        %and3A_1542 = arith.andi %and3A_1538, %lt3A_1541 : vector<16xi1>
        %broadcast_in_dim3A_1543 = vector.broadcast %add3A_155 : i32 to vector<16xi32>
        %select_n3A_1544 = arith.select %and3A_1542, %sub3A_1529, %broadcast_in_dim3A_1543 : vector<16xi1>, vector<16xi32>
        %swap3A_1545 = arith.constant 64 : index
        %swap3A_1546 = tpu.vector_load %arg11[%swap3A_1545] {strides = array<i32>} : memref<128xi32, #tpu.memory_space<vmem>>, vector<16xi32>,
        %swap3A_1547 = vector.shape_cast %swap3A_1546 : vector<16xi32> to vector<16xi32>
        %swap3A_1548 = vector.shape_cast %select_n3A_1544 : vector<16xi32> to vector<16xi32>
        tpu.vector_store %arg11[%swap3A_1545], %swap3A_1548 {strides = array<i32>} : memref<128xi32, #tpu.memory_space<vmem>>, vector<16xi32>,
        %add3A_1549 = arith.constant 80 : i32
        %add3A_1550 = arith.addi %sub3A_1332, %add3A_1549 : i32
        %get3A_1551 = arith.index_cast %add3A_1550 : i32 to index
        %get3A_1552 = tpu.vector_load %arg9[%get3A_1551] {strides = array<i32>} : memref<640xi32, #tpu.memory_space<vmem>>, vector<16xi32>,
        %get3A_1553 = vector.shape_cast %get3A_1552 : vector<16xi32> to vector<16xi32>
        %add3A_1554 = arith.constant 80 : i32
        %add3A_1555 = arith.addi %sub3A_1332, %add3A_1554 : i32
        %get3A_1556 = arith.index_cast %add3A_1555 : i32 to index
        %get3A_1557 = tpu.vector_load %arg10[%get3A_1556] {strides = array<i32>} : memref<640xi32, #tpu.memory_space<vmem>>, vector<16xi32>,
        %get3A_1558 = vector.shape_cast %get3A_1557 : vector<16xi32> to vector<16xi32>
        %add3A_1559 = arith.constant 80 : i32
        %add3A_1560 = arith.addi %min3A_1331, %add3A_1559 : i32
        %iota3A_1561 = tpu.iota {dimensions = array<i32: 0>} : vector<16xi32>
        %add3A_1562 = vector.broadcast %add3A_1560 : i32 to vector<16xi32>
        %add3A_1563 = arith.addi %add3A_1562, %iota3A_1561 : vector<16xi32>
        %mul3A_1564 = arith.constant 100 : i32
        %mul3A_1565 = vector.broadcast %mul3A_1564 : i32 to vector<16xi32>
        %mul3A_1566 = arith.muli %get3A_1558, %mul3A_1565 : vector<16xi32>
        %add3A_1567 = arith.addi %mul3A_1566, %get3A_1553 : vector<16xi32>
        %sub3A_1568 = arith.constant 1 : i32
        %sub3A_1569 = vector.broadcast %sub3A_1568 : i32 to vector<16xi32>
        %sub3A_1570 = arith.subi %add3A_1567, %sub3A_1569 : vector<16xi32>
        %sub3A_1571 = vector.broadcast %mul3A_157 : i32 to vector<16xi32>
        %sub3A_1572 = arith.subi %sub3A_1570, %sub3A_1571 : vector<16xi32>
        %ge3A_1573 = vector.broadcast %max3A : i32 to vector<16xi32>
        %ge3A_1574 = arith.cmpi sge, %add3A_1563, %ge3A_1573 : vector<16xi32>
        %lt3A_1575 = vector.broadcast %min3A_1335 : i32 to vector<16xi32>
        %lt3A_1576 = arith.cmpi slt, %add3A_1563, %lt3A_1575 : vector<16xi32>
        %and3A_1577 = arith.andi %ge3A_1574, %lt3A_1576 : vector<16xi1>
        %ge3A_1578 = arith.constant 0 : i32
        %ge3A_1579 = vector.broadcast %ge3A_1578 : i32 to vector<16xi32>
        %ge3A_1580 = arith.cmpi sge, %sub3A_1572, %ge3A_1579 : vector<16xi32>
        %and3A_1581 = arith.andi %and3A_1577, %ge3A_1580 : vector<16xi1>
        %lt3A_1582 = arith.constant 3200 : i32
        %lt3A_1583 = vector.broadcast %lt3A_1582 : i32 to vector<16xi32>
        %lt3A_1584 = arith.cmpi slt, %sub3A_1572, %lt3A_1583 : vector<16xi32>
        %and3A_1585 = arith.andi %and3A_1581, %lt3A_1584 : vector<16xi1>
        %broadcast_in_dim3A_1586 = vector.broadcast %add3A_155 : i32 to vector<16xi32>
        %select_n3A_1587 = arith.select %and3A_1585, %sub3A_1572, %broadcast_in_dim3A_1586 : vector<16xi1>, vector<16xi32>
        %swap3A_1588 = arith.constant 80 : index
        %swap3A_1589 = tpu.vector_load %arg11[%swap3A_1588] {strides = array<i32>} : memref<128xi32, #tpu.memory_space<vmem>>, vector<16xi32>,
        %swap3A_1590 = vector.shape_cast %swap3A_1589 : vector<16xi32> to vector<16xi32>
        %swap3A_1591 = vector.shape_cast %select_n3A_1587 : vector<16xi32> to vector<16xi32>
        tpu.vector_store %arg11[%swap3A_1588], %swap3A_1591 {strides = array<i32>} : memref<128xi32, #tpu.memory_space<vmem>>, vector<16xi32>,
        %add3A_1592 = arith.constant 96 : i32
        %add3A_1593 = arith.addi %sub3A_1332, %add3A_1592 : i32
        %get3A_1594 = arith.index_cast %add3A_1593 : i32 to index
        %get3A_1595 = tpu.vector_load %arg9[%get3A_1594] {strides = array<i32>} : memref<640xi32, #tpu.memory_space<vmem>>, vector<16xi32>,
        %get3A_1596 = vector.shape_cast %get3A_1595 : vector<16xi32> to vector<16xi32>
        %add3A_1597 = arith.constant 96 : i32
        %add3A_1598 = arith.addi %sub3A_1332, %add3A_1597 : i32
        %get3A_1599 = arith.index_cast %add3A_1598 : i32 to index
        %get3A_1600 = tpu.vector_load %arg10[%get3A_1599] {strides = array<i32>} : memref<640xi32, #tpu.memory_space<vmem>>, vector<16xi32>,
        %get3A_1601 = vector.shape_cast %get3A_1600 : vector<16xi32> to vector<16xi32>
        %add3A_1602 = arith.constant 96 : i32
        %add3A_1603 = arith.addi %min3A_1331, %add3A_1602 : i32
        %iota3A_1604 = tpu.iota {dimensions = array<i32: 0>} : vector<16xi32>
        %add3A_1605 = vector.broadcast %add3A_1603 : i32 to vector<16xi32>
        %add3A_1606 = arith.addi %add3A_1605, %iota3A_1604 : vector<16xi32>
        %mul3A_1607 = arith.constant 100 : i32
        %mul3A_1608 = vector.broadcast %mul3A_1607 : i32 to vector<16xi32>
        %mul3A_1609 = arith.muli %get3A_1601, %mul3A_1608 : vector<16xi32>
        %add3A_1610 = arith.addi %mul3A_1609, %get3A_1596 : vector<16xi32>
        %sub3A_1611 = arith.constant 1 : i32
        %sub3A_1612 = vector.broadcast %sub3A_1611 : i32 to vector<16xi32>
        %sub3A_1613 = arith.subi %add3A_1610, %sub3A_1612 : vector<16xi32>
        %sub3A_1614 = vector.broadcast %mul3A_157 : i32 to vector<16xi32>
        %sub3A_1615 = arith.subi %sub3A_1613, %sub3A_1614 : vector<16xi32>
        %ge3A_1616 = vector.broadcast %max3A : i32 to vector<16xi32>
        %ge3A_1617 = arith.cmpi sge, %add3A_1606, %ge3A_1616 : vector<16xi32>
        %lt3A_1618 = vector.broadcast %min3A_1335 : i32 to vector<16xi32>
        %lt3A_1619 = arith.cmpi slt, %add3A_1606, %lt3A_1618 : vector<16xi32>
        %and3A_1620 = arith.andi %ge3A_1617, %lt3A_1619 : vector<16xi1>
        %ge3A_1621 = arith.constant 0 : i32
        %ge3A_1622 = vector.broadcast %ge3A_1621 : i32 to vector<16xi32>
        %ge3A_1623 = arith.cmpi sge, %sub3A_1615, %ge3A_1622 : vector<16xi32>
        %and3A_1624 = arith.andi %and3A_1620, %ge3A_1623 : vector<16xi1>
        %lt3A_1625 = arith.constant 3200 : i32
        %lt3A_1626 = vector.broadcast %lt3A_1625 : i32 to vector<16xi32>
        %lt3A_1627 = arith.cmpi slt, %sub3A_1615, %lt3A_1626 : vector<16xi32>
        %and3A_1628 = arith.andi %and3A_1624, %lt3A_1627 : vector<16xi1>
        %broadcast_in_dim3A_1629 = vector.broadcast %add3A_155 : i32 to vector<16xi32>
        %select_n3A_1630 = arith.select %and3A_1628, %sub3A_1615, %broadcast_in_dim3A_1629 : vector<16xi1>, vector<16xi32>
        %swap3A_1631 = arith.constant 96 : index
        %swap3A_1632 = tpu.vector_load %arg11[%swap3A_1631] {strides = array<i32>} : memref<128xi32, #tpu.memory_space<vmem>>, vector<16xi32>,
        %swap3A_1633 = vector.shape_cast %swap3A_1632 : vector<16xi32> to vector<16xi32>
        %swap3A_1634 = vector.shape_cast %select_n3A_1630 : vector<16xi32> to vector<16xi32>
        tpu.vector_store %arg11[%swap3A_1631], %swap3A_1634 {strides = array<i32>} : memref<128xi32, #tpu.memory_space<vmem>>, vector<16xi32>,
        %add3A_1635 = arith.constant 112 : i32
        %add3A_1636 = arith.addi %sub3A_1332, %add3A_1635 : i32
        %get3A_1637 = arith.index_cast %add3A_1636 : i32 to index
        %get3A_1638 = tpu.vector_load %arg9[%get3A_1637] {strides = array<i32>} : memref<640xi32, #tpu.memory_space<vmem>>, vector<16xi32>,
        %get3A_1639 = vector.shape_cast %get3A_1638 : vector<16xi32> to vector<16xi32>
        %add3A_1640 = arith.constant 112 : i32
        %add3A_1641 = arith.addi %sub3A_1332, %add3A_1640 : i32
        %get3A_1642 = arith.index_cast %add3A_1641 : i32 to index
        %get3A_1643 = tpu.vector_load %arg10[%get3A_1642] {strides = array<i32>} : memref<640xi32, #tpu.memory_space<vmem>>, vector<16xi32>,
        %get3A_1644 = vector.shape_cast %get3A_1643 : vector<16xi32> to vector<16xi32>
        %add3A_1645 = arith.constant 112 : i32
        %add3A_1646 = arith.addi %min3A_1331, %add3A_1645 : i32
        %iota3A_1647 = tpu.iota {dimensions = array<i32: 0>} : vector<16xi32>
        %add3A_1648 = vector.broadcast %add3A_1646 : i32 to vector<16xi32>
        %add3A_1649 = arith.addi %add3A_1648, %iota3A_1647 : vector<16xi32>
        %mul3A_1650 = arith.constant 100 : i32
        %mul3A_1651 = vector.broadcast %mul3A_1650 : i32 to vector<16xi32>
        %mul3A_1652 = arith.muli %get3A_1644, %mul3A_1651 : vector<16xi32>
        %add3A_1653 = arith.addi %mul3A_1652, %get3A_1639 : vector<16xi32>
        %sub3A_1654 = arith.constant 1 : i32
        %sub3A_1655 = vector.broadcast %sub3A_1654 : i32 to vector<16xi32>
        %sub3A_1656 = arith.subi %add3A_1653, %sub3A_1655 : vector<16xi32>
        %sub3A_1657 = vector.broadcast %mul3A_157 : i32 to vector<16xi32>
        %sub3A_1658 = arith.subi %sub3A_1656, %sub3A_1657 : vector<16xi32>
        %ge3A_1659 = vector.broadcast %max3A : i32 to vector<16xi32>
        %ge3A_1660 = arith.cmpi sge, %add3A_1649, %ge3A_1659 : vector<16xi32>
        %lt3A_1661 = vector.broadcast %min3A_1335 : i32 to vector<16xi32>
        %lt3A_1662 = arith.cmpi slt, %add3A_1649, %lt3A_1661 : vector<16xi32>
        %and3A_1663 = arith.andi %ge3A_1660, %lt3A_1662 : vector<16xi1>
        %ge3A_1664 = arith.constant 0 : i32
        %ge3A_1665 = vector.broadcast %ge3A_1664 : i32 to vector<16xi32>
        %ge3A_1666 = arith.cmpi sge, %sub3A_1658, %ge3A_1665 : vector<16xi32>
        %and3A_1667 = arith.andi %and3A_1663, %ge3A_1666 : vector<16xi1>
        %lt3A_1668 = arith.constant 3200 : i32
        %lt3A_1669 = vector.broadcast %lt3A_1668 : i32 to vector<16xi32>
        %lt3A_1670 = arith.cmpi slt, %sub3A_1658, %lt3A_1669 : vector<16xi32>
        %and3A_1671 = arith.andi %and3A_1667, %lt3A_1670 : vector<16xi1>
        %broadcast_in_dim3A_1672 = vector.broadcast %add3A_155 : i32 to vector<16xi32>
        %select_n3A_1673 = arith.select %and3A_1671, %sub3A_1658, %broadcast_in_dim3A_1672 : vector<16xi1>, vector<16xi32>
        %swap3A_1674 = arith.constant 112 : index
        %swap3A_1675 = tpu.vector_load %arg11[%swap3A_1674] {strides = array<i32>} : memref<128xi32, #tpu.memory_space<vmem>>, vector<16xi32>,
        %swap3A_1676 = vector.shape_cast %swap3A_1675 : vector<16xi32> to vector<16xi32>
        %swap3A_1677 = vector.shape_cast %select_n3A_1673 : vector<16xi32> to vector<16xi32>
        tpu.vector_store %arg11[%swap3A_1674], %swap3A_1677 {strides = array<i32>} : memref<128xi32, #tpu.memory_space<vmem>>, vector<16xi32>,
        "tpu.region"() ({
          %run_scoped3A = tpu.sem_alloc : memref<!tpu.dma_semaphore, #tpu.memory_space<semaphore_mem>>
          %dma_start3A_1678 = arith.constant 0 : i32
          %dma_start3A_1679 = arith.constant 0 : i32
          %dma_start3A_1680 = tpu.memref_slice %arg14[%dma_start3A_1678, %dma_start3A_1679] : memref<3328x128xf32, #tpu.memory_space<vmem_shared>> -> memref<3328x128xf32, #tpu.memory_space<vmem_shared>>
          tpu.enqueue_indirect_dma source(%arg7 : memref<128x128xf32, #tpu.memory_space<vmem>>) target(%dma_start3A_1680 : memref<3328x128xf32, #tpu.memory_space<vmem_shared>>) offsets(%arg11 : memref<128xi32, #tpu.memory_space<vmem>>) semaphore(%run_scoped3A : memref<!tpu.dma_semaphore, #tpu.memory_space<semaphore_mem>>) {add = true}
          %dma_wait3A_1681 = arith.constant 0 : i32
          %dma_wait3A_1682 = arith.constant 0 : i32
          %dma_wait3A_1683 = tpu.memref_slice %arg14[%dma_wait3A_1681, %dma_wait3A_1682] : memref<3328x128xf32, #tpu.memory_space<vmem_shared>> -> memref<3328x128xf32, #tpu.memory_space<vmem_shared>>
          tpu.wait_indirect_dma semaphore(%run_scoped3A : memref<!tpu.dma_semaphore, #tpu.memory_space<semaphore_mem>>) src(%arg7 : memref<128x128xf32, #tpu.memory_space<vmem>>) dst(%dma_wait3A_1683 : memref<3328x128xf32, #tpu.memory_space<vmem_shared>>)
          tpu.yield
        }) : () -> ()
      } else {
      }
      %dma_wait3A_1298 = arith.constant 0 : i32
      %dma_wait3A_1299 = arith.constant 0 : i32
      %dma_wait3A_1300 = tpu.memref_slice %arg2[%dma_wait3A_1298, %dma_wait3A_1299] : memref<10000x128xf32, #tpu.memory_space<hbm>> -> memref<128x128xf32, #tpu.memory_space<hbm>>
      %dma_wait3A_1301 = arith.constant 0 : i32
      %dma_wait3A_1302 = arith.constant 0 : i32
      %dma_wait3A_1303 = tpu.memref_slice %arg2[%dma_wait3A_1301, %dma_wait3A_1302] : memref<10000x128xf32, #tpu.memory_space<hbm>> -> memref<128x128xf32, #tpu.memory_space<hbm>>
      tpu.wait_dma2 semaphore(%arg16 : memref<!tpu.dma_semaphore, #tpu.memory_space<semaphore_mem>>) src(%dma_wait3A_1303 : memref<128x128xf32, #tpu.memory_space<hbm>>) dst(%arg8 : memref<128x128xf32, #tpu.memory_space<vmem>>)
      %add3A_1304 = arith.constant 2 : i32
      %add3A_1305 = arith.addi %mul3A_1278, %add3A_1304 : i32
      %add3A_1306 = arith.addi %select_n3A_125, %add3A_1305 : i32
      %mul3A_1307 = arith.constant 128 : i32
      %mul3A_1308 = arith.muli %add3A_1306, %mul3A_1307 : i32
      %add3A_1309 = arith.addi %select_n3A_68, %mul3A_1308 : i32
      %min3A_1310 = arith.constant 9872 : i32
      %min3A_1311 = arith.minsi %add3A_1309, %min3A_1310 : i32
      %dma_start3A_1312 = arith.constant 0 : i32
      %dma_start3A_1313 = tpu.memref_slice %arg2[%min3A_1311, %dma_start3A_1312] : memref<10000x128xf32, #tpu.memory_space<hbm>> -> memref<128x128xf32, #tpu.memory_space<hbm>>
      %dma_start3A_1314 = arith.constant 0 : i32
      %dma_start3A_1315 = tpu.memref_slice %arg2[%min3A_1311, %dma_start3A_1314] : memref<10000x128xf32, #tpu.memory_space<hbm>> -> memref<128x128xf32, #tpu.memory_space<hbm>>
      tpu.enqueue_dma source(%dma_start3A_1315 : memref<128x128xf32, #tpu.memory_space<hbm>>) target(%arg7 : memref<128x128xf32, #tpu.memory_space<vmem>>) target_semaphore(%arg15 : memref<!tpu.dma_semaphore, #tpu.memory_space<semaphore_mem>>)
      %add3A_1316 = arith.constant 1 : i32
      %add3A_1317 = arith.addi %mul3A_1278, %add3A_1316 : i32
      %lt3A_1318 = arith.cmpi slt, %add3A_1317, %sub3A_153 : i32
      %convert_element_type3A_1319 = arith.extui %lt3A_1318 : i1 to i32
      %cond3A_1320 = arith.constant 0 : i32
      %cond3A_1321 = arith.cmpi ne, %convert_element_type3A_1319, %cond3A_1320 : i32
      scf.if %cond3A_1321 {
        %add3A_1322 = arith.constant 1 : i32
        %add3A_1323 = arith.addi %mul3A_1278, %add3A_1322 : i32
        %add3A_1324 = arith.addi %select_n3A_125, %add3A_1323 : i32
        %mul3A_1325 = arith.constant 128 : i32
        %mul3A_1326 = arith.muli %add3A_1324, %mul3A_1325 : i32
        %add3A_1327 = arith.addi %select_n3A_68, %mul3A_1326 : i32
        %add3A_1328 = arith.addi %select_n3A_125, %add3A_1323 : i32
        %mul3A_1329 = arith.constant 128 : i32
        %mul3A_1330 = arith.muli %add3A_1328, %mul3A_1329 : i32
        %add3A_1331 = arith.addi %select_n3A_68, %mul3A_1330 : i32
        %min3A_1332 = arith.constant 9872 : i32
        %min3A_1333 = arith.minsi %add3A_1331, %min3A_1332 : i32
        %sub3A_1334 = arith.subi %min3A_1333, %min3A_161 : i32
        %max3A = arith.maxsi %add3A_1327, %select_n3A_70 : i32
        %add3A_1335 = arith.constant 128 : i32
        %add3A_1336 = arith.addi %add3A_1327, %add3A_1335 : i32
        %min3A_1337 = arith.minsi %add3A_1336, %select_n3A_72 : i32
        %add3A_1338 = arith.constant 0 : i32
        %add3A_1339 = arith.addi %sub3A_1334, %add3A_1338 : i32
        %get3A_1340 = arith.index_cast %add3A_1339 : i32 to index
        %get3A_1341 = tpu.vector_load %arg9[%get3A_1340] {strides = array<i32>} : memref<640xi32, #tpu.memory_space<vmem>>, vector<16xi32>,
        %get3A_1342 = vector.shape_cast %get3A_1341 : vector<16xi32> to vector<16xi32>
        %add3A_1343 = arith.constant 0 : i32
        %add3A_1344 = arith.addi %sub3A_1334, %add3A_1343 : i32
        %get3A_1345 = arith.index_cast %add3A_1344 : i32 to index
        %get3A_1346 = tpu.vector_load %arg10[%get3A_1345] {strides = array<i32>} : memref<640xi32, #tpu.memory_space<vmem>>, vector<16xi32>,
        %get3A_1347 = vector.shape_cast %get3A_1346 : vector<16xi32> to vector<16xi32>
        %add3A_1348 = arith.constant 0 : i32
        %add3A_1349 = arith.addi %min3A_1333, %add3A_1348 : i32
        %iota3A = tpu.iota {dimensions = array<i32: 0>} : vector<16xi32>
        %add3A_1350 = vector.broadcast %add3A_1349 : i32 to vector<16xi32>
        %add3A_1351 = arith.addi %add3A_1350, %iota3A : vector<16xi32>
        %mul3A_1352 = arith.constant 100 : i32
        %mul3A_1353 = vector.broadcast %mul3A_1352 : i32 to vector<16xi32>
        %mul3A_1354 = arith.muli %get3A_1347, %mul3A_1353 : vector<16xi32>
        %add3A_1355 = arith.addi %mul3A_1354, %get3A_1342 : vector<16xi32>
        %sub3A_1356 = arith.constant 1 : i32
        %sub3A_1357 = vector.broadcast %sub3A_1356 : i32 to vector<16xi32>
        %sub3A_1358 = arith.subi %add3A_1355, %sub3A_1357 : vector<16xi32>
        %sub3A_1359 = vector.broadcast %mul3A_157 : i32 to vector<16xi32>
        %sub3A_1360 = arith.subi %sub3A_1358, %sub3A_1359 : vector<16xi32>
        %ge3A = vector.broadcast %max3A : i32 to vector<16xi32>
        %ge3A_1361 = arith.cmpi sge, %add3A_1351, %ge3A : vector<16xi32>
        %lt3A_1362 = vector.broadcast %min3A_1337 : i32 to vector<16xi32>
        %lt3A_1363 = arith.cmpi slt, %add3A_1351, %lt3A_1362 : vector<16xi32>
        %and3A_1364 = arith.andi %ge3A_1361, %lt3A_1363 : vector<16xi1>
        %ge3A_1365 = arith.constant 0 : i32
        %ge3A_1366 = vector.broadcast %ge3A_1365 : i32 to vector<16xi32>
        %ge3A_1367 = arith.cmpi sge, %sub3A_1360, %ge3A_1366 : vector<16xi32>
        %and3A_1368 = arith.andi %and3A_1364, %ge3A_1367 : vector<16xi1>
        %lt3A_1369 = arith.constant 3200 : i32
        %lt3A_1370 = vector.broadcast %lt3A_1369 : i32 to vector<16xi32>
        %lt3A_1371 = arith.cmpi slt, %sub3A_1360, %lt3A_1370 : vector<16xi32>
        %and3A_1372 = arith.andi %and3A_1368, %lt3A_1371 : vector<16xi1>
        %broadcast_in_dim3A_1373 = vector.broadcast %add3A_155 : i32 to vector<16xi32>
        %select_n3A_1374 = arith.select %and3A_1372, %sub3A_1360, %broadcast_in_dim3A_1373 : vector<16xi1>, vector<16xi32>
        %swap3A_1375 = arith.constant 0 : index
        %swap3A_1376 = tpu.vector_load %arg11[%swap3A_1375] {strides = array<i32>} : memref<128xi32, #tpu.memory_space<vmem>>, vector<16xi32>,
        %swap3A_1377 = vector.shape_cast %swap3A_1376 : vector<16xi32> to vector<16xi32>
        %swap3A_1378 = vector.shape_cast %select_n3A_1374 : vector<16xi32> to vector<16xi32>
        tpu.vector_store %arg11[%swap3A_1375], %swap3A_1378 {strides = array<i32>} : memref<128xi32, #tpu.memory_space<vmem>>, vector<16xi32>,
        %add3A_1379 = arith.constant 16 : i32
        %add3A_1380 = arith.addi %sub3A_1334, %add3A_1379 : i32
        %get3A_1381 = arith.index_cast %add3A_1380 : i32 to index
        %get3A_1382 = tpu.vector_load %arg9[%get3A_1381] {strides = array<i32>} : memref<640xi32, #tpu.memory_space<vmem>>, vector<16xi32>,
        %get3A_1383 = vector.shape_cast %get3A_1382 : vector<16xi32> to vector<16xi32>
        %add3A_1384 = arith.constant 16 : i32
        %add3A_1385 = arith.addi %sub3A_1334, %add3A_1384 : i32
        %get3A_1386 = arith.index_cast %add3A_1385 : i32 to index
        %get3A_1387 = tpu.vector_load %arg10[%get3A_1386] {strides = array<i32>} : memref<640xi32, #tpu.memory_space<vmem>>, vector<16xi32>,
        %get3A_1388 = vector.shape_cast %get3A_1387 : vector<16xi32> to vector<16xi32>
        %add3A_1389 = arith.constant 16 : i32
        %add3A_1390 = arith.addi %min3A_1333, %add3A_1389 : i32
        %iota3A_1391 = tpu.iota {dimensions = array<i32: 0>} : vector<16xi32>
        %add3A_1392 = vector.broadcast %add3A_1390 : i32 to vector<16xi32>
        %add3A_1393 = arith.addi %add3A_1392, %iota3A_1391 : vector<16xi32>
        %mul3A_1394 = arith.constant 100 : i32
        %mul3A_1395 = vector.broadcast %mul3A_1394 : i32 to vector<16xi32>
        %mul3A_1396 = arith.muli %get3A_1388, %mul3A_1395 : vector<16xi32>
        %add3A_1397 = arith.addi %mul3A_1396, %get3A_1383 : vector<16xi32>
        %sub3A_1398 = arith.constant 1 : i32
        %sub3A_1399 = vector.broadcast %sub3A_1398 : i32 to vector<16xi32>
        %sub3A_1400 = arith.subi %add3A_1397, %sub3A_1399 : vector<16xi32>
        %sub3A_1401 = vector.broadcast %mul3A_157 : i32 to vector<16xi32>
        %sub3A_1402 = arith.subi %sub3A_1400, %sub3A_1401 : vector<16xi32>
        %ge3A_1403 = vector.broadcast %max3A : i32 to vector<16xi32>
        %ge3A_1404 = arith.cmpi sge, %add3A_1393, %ge3A_1403 : vector<16xi32>
        %lt3A_1405 = vector.broadcast %min3A_1337 : i32 to vector<16xi32>
        %lt3A_1406 = arith.cmpi slt, %add3A_1393, %lt3A_1405 : vector<16xi32>
        %and3A_1407 = arith.andi %ge3A_1404, %lt3A_1406 : vector<16xi1>
        %ge3A_1408 = arith.constant 0 : i32
        %ge3A_1409 = vector.broadcast %ge3A_1408 : i32 to vector<16xi32>
        %ge3A_1410 = arith.cmpi sge, %sub3A_1402, %ge3A_1409 : vector<16xi32>
        %and3A_1411 = arith.andi %and3A_1407, %ge3A_1410 : vector<16xi1>
        %lt3A_1412 = arith.constant 3200 : i32
        %lt3A_1413 = vector.broadcast %lt3A_1412 : i32 to vector<16xi32>
        %lt3A_1414 = arith.cmpi slt, %sub3A_1402, %lt3A_1413 : vector<16xi32>
        %and3A_1415 = arith.andi %and3A_1411, %lt3A_1414 : vector<16xi1>
        %broadcast_in_dim3A_1416 = vector.broadcast %add3A_155 : i32 to vector<16xi32>
        %select_n3A_1417 = arith.select %and3A_1415, %sub3A_1402, %broadcast_in_dim3A_1416 : vector<16xi1>, vector<16xi32>
        %swap3A_1418 = arith.constant 16 : index
        %swap3A_1419 = tpu.vector_load %arg11[%swap3A_1418] {strides = array<i32>} : memref<128xi32, #tpu.memory_space<vmem>>, vector<16xi32>,
        %swap3A_1420 = vector.shape_cast %swap3A_1419 : vector<16xi32> to vector<16xi32>
        %swap3A_1421 = vector.shape_cast %select_n3A_1417 : vector<16xi32> to vector<16xi32>
        tpu.vector_store %arg11[%swap3A_1418], %swap3A_1421 {strides = array<i32>} : memref<128xi32, #tpu.memory_space<vmem>>, vector<16xi32>,
        %add3A_1422 = arith.constant 32 : i32
        %add3A_1423 = arith.addi %sub3A_1334, %add3A_1422 : i32
        %get3A_1424 = arith.index_cast %add3A_1423 : i32 to index
        %get3A_1425 = tpu.vector_load %arg9[%get3A_1424] {strides = array<i32>} : memref<640xi32, #tpu.memory_space<vmem>>, vector<16xi32>,
        %get3A_1426 = vector.shape_cast %get3A_1425 : vector<16xi32> to vector<16xi32>
        %add3A_1427 = arith.constant 32 : i32
        %add3A_1428 = arith.addi %sub3A_1334, %add3A_1427 : i32
        %get3A_1429 = arith.index_cast %add3A_1428 : i32 to index
        %get3A_1430 = tpu.vector_load %arg10[%get3A_1429] {strides = array<i32>} : memref<640xi32, #tpu.memory_space<vmem>>, vector<16xi32>,
        %get3A_1431 = vector.shape_cast %get3A_1430 : vector<16xi32> to vector<16xi32>
        %add3A_1432 = arith.constant 32 : i32
        %add3A_1433 = arith.addi %min3A_1333, %add3A_1432 : i32
        %iota3A_1434 = tpu.iota {dimensions = array<i32: 0>} : vector<16xi32>
        %add3A_1435 = vector.broadcast %add3A_1433 : i32 to vector<16xi32>
        %add3A_1436 = arith.addi %add3A_1435, %iota3A_1434 : vector<16xi32>
        %mul3A_1437 = arith.constant 100 : i32
        %mul3A_1438 = vector.broadcast %mul3A_1437 : i32 to vector<16xi32>
        %mul3A_1439 = arith.muli %get3A_1431, %mul3A_1438 : vector<16xi32>
        %add3A_1440 = arith.addi %mul3A_1439, %get3A_1426 : vector<16xi32>
        %sub3A_1441 = arith.constant 1 : i32
        %sub3A_1442 = vector.broadcast %sub3A_1441 : i32 to vector<16xi32>
        %sub3A_1443 = arith.subi %add3A_1440, %sub3A_1442 : vector<16xi32>
        %sub3A_1444 = vector.broadcast %mul3A_157 : i32 to vector<16xi32>
        %sub3A_1445 = arith.subi %sub3A_1443, %sub3A_1444 : vector<16xi32>
        %ge3A_1446 = vector.broadcast %max3A : i32 to vector<16xi32>
        %ge3A_1447 = arith.cmpi sge, %add3A_1436, %ge3A_1446 : vector<16xi32>
        %lt3A_1448 = vector.broadcast %min3A_1337 : i32 to vector<16xi32>
        %lt3A_1449 = arith.cmpi slt, %add3A_1436, %lt3A_1448 : vector<16xi32>
        %and3A_1450 = arith.andi %ge3A_1447, %lt3A_1449 : vector<16xi1>
        %ge3A_1451 = arith.constant 0 : i32
        %ge3A_1452 = vector.broadcast %ge3A_1451 : i32 to vector<16xi32>
        %ge3A_1453 = arith.cmpi sge, %sub3A_1445, %ge3A_1452 : vector<16xi32>
        %and3A_1454 = arith.andi %and3A_1450, %ge3A_1453 : vector<16xi1>
        %lt3A_1455 = arith.constant 3200 : i32
        %lt3A_1456 = vector.broadcast %lt3A_1455 : i32 to vector<16xi32>
        %lt3A_1457 = arith.cmpi slt, %sub3A_1445, %lt3A_1456 : vector<16xi32>
        %and3A_1458 = arith.andi %and3A_1454, %lt3A_1457 : vector<16xi1>
        %broadcast_in_dim3A_1459 = vector.broadcast %add3A_155 : i32 to vector<16xi32>
        %select_n3A_1460 = arith.select %and3A_1458, %sub3A_1445, %broadcast_in_dim3A_1459 : vector<16xi1>, vector<16xi32>
        %swap3A_1461 = arith.constant 32 : index
        %swap3A_1462 = tpu.vector_load %arg11[%swap3A_1461] {strides = array<i32>} : memref<128xi32, #tpu.memory_space<vmem>>, vector<16xi32>,
        %swap3A_1463 = vector.shape_cast %swap3A_1462 : vector<16xi32> to vector<16xi32>
        %swap3A_1464 = vector.shape_cast %select_n3A_1460 : vector<16xi32> to vector<16xi32>
        tpu.vector_store %arg11[%swap3A_1461], %swap3A_1464 {strides = array<i32>} : memref<128xi32, #tpu.memory_space<vmem>>, vector<16xi32>,
        %add3A_1465 = arith.constant 48 : i32
        %add3A_1466 = arith.addi %sub3A_1334, %add3A_1465 : i32
        %get3A_1467 = arith.index_cast %add3A_1466 : i32 to index
        %get3A_1468 = tpu.vector_load %arg9[%get3A_1467] {strides = array<i32>} : memref<640xi32, #tpu.memory_space<vmem>>, vector<16xi32>,
        %get3A_1469 = vector.shape_cast %get3A_1468 : vector<16xi32> to vector<16xi32>
        %add3A_1470 = arith.constant 48 : i32
        %add3A_1471 = arith.addi %sub3A_1334, %add3A_1470 : i32
        %get3A_1472 = arith.index_cast %add3A_1471 : i32 to index
        %get3A_1473 = tpu.vector_load %arg10[%get3A_1472] {strides = array<i32>} : memref<640xi32, #tpu.memory_space<vmem>>, vector<16xi32>,
        %get3A_1474 = vector.shape_cast %get3A_1473 : vector<16xi32> to vector<16xi32>
        %add3A_1475 = arith.constant 48 : i32
        %add3A_1476 = arith.addi %min3A_1333, %add3A_1475 : i32
        %iota3A_1477 = tpu.iota {dimensions = array<i32: 0>} : vector<16xi32>
        %add3A_1478 = vector.broadcast %add3A_1476 : i32 to vector<16xi32>
        %add3A_1479 = arith.addi %add3A_1478, %iota3A_1477 : vector<16xi32>
        %mul3A_1480 = arith.constant 100 : i32
        %mul3A_1481 = vector.broadcast %mul3A_1480 : i32 to vector<16xi32>
        %mul3A_1482 = arith.muli %get3A_1474, %mul3A_1481 : vector<16xi32>
        %add3A_1483 = arith.addi %mul3A_1482, %get3A_1469 : vector<16xi32>
        %sub3A_1484 = arith.constant 1 : i32
        %sub3A_1485 = vector.broadcast %sub3A_1484 : i32 to vector<16xi32>
        %sub3A_1486 = arith.subi %add3A_1483, %sub3A_1485 : vector<16xi32>
        %sub3A_1487 = vector.broadcast %mul3A_157 : i32 to vector<16xi32>
        %sub3A_1488 = arith.subi %sub3A_1486, %sub3A_1487 : vector<16xi32>
        %ge3A_1489 = vector.broadcast %max3A : i32 to vector<16xi32>
        %ge3A_1490 = arith.cmpi sge, %add3A_1479, %ge3A_1489 : vector<16xi32>
        %lt3A_1491 = vector.broadcast %min3A_1337 : i32 to vector<16xi32>
        %lt3A_1492 = arith.cmpi slt, %add3A_1479, %lt3A_1491 : vector<16xi32>
        %and3A_1493 = arith.andi %ge3A_1490, %lt3A_1492 : vector<16xi1>
        %ge3A_1494 = arith.constant 0 : i32
        %ge3A_1495 = vector.broadcast %ge3A_1494 : i32 to vector<16xi32>
        %ge3A_1496 = arith.cmpi sge, %sub3A_1488, %ge3A_1495 : vector<16xi32>
        %and3A_1497 = arith.andi %and3A_1493, %ge3A_1496 : vector<16xi1>
        %lt3A_1498 = arith.constant 3200 : i32
        %lt3A_1499 = vector.broadcast %lt3A_1498 : i32 to vector<16xi32>
        %lt3A_1500 = arith.cmpi slt, %sub3A_1488, %lt3A_1499 : vector<16xi32>
        %and3A_1501 = arith.andi %and3A_1497, %lt3A_1500 : vector<16xi1>
        %broadcast_in_dim3A_1502 = vector.broadcast %add3A_155 : i32 to vector<16xi32>
        %select_n3A_1503 = arith.select %and3A_1501, %sub3A_1488, %broadcast_in_dim3A_1502 : vector<16xi1>, vector<16xi32>
        %swap3A_1504 = arith.constant 48 : index
        %swap3A_1505 = tpu.vector_load %arg11[%swap3A_1504] {strides = array<i32>} : memref<128xi32, #tpu.memory_space<vmem>>, vector<16xi32>,
        %swap3A_1506 = vector.shape_cast %swap3A_1505 : vector<16xi32> to vector<16xi32>
        %swap3A_1507 = vector.shape_cast %select_n3A_1503 : vector<16xi32> to vector<16xi32>
        tpu.vector_store %arg11[%swap3A_1504], %swap3A_1507 {strides = array<i32>} : memref<128xi32, #tpu.memory_space<vmem>>, vector<16xi32>,
        %add3A_1508 = arith.constant 64 : i32
        %add3A_1509 = arith.addi %sub3A_1334, %add3A_1508 : i32
        %get3A_1510 = arith.index_cast %add3A_1509 : i32 to index
        %get3A_1511 = tpu.vector_load %arg9[%get3A_1510] {strides = array<i32>} : memref<640xi32, #tpu.memory_space<vmem>>, vector<16xi32>,
        %get3A_1512 = vector.shape_cast %get3A_1511 : vector<16xi32> to vector<16xi32>
        %add3A_1513 = arith.constant 64 : i32
        %add3A_1514 = arith.addi %sub3A_1334, %add3A_1513 : i32
        %get3A_1515 = arith.index_cast %add3A_1514 : i32 to index
        %get3A_1516 = tpu.vector_load %arg10[%get3A_1515] {strides = array<i32>} : memref<640xi32, #tpu.memory_space<vmem>>, vector<16xi32>,
        %get3A_1517 = vector.shape_cast %get3A_1516 : vector<16xi32> to vector<16xi32>
        %add3A_1518 = arith.constant 64 : i32
        %add3A_1519 = arith.addi %min3A_1333, %add3A_1518 : i32
        %iota3A_1520 = tpu.iota {dimensions = array<i32: 0>} : vector<16xi32>
        %add3A_1521 = vector.broadcast %add3A_1519 : i32 to vector<16xi32>
        %add3A_1522 = arith.addi %add3A_1521, %iota3A_1520 : vector<16xi32>
        %mul3A_1523 = arith.constant 100 : i32
        %mul3A_1524 = vector.broadcast %mul3A_1523 : i32 to vector<16xi32>
        %mul3A_1525 = arith.muli %get3A_1517, %mul3A_1524 : vector<16xi32>
        %add3A_1526 = arith.addi %mul3A_1525, %get3A_1512 : vector<16xi32>
        %sub3A_1527 = arith.constant 1 : i32
        %sub3A_1528 = vector.broadcast %sub3A_1527 : i32 to vector<16xi32>
        %sub3A_1529 = arith.subi %add3A_1526, %sub3A_1528 : vector<16xi32>
        %sub3A_1530 = vector.broadcast %mul3A_157 : i32 to vector<16xi32>
        %sub3A_1531 = arith.subi %sub3A_1529, %sub3A_1530 : vector<16xi32>
        %ge3A_1532 = vector.broadcast %max3A : i32 to vector<16xi32>
        %ge3A_1533 = arith.cmpi sge, %add3A_1522, %ge3A_1532 : vector<16xi32>
        %lt3A_1534 = vector.broadcast %min3A_1337 : i32 to vector<16xi32>
        %lt3A_1535 = arith.cmpi slt, %add3A_1522, %lt3A_1534 : vector<16xi32>
        %and3A_1536 = arith.andi %ge3A_1533, %lt3A_1535 : vector<16xi1>
        %ge3A_1537 = arith.constant 0 : i32
        %ge3A_1538 = vector.broadcast %ge3A_1537 : i32 to vector<16xi32>
        %ge3A_1539 = arith.cmpi sge, %sub3A_1531, %ge3A_1538 : vector<16xi32>
        %and3A_1540 = arith.andi %and3A_1536, %ge3A_1539 : vector<16xi1>
        %lt3A_1541 = arith.constant 3200 : i32
        %lt3A_1542 = vector.broadcast %lt3A_1541 : i32 to vector<16xi32>
        %lt3A_1543 = arith.cmpi slt, %sub3A_1531, %lt3A_1542 : vector<16xi32>
        %and3A_1544 = arith.andi %and3A_1540, %lt3A_1543 : vector<16xi1>
        %broadcast_in_dim3A_1545 = vector.broadcast %add3A_155 : i32 to vector<16xi32>
        %select_n3A_1546 = arith.select %and3A_1544, %sub3A_1531, %broadcast_in_dim3A_1545 : vector<16xi1>, vector<16xi32>
        %swap3A_1547 = arith.constant 64 : index
        %swap3A_1548 = tpu.vector_load %arg11[%swap3A_1547] {strides = array<i32>} : memref<128xi32, #tpu.memory_space<vmem>>, vector<16xi32>,
        %swap3A_1549 = vector.shape_cast %swap3A_1548 : vector<16xi32> to vector<16xi32>
        %swap3A_1550 = vector.shape_cast %select_n3A_1546 : vector<16xi32> to vector<16xi32>
        tpu.vector_store %arg11[%swap3A_1547], %swap3A_1550 {strides = array<i32>} : memref<128xi32, #tpu.memory_space<vmem>>, vector<16xi32>,
        %add3A_1551 = arith.constant 80 : i32
        %add3A_1552 = arith.addi %sub3A_1334, %add3A_1551 : i32
        %get3A_1553 = arith.index_cast %add3A_1552 : i32 to index
        %get3A_1554 = tpu.vector_load %arg9[%get3A_1553] {strides = array<i32>} : memref<640xi32, #tpu.memory_space<vmem>>, vector<16xi32>,
        %get3A_1555 = vector.shape_cast %get3A_1554 : vector<16xi32> to vector<16xi32>
        %add3A_1556 = arith.constant 80 : i32
        %add3A_1557 = arith.addi %sub3A_1334, %add3A_1556 : i32
        %get3A_1558 = arith.index_cast %add3A_1557 : i32 to index
        %get3A_1559 = tpu.vector_load %arg10[%get3A_1558] {strides = array<i32>} : memref<640xi32, #tpu.memory_space<vmem>>, vector<16xi32>,
        %get3A_1560 = vector.shape_cast %get3A_1559 : vector<16xi32> to vector<16xi32>
        %add3A_1561 = arith.constant 80 : i32
        %add3A_1562 = arith.addi %min3A_1333, %add3A_1561 : i32
        %iota3A_1563 = tpu.iota {dimensions = array<i32: 0>} : vector<16xi32>
        %add3A_1564 = vector.broadcast %add3A_1562 : i32 to vector<16xi32>
        %add3A_1565 = arith.addi %add3A_1564, %iota3A_1563 : vector<16xi32>
        %mul3A_1566 = arith.constant 100 : i32
        %mul3A_1567 = vector.broadcast %mul3A_1566 : i32 to vector<16xi32>
        %mul3A_1568 = arith.muli %get3A_1560, %mul3A_1567 : vector<16xi32>
        %add3A_1569 = arith.addi %mul3A_1568, %get3A_1555 : vector<16xi32>
        %sub3A_1570 = arith.constant 1 : i32
        %sub3A_1571 = vector.broadcast %sub3A_1570 : i32 to vector<16xi32>
        %sub3A_1572 = arith.subi %add3A_1569, %sub3A_1571 : vector<16xi32>
        %sub3A_1573 = vector.broadcast %mul3A_157 : i32 to vector<16xi32>
        %sub3A_1574 = arith.subi %sub3A_1572, %sub3A_1573 : vector<16xi32>
        %ge3A_1575 = vector.broadcast %max3A : i32 to vector<16xi32>
        %ge3A_1576 = arith.cmpi sge, %add3A_1565, %ge3A_1575 : vector<16xi32>
        %lt3A_1577 = vector.broadcast %min3A_1337 : i32 to vector<16xi32>
        %lt3A_1578 = arith.cmpi slt, %add3A_1565, %lt3A_1577 : vector<16xi32>
        %and3A_1579 = arith.andi %ge3A_1576, %lt3A_1578 : vector<16xi1>
        %ge3A_1580 = arith.constant 0 : i32
        %ge3A_1581 = vector.broadcast %ge3A_1580 : i32 to vector<16xi32>
        %ge3A_1582 = arith.cmpi sge, %sub3A_1574, %ge3A_1581 : vector<16xi32>
        %and3A_1583 = arith.andi %and3A_1579, %ge3A_1582 : vector<16xi1>
        %lt3A_1584 = arith.constant 3200 : i32
        %lt3A_1585 = vector.broadcast %lt3A_1584 : i32 to vector<16xi32>
        %lt3A_1586 = arith.cmpi slt, %sub3A_1574, %lt3A_1585 : vector<16xi32>
        %and3A_1587 = arith.andi %and3A_1583, %lt3A_1586 : vector<16xi1>
        %broadcast_in_dim3A_1588 = vector.broadcast %add3A_155 : i32 to vector<16xi32>
        %select_n3A_1589 = arith.select %and3A_1587, %sub3A_1574, %broadcast_in_dim3A_1588 : vector<16xi1>, vector<16xi32>
        %swap3A_1590 = arith.constant 80 : index
        %swap3A_1591 = tpu.vector_load %arg11[%swap3A_1590] {strides = array<i32>} : memref<128xi32, #tpu.memory_space<vmem>>, vector<16xi32>,
        %swap3A_1592 = vector.shape_cast %swap3A_1591 : vector<16xi32> to vector<16xi32>
        %swap3A_1593 = vector.shape_cast %select_n3A_1589 : vector<16xi32> to vector<16xi32>
        tpu.vector_store %arg11[%swap3A_1590], %swap3A_1593 {strides = array<i32>} : memref<128xi32, #tpu.memory_space<vmem>>, vector<16xi32>,
        %add3A_1594 = arith.constant 96 : i32
        %add3A_1595 = arith.addi %sub3A_1334, %add3A_1594 : i32
        %get3A_1596 = arith.index_cast %add3A_1595 : i32 to index
        %get3A_1597 = tpu.vector_load %arg9[%get3A_1596] {strides = array<i32>} : memref<640xi32, #tpu.memory_space<vmem>>, vector<16xi32>,
        %get3A_1598 = vector.shape_cast %get3A_1597 : vector<16xi32> to vector<16xi32>
        %add3A_1599 = arith.constant 96 : i32
        %add3A_1600 = arith.addi %sub3A_1334, %add3A_1599 : i32
        %get3A_1601 = arith.index_cast %add3A_1600 : i32 to index
        %get3A_1602 = tpu.vector_load %arg10[%get3A_1601] {strides = array<i32>} : memref<640xi32, #tpu.memory_space<vmem>>, vector<16xi32>,
        %get3A_1603 = vector.shape_cast %get3A_1602 : vector<16xi32> to vector<16xi32>
        %add3A_1604 = arith.constant 96 : i32
        %add3A_1605 = arith.addi %min3A_1333, %add3A_1604 : i32
        %iota3A_1606 = tpu.iota {dimensions = array<i32: 0>} : vector<16xi32>
        %add3A_1607 = vector.broadcast %add3A_1605 : i32 to vector<16xi32>
        %add3A_1608 = arith.addi %add3A_1607, %iota3A_1606 : vector<16xi32>
        %mul3A_1609 = arith.constant 100 : i32
        %mul3A_1610 = vector.broadcast %mul3A_1609 : i32 to vector<16xi32>
        %mul3A_1611 = arith.muli %get3A_1603, %mul3A_1610 : vector<16xi32>
        %add3A_1612 = arith.addi %mul3A_1611, %get3A_1598 : vector<16xi32>
        %sub3A_1613 = arith.constant 1 : i32
        %sub3A_1614 = vector.broadcast %sub3A_1613 : i32 to vector<16xi32>
        %sub3A_1615 = arith.subi %add3A_1612, %sub3A_1614 : vector<16xi32>
        %sub3A_1616 = vector.broadcast %mul3A_157 : i32 to vector<16xi32>
        %sub3A_1617 = arith.subi %sub3A_1615, %sub3A_1616 : vector<16xi32>
        %ge3A_1618 = vector.broadcast %max3A : i32 to vector<16xi32>
        %ge3A_1619 = arith.cmpi sge, %add3A_1608, %ge3A_1618 : vector<16xi32>
        %lt3A_1620 = vector.broadcast %min3A_1337 : i32 to vector<16xi32>
        %lt3A_1621 = arith.cmpi slt, %add3A_1608, %lt3A_1620 : vector<16xi32>
        %and3A_1622 = arith.andi %ge3A_1619, %lt3A_1621 : vector<16xi1>
        %ge3A_1623 = arith.constant 0 : i32
        %ge3A_1624 = vector.broadcast %ge3A_1623 : i32 to vector<16xi32>
        %ge3A_1625 = arith.cmpi sge, %sub3A_1617, %ge3A_1624 : vector<16xi32>
        %and3A_1626 = arith.andi %and3A_1622, %ge3A_1625 : vector<16xi1>
        %lt3A_1627 = arith.constant 3200 : i32
        %lt3A_1628 = vector.broadcast %lt3A_1627 : i32 to vector<16xi32>
        %lt3A_1629 = arith.cmpi slt, %sub3A_1617, %lt3A_1628 : vector<16xi32>
        %and3A_1630 = arith.andi %and3A_1626, %lt3A_1629 : vector<16xi1>
        %broadcast_in_dim3A_1631 = vector.broadcast %add3A_155 : i32 to vector<16xi32>
        %select_n3A_1632 = arith.select %and3A_1630, %sub3A_1617, %broadcast_in_dim3A_1631 : vector<16xi1>, vector<16xi32>
        %swap3A_1633 = arith.constant 96 : index
        %swap3A_1634 = tpu.vector_load %arg11[%swap3A_1633] {strides = array<i32>} : memref<128xi32, #tpu.memory_space<vmem>>, vector<16xi32>,
        %swap3A_1635 = vector.shape_cast %swap3A_1634 : vector<16xi32> to vector<16xi32>
        %swap3A_1636 = vector.shape_cast %select_n3A_1632 : vector<16xi32> to vector<16xi32>
        tpu.vector_store %arg11[%swap3A_1633], %swap3A_1636 {strides = array<i32>} : memref<128xi32, #tpu.memory_space<vmem>>, vector<16xi32>,
        %add3A_1637 = arith.constant 112 : i32
        %add3A_1638 = arith.addi %sub3A_1334, %add3A_1637 : i32
        %get3A_1639 = arith.index_cast %add3A_1638 : i32 to index
        %get3A_1640 = tpu.vector_load %arg9[%get3A_1639] {strides = array<i32>} : memref<640xi32, #tpu.memory_space<vmem>>, vector<16xi32>,
        %get3A_1641 = vector.shape_cast %get3A_1640 : vector<16xi32> to vector<16xi32>
        %add3A_1642 = arith.constant 112 : i32
        %add3A_1643 = arith.addi %sub3A_1334, %add3A_1642 : i32
        %get3A_1644 = arith.index_cast %add3A_1643 : i32 to index
        %get3A_1645 = tpu.vector_load %arg10[%get3A_1644] {strides = array<i32>} : memref<640xi32, #tpu.memory_space<vmem>>, vector<16xi32>,
        %get3A_1646 = vector.shape_cast %get3A_1645 : vector<16xi32> to vector<16xi32>
        %add3A_1647 = arith.constant 112 : i32
        %add3A_1648 = arith.addi %min3A_1333, %add3A_1647 : i32
        %iota3A_1649 = tpu.iota {dimensions = array<i32: 0>} : vector<16xi32>
        %add3A_1650 = vector.broadcast %add3A_1648 : i32 to vector<16xi32>
        %add3A_1651 = arith.addi %add3A_1650, %iota3A_1649 : vector<16xi32>
        %mul3A_1652 = arith.constant 100 : i32
        %mul3A_1653 = vector.broadcast %mul3A_1652 : i32 to vector<16xi32>
        %mul3A_1654 = arith.muli %get3A_1646, %mul3A_1653 : vector<16xi32>
        %add3A_1655 = arith.addi %mul3A_1654, %get3A_1641 : vector<16xi32>
        %sub3A_1656 = arith.constant 1 : i32
        %sub3A_1657 = vector.broadcast %sub3A_1656 : i32 to vector<16xi32>
        %sub3A_1658 = arith.subi %add3A_1655, %sub3A_1657 : vector<16xi32>
        %sub3A_1659 = vector.broadcast %mul3A_157 : i32 to vector<16xi32>
        %sub3A_1660 = arith.subi %sub3A_1658, %sub3A_1659 : vector<16xi32>
        %ge3A_1661 = vector.broadcast %max3A : i32 to vector<16xi32>
        %ge3A_1662 = arith.cmpi sge, %add3A_1651, %ge3A_1661 : vector<16xi32>
        %lt3A_1663 = vector.broadcast %min3A_1337 : i32 to vector<16xi32>
        %lt3A_1664 = arith.cmpi slt, %add3A_1651, %lt3A_1663 : vector<16xi32>
        %and3A_1665 = arith.andi %ge3A_1662, %lt3A_1664 : vector<16xi1>
        %ge3A_1666 = arith.constant 0 : i32
        %ge3A_1667 = vector.broadcast %ge3A_1666 : i32 to vector<16xi32>
        %ge3A_1668 = arith.cmpi sge, %sub3A_1660, %ge3A_1667 : vector<16xi32>
        %and3A_1669 = arith.andi %and3A_1665, %ge3A_1668 : vector<16xi1>
        %lt3A_1670 = arith.constant 3200 : i32
        %lt3A_1671 = vector.broadcast %lt3A_1670 : i32 to vector<16xi32>
        %lt3A_1672 = arith.cmpi slt, %sub3A_1660, %lt3A_1671 : vector<16xi32>
        %and3A_1673 = arith.andi %and3A_1669, %lt3A_1672 : vector<16xi1>
        %broadcast_in_dim3A_1674 = vector.broadcast %add3A_155 : i32 to vector<16xi32>
        %select_n3A_1675 = arith.select %and3A_1673, %sub3A_1660, %broadcast_in_dim3A_1674 : vector<16xi1>, vector<16xi32>
        %swap3A_1676 = arith.constant 112 : index
        %swap3A_1677 = tpu.vector_load %arg11[%swap3A_1676] {strides = array<i32>} : memref<128xi32, #tpu.memory_space<vmem>>, vector<16xi32>,
        %swap3A_1678 = vector.shape_cast %swap3A_1677 : vector<16xi32> to vector<16xi32>
        %swap3A_1679 = vector.shape_cast %select_n3A_1675 : vector<16xi32> to vector<16xi32>
        tpu.vector_store %arg11[%swap3A_1676], %swap3A_1679 {strides = array<i32>} : memref<128xi32, #tpu.memory_space<vmem>>, vector<16xi32>,
        "tpu.region"() ({
          %run_scoped3A = tpu.sem_alloc : memref<!tpu.dma_semaphore, #tpu.memory_space<semaphore_mem>>
          %dma_start3A_1680 = arith.constant 0 : i32
          %dma_start3A_1681 = arith.constant 0 : i32
          %dma_start3A_1682 = tpu.memref_slice %arg14[%dma_start3A_1680, %dma_start3A_1681] : memref<3328x128xf32, #tpu.memory_space<vmem_shared>> -> memref<3328x128xf32, #tpu.memory_space<vmem_shared>>
          tpu.enqueue_indirect_dma source(%arg8 : memref<128x128xf32, #tpu.memory_space<vmem>>) target(%dma_start3A_1682 : memref<3328x128xf32, #tpu.memory_space<vmem_shared>>) offsets(%arg11 : memref<128xi32, #tpu.memory_space<vmem>>) semaphore(%run_scoped3A : memref<!tpu.dma_semaphore, #tpu.memory_space<semaphore_mem>>) {add = true}
          %dma_wait3A_1683 = arith.constant 0 : i32
          %dma_wait3A_1684 = arith.constant 0 : i32
          %dma_wait3A_1685 = tpu.memref_slice %arg14[%dma_wait3A_1683, %dma_wait3A_1684] : memref<3328x128xf32, #tpu.memory_space<vmem_shared>> -> memref<3328x128xf32, #tpu.memory_space<vmem_shared>>
          tpu.wait_indirect_dma semaphore(%run_scoped3A : memref<!tpu.dma_semaphore, #tpu.memory_space<semaphore_mem>>) src(%arg8 : memref<128x128xf32, #tpu.memory_space<vmem>>) dst(%dma_wait3A_1685 : memref<3328x128xf32, #tpu.memory_space<vmem_shared>>)
          tpu.yield
        }) : () -> ()
      } else {
      }
    }
    %dma_wait3A_1264 = arith.constant 0 : i32
    %dma_wait3A_1265 = arith.constant 0 : i32
    %dma_wait3A_1266 = tpu.memref_slice %arg2[%dma_wait3A_1264, %dma_wait3A_1265] : memref<10000x128xf32, #tpu.memory_space<hbm>> -> memref<128x128xf32, #tpu.memory_space<hbm>>
    %dma_wait3A_1267 = arith.constant 0 : i32
    %dma_wait3A_1268 = arith.constant 0 : i32
    %dma_wait3A_1269 = tpu.memref_slice %arg2[%dma_wait3A_1267, %dma_wait3A_1268] : memref<10000x128xf32, #tpu.memory_space<hbm>> -> memref<128x128xf32, #tpu.memory_space<hbm>>
    tpu.wait_dma2 semaphore(%arg15 : memref<!tpu.dma_semaphore, #tpu.memory_space<semaphore_mem>>) src(%dma_wait3A_1269 : memref<128x128xf32, #tpu.memory_space<hbm>>) dst(%arg7 : memref<128x128xf32, #tpu.memory_space<vmem>>)
    %barrier3A_1270 = arith.constant 0 : index
    tpu.barrier barrier_id(%barrier3A_1270)
    %mul3A_1271 = arith.constant 200 : i32
    %mul3A_1272 = arith.muli %arg1, %mul3A_1271 : i32
    %mul3A_1273 = arith.constant 3200 : i32
    %mul3A_1274 = arith.muli %arg0, %mul3A_1273 : i32
    %add3A_1275 = arith.addi %mul3A_1274, %mul3A_1272 : i32
    "tpu.region"() ({
      %run_scoped3A = tpu.sem_alloc : memref<!tpu.dma_semaphore, #tpu.memory_space<semaphore_mem>>
      %dma_start3A_1276 = arith.constant 0 : i32
      %dma_start3A_1277 = tpu.memref_slice %arg6[%add3A_1275, %dma_start3A_1276] : memref<6400x128xf32, #tpu.memory_space<hbm>> -> memref<200x128xf32, #tpu.memory_space<hbm>>
      %dma_start3A_1278 = arith.constant 0 : i32
      %dma_start3A_1279 = tpu.memref_slice %arg14[%mul3A_1272, %dma_start3A_1278] : memref<3328x128xf32, #tpu.memory_space<vmem_shared>> -> memref<200x128xf32, #tpu.memory_space<vmem_shared>>
      tpu.enqueue_dma source(%dma_start3A_1279 : memref<200x128xf32, #tpu.memory_space<vmem_shared>>) target(%dma_start3A_1277 : memref<200x128xf32, #tpu.memory_space<hbm>>) target_semaphore(%run_scoped3A : memref<!tpu.dma_semaphore, #tpu.memory_space<semaphore_mem>>)
      %dma_wait3A_1280 = arith.constant 0 : i32
      %dma_wait3A_1281 = tpu.memref_slice %arg6[%add3A_1275, %dma_wait3A_1280] : memref<6400x128xf32, #tpu.memory_space<hbm>> -> memref<200x128xf32, #tpu.memory_space<hbm>>
      %dma_wait3A_1282 = arith.constant 0 : i32
      %dma_wait3A_1283 = tpu.memref_slice %arg14[%mul3A_1272, %dma_wait3A_1282] : memref<3328x128xf32, #tpu.memory_space<vmem_shared>> -> memref<200x128xf32, #tpu.memory_space<vmem_shared>>
      tpu.wait_dma2 semaphore(%run_scoped3A : memref<!tpu.dma_semaphore, #tpu.memory_space<semaphore_mem>>) src(%dma_wait3A_1283 : memref<200x128xf32, #tpu.memory_space<vmem_shared>>) dst(%dma_wait3A_1281 : memref<200x128xf32, #tpu.memory_space<hbm>>)
      tpu.yield
    }) : () -> ()
    return
  }
}

</mosaic_0001>

<sc_bundles>
// kernel: _pool_call.3.cloned.1.call-start
scs
__scs_entry_jumppad:
0x0: {  	(pc) =	sbr.rel $0x88, $3  }
0x1: {  	(tag) =	ssettag $0x0;
	lr =	simm.s32 $0x1  }
0x2: {  	[smem:$0x3F9E] =	sst lr;
	_ =	strace $0xD0000000  }
0x3: {  	_ = 	snop  }
0x4: {  	_ = 	snop  }
0x5: {  	_ = 	snop  }
0x6: {  	_ = 	snop  }
0x7: {  	_ = 	snop  }
__scs_overlays_trampoline_lowered:
0x8: {  	[smem:$0x3FAD] =	sst s0  }
0x9: {  	[smem:$0x3FAE] =	sst s1  }
0xa: {  	[smem:$0x3FAF] =	sst s2  }
0xb: {  	[smem:$0x3FB0] =	sst s3  }
0xc: {  	[smem:$0x3FB1] =	sst s4  }
0xd: {  	[smem:$0x3FB2] =	sst s5  }
0xe: {  	[smem:$0x3FB3] =	sst s6  }
0xf: {  	[smem:$0x3FB4] =	sst s7  }
0x10: {  	[smem:$0x3FB5] =	sst s8  }
0x11: {  	[smem:$0x3FB6] =	sst s9;
	s0 =	simm.s32 @!p0 $0x0  }
0x12: {  	s1 =	sld [smem:$0x3F9C];
	s0 =	simm.s32 @p0 $0x1  }
0x13: {  	[smem:$0x3FB7] =	sst s0;
	s0 =	simm.s32 @!p1 $0x0  }
0x14: {  	s2 =	sld [smem:$0x3F9B];
	s0 =	simm.s32 @p1 $0x1  }
0x15: {  	[smem:$0x3FB8] =	sst s0;
	s0 =	simm.s32 @!p2 $0x0  }
0x16: {  	s3 =	sld [smem:$0x3FDB];
	s0 =	simm.s32 @p2 $0x1  }
0x17: {  	s4 =	simm.s32 $0x1BF5;
	[smem:$0x3FBA] =	sst s0  }
0x18: {  	s0 =	sld [smem:$0x3F9D];
	_ =	swait.ge [sflag:s4], $0x0  }
0x19: {  	s7 =	sld [smem:$0x3F9E]  }
0x1a: {  	s8 =	sadd.s32 $0xFFFFE003, lr  }
0x1b: {  	s9 =	sadd.s32 $0xFFFFFEF7, lr;
	s5 =	simm.s32 $0xFFFFFFFF;
	p2 =	slt.u32 s8, $0xFFFFF086  }
0x1c: {  	p1 =	slt.u32 s9, $0xF7A;
	s5 =	simm.s32 @!p2 $0x0  }
0x1d: {  	s5 =	simm.s32 @p1 $0x1;
	p0 =	seq.s32 s7, s2  }
0x1e: {  	s7 =	smul.u32 @!p0 $0xF7A, s2;
	p2 =	seq.s32 @!p0 s5, $0x0  }
0x1f: {  	s9 =	smul.u32 $0xF7A, s1;
	s8 =	simm.s32 @!p0 $0x1BF5;
	p2 =	por !p2, p0  }
0x20: {  	[sflag:s8] =	ssyncset.s32 @!p0 $0xFFFFF086;
	s6 =	sadd.s32 @!p0 s3, s7;
	s7 =	simm.s32 @!p0 $0x108  }
0x21: {  	s3 =	sadd.s32 s3, s9;
	s6 =	sadd.s32 @!p0 $0x88, s6;
	s7 =	simm.s32 @p2 $0x1082  }
0x22: {  	[simem:s7], [sflag:s8] =	dma.local @!p0 [hbm:s6], $0xF7A  }
0x23: {  	s9 =	sor.u32 $0xD0000000, s2;
	s6 =	simm.s32 $0x108;
	_ =	swait.ge @!p0 [sflag:s8], $0x0  }
0x24: {  	s3 =	sadd.s32 $0x88, s3;
	s6 =	simm.s32 @!p1 $0x1082;
	[sflag:s4] =	ssyncset.s32 $0xFFFFF086  }
0x25: {  	[simem:s6], [sflag:s4] =	dma.local [hbm:s3], $0xF7A  }
0x26: {  	[smem:$0x3F9E] =	sst s1;
	(tag) =	ssettag s2;
	_ =	strace s9  }
0x27: {  	s1 =	sld [smem:$0x3FAE]  }
0x28: {  	s2 =	sld [smem:$0x3FAF]  }
0x29: {  	s4 =	sld [smem:$0x3FB1]  }
0x2a: {  	p0 =	seq.s32 s5, $0x0;
	s5 =	sld [smem:$0x3FB2]  }
0x2b: {  	s6 =	sld [smem:$0x3FB3]  }
0x2c: {  	s7 =	sld [smem:$0x3FB4]  }
0x2d: {  	s3 =	simm.s32 $0x108;
	s8 =	sld [smem:$0x3FB5]  }
0x2e: {  	s3 =	simm.s32 @!p0 $0x1082;
	s9 =	sld [smem:$0x3FB6]  }
0x2f: {  	lr =	sadd.s32 s0, s3;
	s0 =	sld [smem:$0x3FAD]  }
0x30: {  	s3 =	sld [smem:$0x3FB0]  }
0x31: {  	[smem:$0x3FB9] =	sst s10  }
0x32: {  	s10 =	sld [smem:$0x3FB7];
	_ =	sdelay $0x3  }
0x33: {  	p0 =	seq.s32 s10, $0x1;
	s10 =	sld [smem:$0x3FB9];
	_ =	sdelay $0x3  }
0x34: {  	[smem:$0x3FB9] =	sst s10  }
0x35: {  	s10 =	sld [smem:$0x3FB8];
	_ =	sdelay $0x3  }
0x36: {  	p1 =	seq.s32 s10, $0x1;
	s10 =	sld [smem:$0x3FB9];
	_ =	sdelay $0x3  }
0x37: {  	[smem:$0x3FB9] =	sst s10  }
0x38: {  	s10 =	sld [smem:$0x3FBA]  }
0x39: {  	_ = 	snop;
	(pc) =	sbr.ind lr, $3  }
0x3a: {  	_ = 	snop  }
0x3b: {  	_ = 	snop  }
0x3c: {  	p2 =	seq.s32 s10, $0x1;
	s10 =	sld [smem:$0x3FB9]  }
0x3d: {  	_ =	shalt  }
0x3e: {  	_ =	shalt  }
0x3f: {  	_ =	shalt  }
0x40: {  	_ =	shalt  }
0x41: {  	_ =	shalt  }
0x42: {  	_ =	shalt  }
0x43: {  	_ =	shalt  }
0x44: {  	_ =	shalt  }
0x45: {  	_ =	shalt  }
0x46: {  	_ =	shalt  }
0x47: {  	_ =	shalt  }
0x48: {  	_ =	shalt  }
0x49: {  	_ =	shalt  }
0x4a: {  	_ =	shalt  }
0x4b: {  	_ =	shalt  }
0x4c: {  	_ =	shalt  }
0x4d: {  	_ =	shalt  }
0x4e: {  	_ =	shalt  }
0x4f: {  	_ =	shalt  }
0x50: {  	_ =	shalt  }
0x51: {  	_ =	shalt  }
0x52: {  	_ =	shalt  }
0x53: {  	_ =	shalt  }
0x54: {  	_ =	shalt  }
0x55: {  	_ =	shalt  }
0x56: {  	_ =	shalt  }
0x57: {  	_ =	shalt  }
0x58: {  	_ =	shalt  }
0x59: {  	_ =	shalt  }
0x5a: {  	_ =	shalt  }
0x5b: {  	_ =	shalt  }
0x5c: {  	_ =	shalt  }
0x5d: {  	_ =	shalt  }
0x5e: {  	_ =	shalt  }
0x5f: {  	_ =	shalt  }
0x60: {  	_ =	shalt  }
0x61: {  	_ =	shalt  }
0x62: {  	_ =	shalt  }
0x63: {  	_ =	shalt  }
0x64: {  	_ =	shalt  }
0x65: {  	_ =	shalt  }
0x66: {  	_ =	shalt  }
0x67: {  	_ =	shalt  }
0x68: {  	_ =	shalt  }
0x69: {  	_ =	shalt  }
0x6a: {  	_ =	shalt  }
0x6b: {  	_ =	shalt  }
0x6c: {  	_ =	shalt  }
0x6d: {  	_ =	shalt  }
0x6e: {  	_ =	shalt  }
0x6f: {  	_ =	shalt  }
0x70: {  	_ =	shalt  }
0x71: {  	_ =	shalt  }
0x72: {  	_ =	shalt  }
0x73: {  	_ =	shalt  }
0x74: {  	_ =	shalt  }
0x75: {  	_ =	shalt  }
0x76: {  	_ =	shalt  }
0x77: {  	_ =	shalt  }
0x78: {  	_ =	shalt  }
0x79: {  	_ =	shalt  }
0x7a: {  	_ =	shalt  }
0x7b: {  	_ =	shalt  }
0x7c: {  	_ =	shalt  }
0x7d: {  	_ =	shalt  }
0x7e: {  	_ =	shalt  }
0x7f: {  	_ =	shalt  }
0x80: {  	_ =	shalt  }
0x81: {  	_ =	shalt  }
0x82: {  	_ =	shalt  }
0x83: {  	_ =	shalt  }
0x84: {  	_ =	shalt  }
0x85: {  	_ =	shalt  }
0x86: {  	_ =	shalt  }
0x87: {  	_ =	shalt  }
.Lfunc_end0:
.L_simem_size_0:
called_computation_lowered:
.L_overlay_start_0:
0x88: {  	s2 =	sld [smem:$0x3FD9]  }
0x89: {  	s3 =	sld [smem:$0x3FFE];
	_ =	sdelay $0x1  }
0x8a: {  	s1 =	srdreg.scid  }
0x8b: {  	s0 =	sand.u32 $0x1, s1  }
0x8c: {  	s17 =	sshll.u32 s0, $0xA;
	s2 =	sadd.s32 s3, s2  }
0x8d: {  	s2 =	sadd.s32 s2, s17  }
0x8e: {  	[smem:$0x3FC5] =	sst s2  }
0x8f: {  	_ = 	snop  }
0x90: {  	s2 =	sld [smem:$0x3FC9]  }
0x91: {  	s18 =	sld [smem:$0x3FC8]  }
0x92: {  	s4 =	sld [smem:$0x3FC7]  }
0x93: {  	s5 =	sld [smem:$0x3FD0];
	(tm) =	ssettm $0x1  }
0x94: {  	s6 =	sld [smem:$0x3FFB];
	_ =	sdelay $0x3  }
0x95: {  	_ =	strace s6  }
0x96: {  	s6 =	sld [smem:$0x3FFC];
	_ =	sdelay $0x3  }
0x97: {  	_ =	strace s6  }
0x98: {  	s6 =	sld [smem:$0x3FFD];
	_ =	sdelay $0x3  }
0x99: {  	_ =	strace s6  }
0x9a: {  	_ =	strace $0x8FFFFFFF  }
0x9b: {  	s19 =	sld [smem:$0x3FDB];
	_ =	sdelay $0x1  }
0x9c: {  	s7 =	simm.s32 $_scs_section_size  }
0x9d: {  	s8 =	simm.s32 $_size__tile_overlayer_lowered;
	s9 =	simm.s32 $_tile_overlayer_lowered  }
0x9e: {  	s22 =	simm.s32 $0x1BFF;
	s21 =	sshll.u32 s9, $0x1;
	s6 =	sadd.s32 s7, s19  }
0x9f: {  	s10 =	simm.s32 $0x0;
	s20 =	sshll.u32 s8, $0x1;
	s8 =	sadd.s32 s21, s6  }
0xa0: {  	[timem:s10], [sflag:s22] =	dma.local [hbm:s8], s20  }
0xa1: {  	_ =	swait.ge [sflag:s22], s20  }
0xa2: {  	s7 =	ssub.s32 $0x0, s20;
	[sflag:s22] =	ssyncset.done $0x0  }
0xa3: {  	[sflag:s22] =	ssyncadd.s32 s7;
	_ =	sdelay $0x1  }
0xa4: {  	s23 =	simm.s32 $0x1B8B  }
0xa5: {  	_ =	swait.ge [sflag:s23], $0x1  }
0xa6: {  	[sflag:s23] =	ssyncset.done $0x0  }
0xa7: {  	s25 =	simm.s32 $0x1B8E;
	s24 =	sld [smem:$0x3FFE];
	[sflag:s23] =	ssyncadd.s32 $0xFFFFFFFF  }
0xa8: {  	s26 =	simm.s32 $execute0_lowered;
	[smem:$0x3FD2] =	sst s25  }
0xa9: {  	s8 =	sshll.u32 s26, $0x1;
	_ =	strace $0x80000046;
	[dreg:$0x1] =	wrdreg $0xFFFFFFFF  }
0xaa: {  	s28 =	simm.s32 $_size_execute0_lowered;
	s6 =	sadd.s32 s6, s8;
	[dreg:$0x0] =	wrdreg $0x0  }
0xab: {  	s8 =	sshll.u32 s28, $0x1;
	[dreg:$0x2] =	wrdreg s6  }
0xac: {  	[dreg:$0x3] =	wrdreg s8  }
0xad: {  	[dreg:$0x4] =	wrdreg $0xC0  }
0xae: {  	_ =	task [dreg:s10], $0x5FFFF  }
0xaf: {  	[dreg:$0x1] =	wrdreg $0xFFFFFFFF  }
0xb0: {  	[dreg:$0x0] =	wrdreg $0x60  }
0xb1: {  	[dreg:$0x2] =	wrdreg s2  }
0xb2: {  	[dreg:$0x3] =	wrdreg s18  }
0xb3: {  	[dreg:$0x4] =	wrdreg s4  }
0xb4: {  	[dreg:$0x5] =	wrdreg s24  }
0xb5: {  	[dreg:$0x6] =	wrdreg s5  }
0xb6: {  	[dreg:$0x7] =	wrdreg $0x8E000  }
0xb7: {  	[dreg:$0x8] =	wrdreg $0x9  }
0xb8: {  	_ =	task.clear_ibuf [dreg:s10], $0x9FFFF;
	_ =	strace $0x90000046  }
0xb9: {  	s29 =	simm.s32 $0x9;
	_ =	strace $0x80000048  }
0xba: {  	_ =	swait.ge [sflag:s29], $0x1  }
0xbb: {  	[sflag:s29] =	ssyncadd.s32 $0xFFFFFFFF  }
0xbc: {  	_ =	strace $0x90000048  }
0xbd: {  	_ =	sfence  }
0xbe: {  	s30 =	sld [smem:$0x0];
	_ =	sdelay $0x2  }
0xbf: {  	s31 =	sshll.u32 s1, $0xD;
	s1 =	sshrl.u32 s1, $0x2  }
0xc0: {  	s3 =	sand.u32 $0x4000, s31;
	s1 =	sadd.s32 s1, s30  }
0xc1: {  	s0 =	sor.u32 s3, s0;
	s1 =	sshll.u32 s1, $0x11  }
0xc2: {  	s0 =	sor.u32 s1, s0  }
0xc3: {  	s0 =	sadd.s32 $0x8F2B, s0  }
0xc4: {  	[sflag:s0] =	ssyncadd.remote.s32 $0x1  }
0xc5: {  	_ =	sfence.sel $0xFFFF  }
0xc6: {  	[dreg:$0x0] =	wrdreg $0xFFFFFFFF;
	(pc) =	sbr.abs _section_cstart, $3  }
0xc7: {  	[dreg:$0x1] =	wrdreg $0xFFFFFFFF  }
0xc8: {  	_ =	task.clear_ibuf [dreg:s10], $0x2FFFF;
	_ =	strace $0x9FFFFFFF  }
0xc9: {  	(tm) =	ssettm $0x7FFFFFFF  }
tec
execute0_lowered:
.L_overlay_start_1:
0x0: {  	(tag) =	ssettag $0x1  }
0x1: {  	s0 =	rddreg [dreg:$0x0]  }
0x2: {  	s1 =	rddreg [dreg:$0x4]  }
0x3: {  	s6 =	rddreg [dreg:$0x5];
	s2 =	srdreg.scid  }
0x4: {  	s5 =	stileid.u32;
	s7 =	simm.s32 $0x0;
	s28 =	simm.s32 $0x1  }
0x5: {  	s31 =	simm.s32 $0x8600;
	s29 =	simm.s32 $0x2;
	s30 =	simm.s32 $0x0  }
0x6: {  	s2 =	sand.u32 $0x1, s2;
	s4 =	smul.u32 $0x1A000, s5;
	[smem:$0x7FF] =	sst s7  }
0x7: {  	s13 =	sadd.s32 $0x1, s5;
	s15 =	sor.u32 $0xC80, s5;
	s16 =	smul.u32 $0xC8, s5  }
0x8: {  	s22 =	smul.u32 $0x19000, s5;
	s3 =	ssub.s32 $0x2, s2;
	s4 =	sshrl.u32 s4, $0x2  }
0x9: {  	_ =	strace $0x80000047;
	[dreg:$0x7] =	wrdreg s13;
	s9 =	sadd.s32 s4, s6  }
0xa: {  	s14 =	smul.u32 $0xC80, s2;
	p0 =	seq.s32 s2, $0x0;
	s10 =	sadd.s32 $0x800, s9  }
0xb: {  	s2 =	simm.s32 $0x4000;
	s11 =	sadd.s32 $0x1000, s9;
	[dreg:$0x8] =	wrdreg s10  }
0xc: {  	s8 =	sshrl.u32 s3, $0x1;
	s17 =	sadd.s32 $0x1800, s9;
	[dreg:$0x9] =	wrdreg s11  }
0xd: {  	s25 =	sshrl.u32 s22, $0x2;
	s18 =	sadd.s32 $0x2000, s9;
	[dreg:$0xa] =	wrdreg s17  }
0xe: {  	s3 =	ssub.s32 s3, s8;
	s19 =	sadd.s32 $0x2800, s9;
	[dreg:$0xb] =	wrdreg s18  }
0xf: {  	s4 =	simm.s32 $0x8500;
	s20 =	sadd.s32 $0x3000, s9;
	[dreg:$0xc] =	wrdreg s19  }
0x10: {  	s21 =	sadd.s32 $0x3800, s9;
	s12 =	sadd.s32 $0x4000, s9;
	[dreg:$0xd] =	wrdreg s20  }
0x11: {  	s23 =	sadd.s32 $0x4800, s9;
	s24 =	sadd.s32 $0x5000, s9;
	[dreg:$0xe] =	wrdreg s21  }
0x12: {  	s26 =	sadd.s32 $0x5800, s9;
	s22 =	smax.u32 s3, $0x1;
	[dreg:$0xf] =	wrdreg s12  }
.Ltmp0:
0x13: {  	s10 =	sadd.s32 s16, s14;
	[dreg:$0x10] =	wrdreg s23;
	(pc) =	sbr.rel .LBB2_1-.Ltmp0, $4  }
0x14: {  	s3 =	simm.s32 $0x80;
	[dreg:$0x12] =	wrdreg s24;
	s10 =	sshll.u32 s10, $0x4  }
0x15: {  	v1 =	vmov s14;
	[dreg:$0x13] =	wrdreg s26;
	s24 =	sadd.s32 $0x6000, s9;
	s1 =	sadd.s32 s1, s10  }
0x16: {  	v2 =	vimm.f32 $0.0e+00;
	v1 =	vxor.u32 $0xFFFFFFFF, v1;
	s26 =	simm.s32 $0x4;
	[dreg:$0x11] =	wrdreg s1;
	s1 =	sadd.s32 s25, s6  }
0x17: {  	v3 =	vlaneseq.u32;
	v0 =	vmov s15;
	v1 =	vbroadcast v1, $0x0;
	s25 =	simm.s32 $0x5;
	s23 =	sshrl.u32 s1, $0x3;
	s1 =	simm.s32 $0x3  }
.LBB2_8:
0x18: {  	_ =	swait.ge [sflag:s28], $0x4000  }
0x19: {  	[sflag:s28] =	ssyncset.done $0x0  }
0x1a: {  	s30 =	sadd.s32 $0x1, s30;
	[sflag:s28] =	ssyncadd.s32 $0xFFFFC000  }
0x1b: {  	s8 =	sshll.u32 s5, $0x6;
	p1 =	sne.s32 s30, s22;
	[bflag:$0x0] =	sbarrier.arrive $0xFFFF  }
.Ltmp1:
0x1c: {  	s8 =	sor.u32 $0x1C04, s8;
	s10 =	rddreg [dreg:$0x11];
	(pc) =	sbr.rel @!p1 .LBB2_9-.Ltmp1, $4  }
0x1d: {  	[hbm:s10], [sflag:s8] =	dma.local [spmem:s23], $0xC80  }
0x1e: {  	_ =	swait.ge [sflag:s26], $0xC80  }
0x1f: {  	[sflag:s26] =	ssyncset.done $0x0  }
0x20: {  	[sflag:s26] =	ssyncadd.s32 $0xFFFFF380  }
.LBB2_1:
0x21: {  	s8 =	rddreg [dreg:$0x3];
	s10 =	simm.s32 $0x8580  }
0x22: {  	[tilespmem:s10], [sflag:$0x4] =	stream.linear.gather [hbm4b:s8+s7], $0x80, $0x38;
	[tilespmem:$0xF600] =	vst v63  }
0x23: {  	_ =	swait.ge [sflag:s26], $0x80  }
0x24: {  	[sflag:s26] =	ssyncset.done $0x0  }
0x25: {  	[sflag:s26] =	ssyncadd.s32 $0xFFFFFF80  }
0x26: {  	v4 =	vld [tilespmem:$0x8580];
	_ =	sdelay $0x4  }
0x27: {  	(v2sf) =	vpush v4, $0x0  }
0x28: {  	(v2sf) =	vpush v4, $0x1  }
0x29: {  	(v2sf) =	vpush v4, $0x2  }
0x2a: {  	(v2sf) =	vpush v4, $0x3  }
0x2b: {  	(v2sf) =	vpush v4, $0x4  }
0x2c: {  	(v2sf) =	vpush v4, $0x5  }
0x2d: {  	(v2sf) =	vpush v4, $0x6  }
0x2e: {  	(v2sf) =	vpush v4, $0x7  }
0x2f: {  	(v2sf) =	vpush v4, $0x8  }
0x30: {  	(v2sf) =	vpush v4, $0x9  }
0x31: {  	(v2sf) =	vpush v4, $0xA  }
0x32: {  	(v2sf) =	vpush v4, $0xB  }
0x33: {  	(v2sf) =	vpush v4, $0xC  }
0x34: {  	(v2sf) =	vpush v4, $0xD  }
0x35: {  	(v2sf) =	vpush v4, $0xE  }
0x36: {  	s18 =	spop (v2sf);
	(v2sf) =	vpush v4, $0xF  }
0x37: {  	s19 =	spop (v2sf)  }
0x38: {  	s11 =	spop (v2sf);
	s8 =	sadd.s32 s19, s18  }
0x39: {  	s20 =	spop (v2sf);
	s8 =	sadd.s32 s11, s8  }
0x3a: {  	s21 =	spop (v2sf);
	s8 =	sadd.s32 s20, s8  }
0x3b: {  	s12 =	spop (v2sf);
	s8 =	sadd.s32 s21, s8  }
0x3c: {  	s13 =	spop (v2sf);
	s8 =	sadd.s32 s12, s8  }
0x3d: {  	s14 =	spop (v2sf);
	s8 =	sadd.s32 s13, s8  }
0x3e: {  	s15 =	spop (v2sf);
	s8 =	sadd.s32 s14, s8  }
0x3f: {  	s16 =	spop (v2sf);
	s8 =	sadd.s32 s15, s8  }
0x40: {  	s17 =	spop (v2sf);
	s8 =	sadd.s32 s16, s8  }
0x41: {  	s18 =	spop (v2sf);
	s8 =	sadd.s32 s17, s8  }
0x42: {  	s19 =	spop (v2sf);
	s8 =	sadd.s32 s18, s8  }
0x43: {  	s20 =	spop (v2sf);
	s8 =	sadd.s32 s19, s8  }
0x44: {  	s21 =	spop (v2sf);
	s8 =	sadd.s32 s20, s8  }
0x45: {  	s8 =	sadd.s32 s21, s8;
	s11 =	spop (v2sf)  }
0x46: {  	s19 =	sadd.s32 s11, s8  }
0x47: {  	s8 =	sand.u32 $0x7, s19  }
0x48: {  	s10 =	sshra.s32 s19, $0x1F;
	p1 =	slt.s32 s19, $0x1;
	p2 =	sne.s32 s8, $0x0  }
0x49: {  	s12 =	sshrl.u32 s10, $0x1D;
	p1 =	por !p1, !p2  }
0x4a: {  	s10 =	simm.s32 $0x1;
	s8 =	sadd.s32 s12, s19;
	p1 =	por !p1, !p1  }
0x4b: {  	s8 =	sshrl.u32 s8, $0x3;
	s10 =	simm.s32 @!p1 $0x0  }
0x4c: {  	s8 =	ssub.s32 s8, s10  }
0x4d: {  	s14 =	sshll.u32 s8, $0x3  }
0x4e: {  	s8 =	ssub.s32 $0x2710, s14  }
0x4f: {  	s8 =	smov.u32 @p0 s19  }
0x50: {  	s8 =	sadd.s32 $0x7F, s8  }
0x51: {  	s13 =	sand.u32 $0x7F, s8  }
0x52: {  	s15 =	sshra.s32 s8, $0x1F;
	p3 =	slt.s32 s8, $0x1;
	p4 =	sne.s32 s13, $0x0  }
0x53: {  	s16 =	sshrl.u32 s15, $0x19;
	p1 =	por !p3, !p4  }
0x54: {  	s10 =	simm.s32 $0x1;
	s8 =	sadd.s32 s16, s8;
	p1 =	por !p1, !p1  }
0x55: {  	s8 =	sshra.s32 s8, $0x7;
	s10 =	simm.s32 @!p1 $0x0  }
0x56: {  	s11 =	ssub.s32 s8, s10  }
0x57: {  	s8 =	smul.u32 s5, s11;
	_ =	sdelay $0x1  }
0x58: {  	s17 =	sand.u32 $0xF, s8  }
0x59: {  	s12 =	sshra.s32 s8, $0x1F;
	p5 =	slt.s32 s8, $0x1;
	p6 =	sne.s32 s17, $0x0  }
0x5a: {  	s18 =	sshrl.u32 s12, $0x1C;
	p1 =	por !p5, !p6  }
0x5b: {  	s10 =	simm.s32 $0x1;
	s8 =	sadd.s32 s18, s8;
	p1 =	por !p1, !p1  }
0x5c: {  	s8 =	sshra.s32 s8, $0x4;
	s10 =	simm.s32 @!p1 $0x0  }
0x5d: {  	s8 =	ssub.s32 s8, s10  }
0x5e: {  	s14 =	simm.s32 @p0 $0x0;
	s15 =	sshll.u32 s8, $0x7  }
0x5f: {  	s12 =	sadd.s32 s14, s15  }
0x60: {  	p2 =	slt.s32 s12, $0x2690  }
0x61: {  	p1 =	slt.s32 s12, $0x2490;
	s10 =	smov.u32 s12;
	s12 =	simm.s32 @!p2 $0x2690  }
0x62: {  	s10 =	simm.s32 @!p1 $0x2490;
	s12 =	sshll.u32 s12, $0x4  }
0x63: {  	s13 =	rddreg [dreg:$0x1];
	s20 =	sshrl.u32 s10, $0x3;
	s12 =	sadd.s32 s0, s12  }
0x64: {  	[tilespmem:s7], [sflag:$0x1] =	stream.linear.gather [hbm4b:s12+s7], $0x4000, $0x38;
	[tilespmem:$0xF600] =	vst v63  }
0x65: {  	s21 =	rddreg [dreg:$0x2];
	s16 =	simm.s32 $0x8000;
	s13 =	sadd.s32 s13, s20  }
0x66: {  	[tilespmem:s16], [sflag:$0x3] =	stream.linear.gather [hbm4b:s13+s7], $0x280, $0x38;
	[tilespmem:$0xF600] =	vst v63  }
0x67: {  	s12 =	sadd.s32 s21, s20;
	s16 =	simm.s32 $0x8280  }
0x68: {  	[tilespmem:s16], [sflag:$0x3] =	stream.linear.gather [hbm4b:s12+s7], $0x280, $0x38;
	[tilespmem:$0xF600] =	vst v63  }
0x69: {  	[tilespmem:$0x8600] =	vst v2  }
0x6a: {  	[tilespmem:$0x8610] =	vst v2  }
0x6b: {  	[tilespmem:$0x8620] =	vst v2  }
0x6c: {  	[tilespmem:$0x8630] =	vst v2  }
0x6d: {  	[tilespmem:$0x8640] =	vst v2  }
0x6e: {  	[tilespmem:$0x8650] =	vst v2  }
0x6f: {  	[tilespmem:$0x8660] =	vst v2  }
0x70: {  	[tilespmem:$0x8670] =	vst v2  }
0x71: {  	[tilespmem:$0x8680] =	vst v2  }
0x72: {  	[tilespmem:$0x8690] =	vst v2  }
0x73: {  	[tilespmem:$0x86A0] =	vst v2  }
0x74: {  	[tilespmem:$0x86B0] =	vst v2  }
0x75: {  	[tilespmem:$0x86C0] =	vst v2  }
0x76: {  	[tilespmem:$0x86D0] =	vst v2  }
0x77: {  	[tilespmem:$0x86E0] =	vst v2  }
0x78: {  	[tilespmem:$0x86F0] =	vst v2  }
0x79: {  	[tilespmem:$0x8700] =	vst v2  }
0x7a: {  	[tilespmem:$0x8710] =	vst v2  }
0x7b: {  	[tilespmem:$0x8720] =	vst v2  }
0x7c: {  	[tilespmem:$0x8730] =	vst v2  }
0x7d: {  	[tilespmem:$0x8740] =	vst v2  }
0x7e: {  	[tilespmem:$0x8750] =	vst v2  }
0x7f: {  	[tilespmem:$0x8760] =	vst v2  }
0x80: {  	[tilespmem:$0x8770] =	vst v2  }
0x81: {  	[tilespmem:$0x8780] =	vst v2  }
0x82: {  	[tilespmem:$0x8790] =	vst v2  }
0x83: {  	[tilespmem:$0x87A0] =	vst v2  }
0x84: {  	[tilespmem:$0x87B0] =	vst v2  }
0x85: {  	[tilespmem:$0x87C0] =	vst v2  }
0x86: {  	[tilespmem:$0x87D0] =	vst v2  }
0x87: {  	[tilespmem:$0x87E0] =	vst v2  }
0x88: {  	[tilespmem:$0x87F0] =	vst v2  }
0x89: {  	[tilespmem:$0x8800] =	vst v2  }
0x8a: {  	[tilespmem:$0x8810] =	vst v2  }
0x8b: {  	[tilespmem:$0x8820] =	vst v2  }
0x8c: {  	[tilespmem:$0x8830] =	vst v2  }
0x8d: {  	[tilespmem:$0x8840] =	vst v2  }
0x8e: {  	[tilespmem:$0x8850] =	vst v2  }
0x8f: {  	[tilespmem:$0x8860] =	vst v2  }
0x90: {  	[tilespmem:$0x8870] =	vst v2  }
0x91: {  	[tilespmem:$0x8880] =	vst v2  }
0x92: {  	[tilespmem:$0x8890] =	vst v2  }
0x93: {  	[tilespmem:$0x88A0] =	vst v2  }
0x94: {  	[tilespmem:$0x88B0] =	vst v2  }
0x95: {  	[tilespmem:$0x88C0] =	vst v2  }
0x96: {  	[tilespmem:$0x88D0] =	vst v2  }
0x97: {  	[tilespmem:$0x88E0] =	vst v2  }
0x98: {  	[tilespmem:$0x88F0] =	vst v2  }
0x99: {  	[tilespmem:$0x8900] =	vst v2  }
0x9a: {  	[tilespmem:$0x8910] =	vst v2  }
0x9b: {  	[tilespmem:$0x8920] =	vst v2  }
0x9c: {  	[tilespmem:$0x8930] =	vst v2  }
0x9d: {  	[tilespmem:$0x8940] =	vst v2  }
0x9e: {  	[tilespmem:$0x8950] =	vst v2  }
0x9f: {  	[tilespmem:$0x8960] =	vst v2  }
0xa0: {  	[tilespmem:$0x8970] =	vst v2  }
0xa1: {  	[tilespmem:$0x8980] =	vst v2  }
0xa2: {  	[tilespmem:$0x8990] =	vst v2  }
0xa3: {  	[tilespmem:$0x89A0] =	vst v2  }
0xa4: {  	[tilespmem:$0x89B0] =	vst v2  }
0xa5: {  	[tilespmem:$0x89C0] =	vst v2  }
0xa6: {  	[tilespmem:$0x89D0] =	vst v2  }
0xa7: {  	[tilespmem:$0x89E0] =	vst v2  }
0xa8: {  	[tilespmem:$0x89F0] =	vst v2  }
0xa9: {  	[tilespmem:$0x8A00] =	vst v2  }
0xaa: {  	[tilespmem:$0x8A10] =	vst v2  }
0xab: {  	[tilespmem:$0x8A20] =	vst v2  }
0xac: {  	[tilespmem:$0x8A30] =	vst v2  }
0xad: {  	[tilespmem:$0x8A40] =	vst v2  }
0xae: {  	[tilespmem:$0x8A50] =	vst v2  }
0xaf: {  	[tilespmem:$0x8A60] =	vst v2  }
0xb0: {  	[tilespmem:$0x8A70] =	vst v2  }
0xb1: {  	[tilespmem:$0x8A80] =	vst v2  }
0xb2: {  	[tilespmem:$0x8A90] =	vst v2  }
0xb3: {  	[tilespmem:$0x8AA0] =	vst v2  }
0xb4: {  	[tilespmem:$0x8AB0] =	vst v2  }
0xb5: {  	[tilespmem:$0x8AC0] =	vst v2  }
0xb6: {  	[tilespmem:$0x8AD0] =	vst v2  }
0xb7: {  	[tilespmem:$0x8AE0] =	vst v2  }
0xb8: {  	[tilespmem:$0x8AF0] =	vst v2  }
0xb9: {  	[tilespmem:$0x8B00] =	vst v2  }
0xba: {  	[tilespmem:$0x8B10] =	vst v2  }
0xbb: {  	[tilespmem:$0x8B20] =	vst v2  }
0xbc: {  	[tilespmem:$0x8B30] =	vst v2  }
0xbd: {  	[tilespmem:$0x8B40] =	vst v2  }
0xbe: {  	[tilespmem:$0x8B50] =	vst v2  }
0xbf: {  	[tilespmem:$0x8B60] =	vst v2  }
0xc0: {  	[tilespmem:$0x8B70] =	vst v2  }
0xc1: {  	[tilespmem:$0x8B80] =	vst v2  }
0xc2: {  	[tilespmem:$0x8B90] =	vst v2  }
0xc3: {  	[tilespmem:$0x8BA0] =	vst v2  }
0xc4: {  	[tilespmem:$0x8BB0] =	vst v2  }
0xc5: {  	[tilespmem:$0x8BC0] =	vst v2  }
0xc6: {  	[tilespmem:$0x8BD0] =	vst v2  }
0xc7: {  	[tilespmem:$0x8BE0] =	vst v2  }
0xc8: {  	[tilespmem:$0x8BF0] =	vst v2  }
0xc9: {  	[tilespmem:$0x8C00] =	vst v2  }
0xca: {  	[tilespmem:$0x8C10] =	vst v2  }
0xcb: {  	[tilespmem:$0x8C20] =	vst v2  }
0xcc: {  	[tilespmem:$0x8C30] =	vst v2  }
0xcd: {  	[tilespmem:$0x8C40] =	vst v2  }
0xce: {  	[tilespmem:$0x8C50] =	vst v2  }
0xcf: {  	[tilespmem:$0x8C60] =	vst v2  }
0xd0: {  	[tilespmem:$0x8C70] =	vst v2  }
0xd1: {  	[tilespmem:$0x8C80] =	vst v2  }
0xd2: {  	[tilespmem:$0x8C90] =	vst v2  }
0xd3: {  	[tilespmem:$0x8CA0] =	vst v2  }
0xd4: {  	[tilespmem:$0x8CB0] =	vst v2  }
0xd5: {  	[tilespmem:$0x8CC0] =	vst v2  }
0xd6: {  	[tilespmem:$0x8CD0] =	vst v2  }
0xd7: {  	[tilespmem:$0x8CE0] =	vst v2  }
0xd8: {  	[tilespmem:$0x8CF0] =	vst v2  }
0xd9: {  	[tilespmem:$0x8D00] =	vst v2  }
0xda: {  	[tilespmem:$0x8D10] =	vst v2  }
0xdb: {  	[tilespmem:$0x8D20] =	vst v2  }
0xdc: {  	[tilespmem:$0x8D30] =	vst v2  }
0xdd: {  	[tilespmem:$0x8D40] =	vst v2  }
0xde: {  	[tilespmem:$0x8D50] =	vst v2  }
0xdf: {  	[tilespmem:$0x8D60] =	vst v2  }
0xe0: {  	[tilespmem:$0x8D70] =	vst v2  }
0xe1: {  	[tilespmem:$0x8D80] =	vst v2  }
0xe2: {  	[tilespmem:$0x8D90] =	vst v2  }
0xe3: {  	[tilespmem:$0x8DA0] =	vst v2  }
0xe4: {  	[tilespmem:$0x8DB0] =	vst v2  }
0xe5: {  	[tilespmem:$0x8DC0] =	vst v2  }
0xe6: {  	[tilespmem:$0x8DD0] =	vst v2  }
0xe7: {  	[tilespmem:$0x8DE0] =	vst v2  }
0xe8: {  	[tilespmem:$0x8DF0] =	vst v2  }
0xe9: {  	[spmem:s9] =	stream.linear.scatter [tilespmem:s31], [sflag:$0x4], $0x800, $0x38;
	[tilespmem:$0xF600] =	vst v63  }
0xea: {  	_ =	swait.ge [sflag:s26], $0x800  }
0xeb: {  	[sflag:s26] =	ssyncset.done $0x0  }
0xec: {  	s17 =	rddreg [dreg:$0x8];
	[sflag:s26] =	ssyncadd.s32 $0xFFFFF800  }
0xed: {  	[spmem:s17] =	stream.linear.scatter [tilespmem:s31], [sflag:$0x4], $0x800, $0x38;
	[tilespmem:$0xF600] =	vst v63  }
0xee: {  	_ =	swait.ge [sflag:s26], $0x800  }
0xef: {  	[sflag:s26] =	ssyncset.done $0x0  }
0xf0: {  	s18 =	rddreg [dreg:$0x9];
	[sflag:s26] =	ssyncadd.s32 $0xFFFFF800  }
0xf1: {  	[spmem:s18] =	stream.linear.scatter [tilespmem:s31], [sflag:$0x4], $0x800, $0x38;
	[tilespmem:$0xF600] =	vst v63  }
0xf2: {  	_ =	swait.ge [sflag:s26], $0x800  }
0xf3: {  	[sflag:s26] =	ssyncset.done $0x0  }
0xf4: {  	s20 =	rddreg [dreg:$0xa];
	[sflag:s26] =	ssyncadd.s32 $0xFFFFF800  }
0xf5: {  	[spmem:s20] =	stream.linear.scatter [tilespmem:s31], [sflag:$0x4], $0x800, $0x38;
	[tilespmem:$0xF600] =	vst v63  }
0xf6: {  	_ =	swait.ge [sflag:s26], $0x800  }
0xf7: {  	[sflag:s26] =	ssyncset.done $0x0  }
0xf8: {  	s21 =	rddreg [dreg:$0xb];
	[sflag:s26] =	ssyncadd.s32 $0xFFFFF800  }
0xf9: {  	[spmem:s21] =	stream.linear.scatter [tilespmem:s31], [sflag:$0x4], $0x800, $0x38;
	[tilespmem:$0xF600] =	vst v63  }
0xfa: {  	_ =	swait.ge [sflag:s26], $0x800  }
0xfb: {  	[sflag:s26] =	ssyncset.done $0x0  }
0xfc: {  	s13 =	rddreg [dreg:$0xc];
	[sflag:s26] =	ssyncadd.s32 $0xFFFFF800  }
0xfd: {  	[spmem:s13] =	stream.linear.scatter [tilespmem:s31], [sflag:$0x4], $0x800, $0x38;
	[tilespmem:$0xF600] =	vst v63  }
0xfe: {  	_ =	swait.ge [sflag:s26], $0x800  }
0xff: {  	[sflag:s26] =	ssyncset.done $0x0  }
0x100: {  	s16 =	rddreg [dreg:$0xd];
	[sflag:s26] =	ssyncadd.s32 $0xFFFFF800  }
0x101: {  	[spmem:s16] =	stream.linear.scatter [tilespmem:s31], [sflag:$0x4], $0x800, $0x38;
	[tilespmem:$0xF600] =	vst v63  }
0x102: {  	_ =	swait.ge [sflag:s26], $0x800  }
0x103: {  	[sflag:s26] =	ssyncset.done $0x0  }
0x104: {  	s17 =	rddreg [dreg:$0xe];
	[sflag:s26] =	ssyncadd.s32 $0xFFFFF800  }
0x105: {  	[spmem:s17] =	stream.linear.scatter [tilespmem:s31], [sflag:$0x4], $0x800, $0x38;
	[tilespmem:$0xF600] =	vst v63  }
0x106: {  	_ =	swait.ge [sflag:s26], $0x800  }
0x107: {  	[sflag:s26] =	ssyncset.done $0x0  }
0x108: {  	s18 =	rddreg [dreg:$0xf];
	[sflag:s26] =	ssyncadd.s32 $0xFFFFF800  }
0x109: {  	[spmem:s18] =	stream.linear.scatter [tilespmem:s31], [sflag:$0x4], $0x800, $0x38;
	[tilespmem:$0xF600] =	vst v63  }
0x10a: {  	_ =	swait.ge [sflag:s26], $0x800  }
0x10b: {  	[sflag:s26] =	ssyncset.done $0x0  }
0x10c: {  	s20 =	rddreg [dreg:$0x10];
	[sflag:s26] =	ssyncadd.s32 $0xFFFFF800  }
0x10d: {  	[spmem:s20] =	stream.linear.scatter [tilespmem:s31], [sflag:$0x4], $0x800, $0x38;
	[tilespmem:$0xF600] =	vst v63  }
0x10e: {  	_ =	swait.ge [sflag:s26], $0x800  }
0x10f: {  	[sflag:s26] =	ssyncset.done $0x0;
	s21 =	rddreg [dreg:$0x7]  }
0x110: {  	s13 =	rddreg [dreg:$0x12];
	s11 =	smul.u32 s21, s11;
	[sflag:s26] =	ssyncadd.s32 $0xFFFFF800  }
0x111: {  	[spmem:s13] =	stream.linear.scatter [tilespmem:s31], [sflag:$0x4], $0x800, $0x38;
	[tilespmem:$0xF600] =	vst v63  }
0x112: {  	s16 =	sand.u32 $0xF, s11  }
0x113: {  	_ =	swait.ge [sflag:s26], $0x800;
	s17 =	sshra.s32 s11, $0x1F;
	p4 =	slt.s32 s11, $0x1  }
0x114: {  	p3 =	sne.s32 s16, $0x0;
	[sflag:s26] =	ssyncset.done $0x0;
	s12 =	sshrl.u32 s17, $0x1C  }
0x115: {  	s18 =	rddreg [dreg:$0x13];
	[sflag:s26] =	ssyncadd.s32 $0xFFFFF800;
	p1 =	por !p4, !p3  }
0x116: {  	[spmem:s18] =	stream.linear.scatter [tilespmem:s31], [sflag:$0x4], $0x800, $0x38;
	[tilespmem:$0xF600] =	vst v63  }
0x117: {  	s11 =	sadd.s32 s12, s11;
	s12 =	simm.s32 $0x1;
	p1 =	por !p1, !p1  }
0x118: {  	s11 =	sshra.s32 s11, $0x4;
	_ =	swait.ge [sflag:s26], $0x800;
	s12 =	simm.s32 @!p1 $0x0  }
0x119: {  	[sflag:s26] =	ssyncset.done $0x0;
	s11 =	ssub.s32 s11, s12  }
0x11a: {  	[sflag:s26] =	ssyncadd.s32 $0xFFFFF800;
	s11 =	ssub.s32 s11, s8  }
0x11b: {  	[spmem:s24] =	stream.linear.scatter [tilespmem:s31], [sflag:$0x4], $0x800, $0x38;
	[tilespmem:$0xF600] =	vst v63  }
0x11c: {  	s8 =	sadd.s32 $0x1, s11  }
0x11d: {  	s20 =	sand.u32 $0x1, s8  }
0x11e: {  	s12 =	simm.s32 $0x1;
	p5 =	slt.s32 s11, $0x0;
	p6 =	seq.s32 s20, $0x1  }
0x11f: {  	_ =	swait.ge [sflag:s26], $0x800;
	s21 =	sshrl.u32 s8, $0x1F;
	p1 =	por !p5, !p6  }
0x120: {  	[sflag:s26] =	ssyncset.done $0x0;
	s8 =	sadd.s32 s21, s8;
	p1 =	por !p1, !p1  }
0x121: {  	[sflag:s26] =	ssyncadd.s32 $0xFFFFF800;
	s8 =	sshra.s32 s8, $0x1;
	s12 =	simm.s32 @!p1 $0x0  }
0x122: {  	[bflag:$0x0] =	sbarrier.arrive $0xFFFF;
	s12 =	ssub.s32 s8, s12  }
0x123: {  	_ =	swait.ge [sflag:s1], $0x280;
	p1 =	slt.s32 s12, $0x1  }
.Ltmp2:
0x124: {  	[sflag:s1] =	ssyncset.done $0x0;
	(pc) =	sbr.rel @p1 .LBB2_8-.Ltmp2, $4  }
0x125: {  	[sflag:s1] =	ssyncadd.s32 $0xFFFFFD80  }
0x126: {  	_ =	swait.ge [sflag:s1], $0x280  }
0x127: {  	[sflag:s1] =	ssyncset.done $0x0  }
0x128: {  	[sflag:s1] =	ssyncadd.s32 $0xFFFFFD80  }
.Ltmp3:
0x129: {  	(pc) =	sbr.rel .LBB2_3-.Ltmp3, $3  }
0x12a: {  	_ =	sdelay $0x1  }
0x12b: {  	s13 =	smov.u32 s19;
	s8 =	sadd.s32 s15, s14;
	s19 =	simm.s32 @!p0 $0x2710  }
0x12c: {  	s15 =	simm.s32 $0x1;
	s13 =	simm.s32 @p0 $0x0;
	s14 =	sadd.s32 $0x80, s8  }
.LBB2_7:
0x12d: {  	s12 =	sadd.s32 $0xFFFFFFFF, s12  }
0x12e: {  	p1 =	sne.s32 s12, $0x0  }
.Ltmp4:
0x12f: {  	_ = 	snop;
	(pc) =	sbr.rel @!p1 .LBB2_8-.Ltmp4, $2  }
0x130: {  	_ =	sdelay $0x2  }
0x131: {  	s14 =	sadd.s32 $0x100, s14;
	s15 =	sadd.s32 $0x2, s15  }
.LBB2_3:
0x132: {  	p1 =	slt.s32 s14, $0x2690;
	s16 =	smov.u32 s14;
	s17 =	sadd.s32 $0xFFFFFFFF, s15  }
0x133: {  	s16 =	simm.s32 @!p1 $0x2690;
	p1 =	sge.s32 s17, s11  }
.Ltmp5:
0x134: {  	_ = 	snop;
	(pc) =	sbr.rel @p1 .LBB2_5-.Ltmp5, $4  }
0x135: {  	_ =	swait.ge [sflag:s28], $0x4000  }
0x136: {  	[sflag:s28] =	ssyncset.done $0x0;
	s8 =	sshll.u32 s16, $0x4  }
0x137: {  	[sflag:s28] =	ssyncadd.s32 $0xFFFFC000;
	s8 =	sadd.s32 s0, s8  }
0x138: {  	[tilespmem:s2], [sflag:$0x2] =	stream.linear.gather [hbm4b:s8+s7], $0x4000, $0x38;
	[tilespmem:$0xF600] =	vst v63  }
0x139: {  	s17 =	sadd.s32 $0xFFFFFF80, s14  }
0x13a: {  	p1 =	slt.s32 s17, $0x2690;
	s21 =	smov.u32 s17  }
0x13b: {  	s21 =	simm.s32 @!p1 $0x2690  }
0x13c: {  	s20 =	ssub.s32 s21, s10  }
0x13d: {  	v4 =	vld [tilespmem:s20+$0x8280]  }
0x13e: {  	v5 =	vld [tilespmem:s20+$0x8000];
	_ =	sdelay $0x2  }
0x13f: {  	s8 =	smov.u32 s13  }
0x140: {  	p2 =	slt.s32 s14, s19;
	s18 =	smov.u32 s19;
	p1 =	sgt.s32 s17, s13;
	v4 =	vmul.u32 $0x64, v4  }
0x141: {  	s18 =	smov.u32 @p2 s14;
	s8 =	smov.u32 @p1 s17;
	v6 =	vadd.s32 s21, v3;
	v5 =	vadd.s32 v1, v5  }
0x142: {  	vm0 =	vge.s32 v6, s8;
	vm1 =	vlt.s32 v6, s18;
	v4 =	vadd.s32 v4, v5  }
0x143: {  	vm0 =	vmand vm0, vm1;
	vm6 =	vlt.u32 v4, $0xC80  }
0x144: {  	vm0 =	vmand vm0, vm6  }
0x145: {  	v4 =	vsel vm0, v4, v0  }
0x146: {  	[tilespmem:$0x8500] =	vst v4  }
0x147: {  	v4 =	vld [tilespmem:s20+$0x8290]  }
0x148: {  	v5 =	vld [tilespmem:s20+$0x8010];
	_ =	sdelay $0x3  }
0x149: {  	s17 =	sadd.s32 $0x10, s21;
	v4 =	vmul.u32 $0x64, v4  }
0x14a: {  	v57 =	vadd.s32 s17, v3;
	v5 =	vadd.s32 v1, v5  }
0x14b: {  	vm7 =	vge.s32 v57, s8;
	vm8 =	vlt.s32 v57, s18;
	v4 =	vadd.s32 v4, v5  }
0x14c: {  	vm0 =	vmand vm7, vm8;
	vm9 =	vlt.u32 v4, $0xC80  }
0x14d: {  	vm0 =	vmand vm0, vm9  }
0x14e: {  	v4 =	vsel vm0, v4, v0  }
0x14f: {  	[tilespmem:$0x8510] =	vst v4  }
0x150: {  	v4 =	vld [tilespmem:s20+$0x82A0]  }
0x151: {  	v5 =	vld [tilespmem:s20+$0x8020];
	_ =	sdelay $0x3  }
0x152: {  	s17 =	sadd.s32 $0x20, s21;
	v4 =	vmul.u32 $0x64, v4  }
0x153: {  	v58 =	vadd.s32 s17, v3;
	v5 =	vadd.s32 v1, v5  }
0x154: {  	vm10 =	vge.s32 v58, s8;
	vm11 =	vlt.s32 v58, s18;
	v4 =	vadd.s32 v4, v5  }
0x155: {  	vm0 =	vmand vm10, vm11;
	vm12 =	vlt.u32 v4, $0xC80  }
0x156: {  	vm0 =	vmand vm0, vm12  }
0x157: {  	v4 =	vsel vm0, v4, v0  }
0x158: {  	[tilespmem:$0x8520] =	vst v4  }
0x159: {  	v4 =	vld [tilespmem:s20+$0x82B0]  }
0x15a: {  	v5 =	vld [tilespmem:s20+$0x8030];
	_ =	sdelay $0x3  }
0x15b: {  	s17 =	sadd.s32 $0x30, s21;
	v4 =	vmul.u32 $0x64, v4  }
0x15c: {  	v59 =	vadd.s32 s17, v3;
	v5 =	vadd.s32 v1, v5  }
0x15d: {  	vm13 =	vge.s32 v59, s8;
	vm14 =	vlt.s32 v59, s18;
	v4 =	vadd.s32 v4, v5  }
0x15e: {  	vm0 =	vmand vm13, vm14;
	vm15 =	vlt.u32 v4, $0xC80  }
0x15f: {  	vm0 =	vmand vm0, vm15  }
0x160: {  	v4 =	vsel vm0, v4, v0  }
0x161: {  	[tilespmem:$0x8530] =	vst v4  }
0x162: {  	v4 =	vld [tilespmem:s20+$0x82C0]  }
0x163: {  	v5 =	vld [tilespmem:s20+$0x8040];
	_ =	sdelay $0x3  }
0x164: {  	s17 =	sadd.s32 $0x40, s21;
	v4 =	vmul.u32 $0x64, v4  }
0x165: {  	v60 =	vadd.s32 s17, v3;
	v5 =	vadd.s32 v1, v5  }
0x166: {  	vm4 =	vge.s32 v60, s8;
	vm5 =	vlt.s32 v60, s18;
	v4 =	vadd.s32 v4, v5  }
0x167: {  	vm0 =	vmand vm4, vm5;
	vm6 =	vlt.u32 v4, $0xC80  }
0x168: {  	vm0 =	vmand vm0, vm6  }
0x169: {  	v4 =	vsel vm0, v4, v0  }
0x16a: {  	[tilespmem:$0x8540] =	vst v4  }
0x16b: {  	v4 =	vld [tilespmem:s20+$0x82D0]  }
0x16c: {  	v5 =	vld [tilespmem:s20+$0x8050];
	_ =	sdelay $0x3  }
0x16d: {  	s17 =	sadd.s32 $0x50, s21;
	v4 =	vmul.u32 $0x64, v4  }
0x16e: {  	v61 =	vadd.s32 s17, v3;
	v5 =	vadd.s32 v1, v5  }
0x16f: {  	vm7 =	vge.s32 v61, s8;
	vm8 =	vlt.s32 v61, s18;
	v4 =	vadd.s32 v4, v5  }
0x170: {  	vm0 =	vmand vm7, vm8;
	vm9 =	vlt.u32 v4, $0xC80  }
0x171: {  	vm0 =	vmand vm0, vm9  }
0x172: {  	v4 =	vsel vm0, v4, v0  }
0x173: {  	[tilespmem:$0x8550] =	vst v4  }
0x174: {  	v4 =	vld [tilespmem:s20+$0x82E0]  }
0x175: {  	v5 =	vld [tilespmem:s20+$0x8060];
	_ =	sdelay $0x3  }
0x176: {  	s17 =	sadd.s32 $0x60, s21;
	v4 =	vmul.u32 $0x64, v4  }
0x177: {  	v62 =	vadd.s32 s17, v3;
	v5 =	vadd.s32 v1, v5  }
0x178: {  	vm10 =	vge.s32 v62, s8;
	vm11 =	vlt.s32 v62, s18;
	v4 =	vadd.s32 v4, v5  }
0x179: {  	vm0 =	vmand vm10, vm11;
	vm12 =	vlt.u32 v4, $0xC80  }
0x17a: {  	vm0 =	vmand vm0, vm12  }
0x17b: {  	v4 =	vsel vm0, v4, v0  }
0x17c: {  	[tilespmem:$0x8560] =	vst v4  }
0x17d: {  	v4 =	vld [tilespmem:s20+$0x82F0]  }
0x17e: {  	v5 =	vld [tilespmem:s20+$0x8070];
	_ =	sdelay $0x3  }
0x17f: {  	s21 =	sadd.s32 $0x70, s21;
	v4 =	vmul.u32 $0x64, v4  }
0x180: {  	v63 =	vadd.s32 s21, v3;
	v5 =	vadd.s32 v1, v5  }
0x181: {  	vm13 =	vge.s32 v63, s8;
	vm14 =	vlt.s32 v63, s18;
	v4 =	vadd.s32 v4, v5  }
0x182: {  	vm0 =	vmand vm13, vm14;
	vm15 =	vlt.u32 v4, $0xC80  }
0x183: {  	vm0 =	vmand vm0, vm15  }
0x184: {  	v4 =	vsel vm0, v4, v0  }
0x185: {  	[tilespmem:$0x8570] =	vst v4  }
0x186: {  	[spmem:s6] =	stream.indirect.scatter.add.f32 [tilespmem:s7], [sflag:$0x5], $0x80, s4, s3, $0xb8;
	[tilespmem:$0xF600] =	vst v63  }
0x187: {  	_ =	swait.ge [sflag:s25], $0x4000  }
0x188: {  	[sflag:s25] =	ssyncset.done $0x0  }
0x189: {  	[sflag:s25] =	ssyncadd.s32 $0xFFFFC000  }
.LBB2_5:
0x18a: {  	s20 =	sadd.s32 $0x80, s14  }
0x18b: {  	p1 =	slt.s32 s20, $0x2690;
	s8 =	smov.u32 s20  }
0x18c: {  	s8 =	simm.s32 @!p1 $0x2690;
	p1 =	sge.s32 s15, s11  }
.Ltmp6:
0x18d: {  	_ = 	snop;
	(pc) =	sbr.rel @p1 .LBB2_7-.Ltmp6, $4  }
0x18e: {  	_ =	swait.ge [sflag:s29], $0x4000  }
0x18f: {  	[sflag:s29] =	ssyncset.done $0x0;
	s8 =	sshll.u32 s8, $0x4  }
0x190: {  	[sflag:s29] =	ssyncadd.s32 $0xFFFFC000;
	s8 =	sadd.s32 s0, s8  }
0x191: {  	[tilespmem:s7], [sflag:$0x1] =	stream.linear.gather [hbm4b:s8+s7], $0x4000, $0x38;
	[tilespmem:$0xF600] =	vst v63  }
0x192: {  	s18 =	ssub.s32 s16, s10  }
0x193: {  	v4 =	vld [tilespmem:s18+$0x8280]  }
0x194: {  	v5 =	vld [tilespmem:s18+$0x8000];
	_ =	sdelay $0x2  }
0x195: {  	p1 =	sgt.s32 s14, s13  }
0x196: {  	s8 =	smov.u32 s13;
	p2 =	slt.s32 s20, s19;
	s17 =	smov.u32 s19;
	v4 =	vmul.u32 $0x64, v4  }
0x197: {  	v6 =	vadd.s32 s16, v3;
	s8 =	smov.u32 @p1 s14;
	s17 =	smov.u32 @p2 s20;
	v5 =	vadd.s32 v1, v5  }
0x198: {  	vm0 =	vge.s32 v6, s8;
	vm1 =	vlt.s32 v6, s17;
	v4 =	vadd.s32 v4, v5  }
0x199: {  	vm0 =	vmand vm0, vm1;
	vm6 =	vlt.u32 v4, $0xC80  }
0x19a: {  	vm0 =	vmand vm0, vm6  }
0x19b: {  	v4 =	vsel vm0, v4, v0  }
0x19c: {  	[tilespmem:$0x8500] =	vst v4  }
0x19d: {  	v4 =	vld [tilespmem:s18+$0x8290]  }
0x19e: {  	v5 =	vld [tilespmem:s18+$0x8010];
	_ =	sdelay $0x3  }
0x19f: {  	s21 =	sadd.s32 $0x10, s16;
	v4 =	vmul.u32 $0x64, v4  }
0x1a0: {  	v57 =	vadd.s32 s21, v3;
	v5 =	vadd.s32 v1, v5  }
0x1a1: {  	vm7 =	vge.s32 v57, s8;
	vm8 =	vlt.s32 v57, s17;
	v4 =	vadd.s32 v4, v5  }
0x1a2: {  	vm0 =	vmand vm7, vm8;
	vm9 =	vlt.u32 v4, $0xC80  }
0x1a3: {  	vm0 =	vmand vm0, vm9  }
0x1a4: {  	v4 =	vsel vm0, v4, v0  }
0x1a5: {  	[tilespmem:$0x8510] =	vst v4  }
0x1a6: {  	v4 =	vld [tilespmem:s18+$0x82A0]  }
0x1a7: {  	v5 =	vld [tilespmem:s18+$0x8020];
	_ =	sdelay $0x3  }
0x1a8: {  	s21 =	sadd.s32 $0x20, s16;
	v4 =	vmul.u32 $0x64, v4  }
0x1a9: {  	v58 =	vadd.s32 s21, v3;
	v5 =	vadd.s32 v1, v5  }
0x1aa: {  	vm10 =	vge.s32 v58, s8;
	vm11 =	vlt.s32 v58, s17;
	v4 =	vadd.s32 v4, v5  }
0x1ab: {  	vm0 =	vmand vm10, vm11;
	vm12 =	vlt.u32 v4, $0xC80  }
0x1ac: {  	vm0 =	vmand vm0, vm12  }
0x1ad: {  	v4 =	vsel vm0, v4, v0  }
0x1ae: {  	[tilespmem:$0x8520] =	vst v4  }
0x1af: {  	v4 =	vld [tilespmem:s18+$0x82B0]  }
0x1b0: {  	v5 =	vld [tilespmem:s18+$0x8030];
	_ =	sdelay $0x3  }
0x1b1: {  	s21 =	sadd.s32 $0x30, s16;
	v4 =	vmul.u32 $0x64, v4  }
0x1b2: {  	v59 =	vadd.s32 s21, v3;
	v5 =	vadd.s32 v1, v5  }
0x1b3: {  	vm13 =	vge.s32 v59, s8;
	vm14 =	vlt.s32 v59, s17;
	v4 =	vadd.s32 v4, v5  }
0x1b4: {  	vm0 =	vmand vm13, vm14;
	vm15 =	vlt.u32 v4, $0xC80  }
0x1b5: {  	vm0 =	vmand vm0, vm15  }
0x1b6: {  	v4 =	vsel vm0, v4, v0  }
0x1b7: {  	[tilespmem:$0x8530] =	vst v4  }
0x1b8: {  	v4 =	vld [tilespmem:s18+$0x82C0]  }
0x1b9: {  	v5 =	vld [tilespmem:s18+$0x8040];
	_ =	sdelay $0x3  }
0x1ba: {  	s21 =	sadd.s32 $0x40, s16;
	v4 =	vmul.u32 $0x64, v4  }
0x1bb: {  	v60 =	vadd.s32 s21, v3;
	v5 =	vadd.s32 v1, v5  }
0x1bc: {  	vm4 =	vge.s32 v60, s8;
	vm5 =	vlt.s32 v60, s17;
	v4 =	vadd.s32 v4, v5  }
0x1bd: {  	vm0 =	vmand vm4, vm5;
	vm6 =	vlt.u32 v4, $0xC80  }
0x1be: {  	vm0 =	vmand vm0, vm6  }
0x1bf: {  	v4 =	vsel vm0, v4, v0  }
0x1c0: {  	[tilespmem:$0x8540] =	vst v4  }
0x1c1: {  	v4 =	vld [tilespmem:s18+$0x82D0]  }
0x1c2: {  	v5 =	vld [tilespmem:s18+$0x8050];
	_ =	sdelay $0x3  }
0x1c3: {  	s21 =	sadd.s32 $0x50, s16;
	v4 =	vmul.u32 $0x64, v4  }
0x1c4: {  	v61 =	vadd.s32 s21, v3;
	v5 =	vadd.s32 v1, v5  }
0x1c5: {  	vm7 =	vge.s32 v61, s8;
	vm8 =	vlt.s32 v61, s17;
	v4 =	vadd.s32 v4, v5  }
0x1c6: {  	vm0 =	vmand vm7, vm8;
	vm9 =	vlt.u32 v4, $0xC80  }
0x1c7: {  	vm0 =	vmand vm0, vm9  }
0x1c8: {  	v4 =	vsel vm0, v4, v0  }
0x1c9: {  	[tilespmem:$0x8550] =	vst v4  }
0x1ca: {  	v4 =	vld [tilespmem:s18+$0x82E0]  }
0x1cb: {  	v5 =	vld [tilespmem:s18+$0x8060];
	_ =	sdelay $0x3  }
0x1cc: {  	s21 =	sadd.s32 $0x60, s16;
	v4 =	vmul.u32 $0x64, v4  }
0x1cd: {  	v62 =	vadd.s32 s21, v3;
	v5 =	vadd.s32 v1, v5  }
0x1ce: {  	vm10 =	vge.s32 v62, s8;
	vm11 =	vlt.s32 v62, s17;
	v4 =	vadd.s32 v4, v5  }
0x1cf: {  	vm0 =	vmand vm10, vm11;
	vm12 =	vlt.u32 v4, $0xC80  }
0x1d0: {  	vm0 =	vmand vm0, vm12  }
0x1d1: {  	v4 =	vsel vm0, v4, v0  }
0x1d2: {  	[tilespmem:$0x8560] =	vst v4  }
0x1d3: {  	v4 =	vld [tilespmem:s18+$0x82F0]  }
0x1d4: {  	v5 =	vld [tilespmem:s18+$0x8070];
	_ =	sdelay $0x3  }
0x1d5: {  	s21 =	sadd.s32 $0x70, s16;
	v4 =	vmul.u32 $0x64, v4  }
0x1d6: {  	v63 =	vadd.s32 s21, v3;
	v5 =	vadd.s32 v1, v5  }
0x1d7: {  	vm13 =	vge.s32 v63, s8;
	vm14 =	vlt.s32 v63, s17;
	v4 =	vadd.s32 v4, v5  }
0x1d8: {  	vm0 =	vmand vm13, vm14;
	vm15 =	vlt.u32 v4, $0xC80  }
0x1d9: {  	vm0 =	vmand vm0, vm15  }
0x1da: {  	v4 =	vsel vm0, v4, v0  }
.Ltmp7:
0x1db: {  	[tilespmem:$0x8570] =	vst v4;
	(pc) =	sbr.rel .LBB2_7-.Ltmp7, $4  }
0x1dc: {  	[spmem:s6] =	stream.indirect.scatter.add.f32 [tilespmem:s2], [sflag:$0x4], $0x80, s4, s3, $0xb8;
	[tilespmem:$0xF600] =	vst v63  }
0x1dd: {  	_ =	swait.ge [sflag:s26], $0x4000  }
0x1de: {  	[sflag:s26] =	ssyncset.done $0x0  }
0x1df: {  	[sflag:s26] =	ssyncadd.s32 $0xFFFFC000  }
.LBB2_9:
0x1e0: {  	_ =	sfence.sel $0x180000  }
0x1e1: {  	[bflag:$0x0] =	sbarrier.arrive $0xFFFF  }
0x1e2: {  	_ =	strace $0x90000047  }
0x1e3: {  	[bflag:$0x2] =	sbarrier.arrive $0xFFFF  }
0x1e4: {  	p0 =	sne.s32 s5, $0x0;
	s0 =	rddreg [dreg:$0x6]  }
0x1e5: {  	s0 =	sadd.s32 @!p0 $0x100000, s0  }
0x1e6: {  	[sflag:s0] =	ssyncadd.tile.s32 @!p0 $0x1;
	_ =	shalt  }
.Lfunc_end2:
_tile_overlayer_lowered:
.L_overlay_start_2:
0x1e7: {  	(tag) =	ssettag $0x2  }
0x1e8: {  	s0 =	rddreg [dreg:$0x0];
	s2 =	stileid.u32  }
0x1e9: {  	s1 =	rddreg [dreg:$0x1];
	p0 =	sne.s32 s2, $0x0  }
0x1ea: {  	s3 =	rddreg [dreg:$0x2];
	[bflag:$0x3] =	sbarrier.arrive $0xFFFF;
	s2 =	simm.s32 @!p0 $0x1C04  }
0x1eb: {  	[timem:s3], [sflag:s2] =	dma.local @!p0 [hbm:s0], s1  }
0x1ec: {  	s0 =	simm.s32 @!p0 $0x4  }
0x1ed: {  	_ =	swait.ge @!p0 [sflag:s0], s1  }
0x1ee: {  	s1 =	ssub.s32 @!p0 $0x0, s1;
	[sflag:s0] =	ssyncset.done @!p0 $0x0  }
0x1ef: {  	[sflag:s0] =	ssyncadd.s32 @!p0 s1  }
0x1f0: {  	[bflag:$0x3] =	sbarrier.arrive $0xFFFF  }
0x1f1: {  	_ =	shalt  }

</sc_bundles>
